<compile_context>
chip_gen: v7x
topology: tpu7x:2x2x1
jax: 0.10.2.dev20260603
libtpu: 0.0.44.dev20260713+nightly
codegen_flags: <defaults>
</compile_context>

<pallas_src>
import jax
import jax.numpy as jnp
from jax import lax
from jax.experimental import pallas as pl
from jax.experimental.pallas import tpu as pltpu
from jax.experimental.pallas import tpu_sc as plsc
import functools

N = 320000
D = 128
NSEG = 10000

NC = 2
NS = 16
CHUNK = 320
NCH = N // CHUNK
NBUF = 2
SEG_SPLIT = 5056
HALF0 = SEG_SPLIT
HALF1 = NSEG - SEG_SPLIT
ACC_ROWS = 5064
ZROWS = 56


def _sc_segment_sum(rows, ids, ids2, split):
    mesh = plsc.VectorSubcoreMesh(core_axis_name="c", subcore_axis_name="s")

    @functools.partial(
        pl.kernel,
        out_type=jax.ShapeDtypeStruct((NSEG, D), jnp.float32),
        mesh=mesh,
        scratch_types=(
            [pltpu.VMEM((CHUNK, D), jnp.float32)] * NBUF
            + [pltpu.VMEM((CHUNK,), jnp.int32)] * NBUF
            + [pltpu.VMEM((ZROWS, D), jnp.float32),
               pltpu.VMEM((16,), jnp.int32),
               pltpu.VMEM_SHARED((ACC_ROWS, D), jnp.float32)]
            + [pltpu.SemaphoreType.DMA] * (2 * NBUF + 1)
        ),
    )
    def body(rows_hbm, ids_hbm, ids2_hbm, split_hbm, out_hbm, *refs):
        rows_v = refs[0:NBUF]
        idx_v = refs[NBUF:2 * NBUF]
        zbuf, split_v, acc = refs[2 * NBUF:2 * NBUF + 3]
        sems = refs[2 * NBUF + 3:]
        rsem = sems[0:NBUF]
        isem = sems[NBUF:2 * NBUF]
        zsem = sems[2 * NBUF]
        cid = lax.axis_index("c")
        sid = lax.axis_index("s")

        pltpu.sync_copy(split_hbm, split_v)
        r1 = split_v[...][0]
        ca = (r1 + CHUNK - 1) // CHUNK
        cb = r1 // CHUNK
        first = jnp.where(cid == 0, 0, cb)
        limit = jnp.where(cid == 0, ca, NCH - cb)
        nsteps = jnp.maximum(0, (limit - sid + NS - 1) // NS)

        half_lo = jnp.where(cid == 0, 0, SEG_SPLIT)

        def chunk_of(k):
            return first + sid + NS * k

        def start(k, b):
            off = pl.multiple_of(chunk_of(k) * CHUNK, CHUNK)

            @pl.when(cid == 0)
            def _():
                pltpu.async_copy(ids_hbm.at[pl.ds(off, CHUNK)], idx_v[b], isem[b])

            @pl.when(cid == 1)
            def _():
                pltpu.async_copy(ids2_hbm.at[pl.ds(off, CHUNK)], idx_v[b], isem[b])

            pltpu.async_copy(rows_hbm.at[pl.ds(off, CHUNK)], rows_v[b], rsem[b])

        def wait(b):
            pltpu.make_async_copy(ids_hbm.at[pl.ds(0, CHUNK)], idx_v[b], isem[b]).wait()
            pltpu.make_async_copy(rows_hbm.at[pl.ds(0, CHUNK)], rows_v[b], rsem[b]).wait()

        def localize(b, k):
            @pl.when(chunk_of(k) == cb)
            def _():
                @pl.when(cid == 0)
                def _():
                    garb = jnp.full((16,), HALF0, jnp.int32)
                    for j in range(CHUNK // 16):
                        v = idx_v[b][pl.ds(j * 16, 16)]
                        idx_v[b][pl.ds(j * 16, 16)] = jnp.minimum(v, garb)

                @pl.when(cid == 1)
                def _():
                    garb = jnp.full((16,), HALF1, jnp.int32)
                    zero = jnp.zeros((16,), jnp.int32)
                    for j in range(CHUNK // 16):
                        v = idx_v[b][pl.ds(j * 16, 16)]
                        idx_v[b][pl.ds(j * 16, 16)] = jnp.where(v < zero, garb, v)

        def scatter(b):
            pltpu.sync_copy(rows_v[b], acc.at[idx_v[b]], add=True)

        @pl.when(nsteps > 0)
        def _():
            start(0, 0)

        zvec = jnp.zeros((16,), jnp.float32)

        def zrow(r, carry):
            for c in range(8):
                zbuf[r, pl.ds(c * 16, 16)] = zvec
            return carry

        lax.fori_loop(0, ZROWS, zrow, 0)

        zstart = sid * 320
        zlen = jnp.clip(ACC_ROWS - zstart, 0, 320)
        nz = zlen // ZROWS

        def zcopy(i, carry):
            dst = pl.multiple_of(zstart + i * ZROWS, 8)
            pltpu.async_copy(zbuf, acc.at[pl.ds(dst, ZROWS)], zsem)
            return carry

        lax.fori_loop(0, nz, zcopy, 0)
        zdst = pl.multiple_of(zstart + nz * ZROWS, 8)
        pltpu.async_copy(zbuf.at[pl.ds(0, 40)], acc.at[pl.ds(zdst, 40)], zsem)

        def zdrain(i, carry):
            pltpu.make_async_copy(zbuf, acc.at[pl.ds(0, ZROWS)], zsem).wait()
            return carry

        lax.fori_loop(0, nz, zdrain, 0)
        pltpu.make_async_copy(zbuf.at[pl.ds(0, 40)],
                              acc.at[pl.ds(0, 40)], zsem).wait()

        plsc.subcore_barrier()

        def pair(p, carry):
            start(2 * p + 1, 1)
            wait(0)
            localize(0, 2 * p)
            scatter(0)

            @pl.when(2 * p + 2 < nsteps)
            def _():
                start(2 * p + 2, 0)

            wait(1)
            localize(1, 2 * p + 1)
            scatter(1)
            return carry

        lax.fori_loop(0, nsteps // 2, pair, 0)

        @pl.when(lax.rem(nsteps, 2) == 1)
        def _():
            wait(0)
            localize(0, nsteps - 1)
            scatter(0)

        plsc.subcore_barrier()

        obase = pl.multiple_of(sid * 320, 8)

        @pl.when(sid < NS - 1)
        def _():
            pltpu.sync_copy(acc.at[pl.ds(obase, 320)],
                            out_hbm.at[pl.ds(pl.multiple_of(half_lo + obase, 8), 320)])

        @pl.when((sid == NS - 1) & (cid == 0))
        def _():
            pltpu.sync_copy(acc.at[pl.ds(4800, 256)],
                            out_hbm.at[pl.ds(4800, 256)])

        @pl.when((sid == NS - 1) & (cid == 1))
        def _():
            pltpu.sync_copy(acc.at[pl.ds(4800, 144)],
                            out_hbm.at[pl.ds(SEG_SPLIT + 4800, 144)])

    return body(rows, ids, ids2, split)


def kernel(output, batch):
    ids = batch.astype(jnp.int32)
    ids2 = ids - SEG_SPLIT
    r1 = jnp.sum((ids < SEG_SPLIT).astype(jnp.int32)).astype(jnp.int32)
    split = jnp.broadcast_to(r1, (16,))
    return _sc_segment_sum(output, ids, ids2, split).reshape(-1)

# --- scband reference (transcript-rebuilt; emitter-appended) ---
"""Pipeline reference for scband-sum-aggregator-8821862826157 (READ-ONLY COPY).

The authoritative reference and input builder live on the scoring server;
editing this copy changes nothing except your own understanding.
"""

import jax, jax.numpy as jnp
import numpy as np

N = 320000
D = 128
NUM_SEGMENTS = 10000

def setup_inputs(seed: int = 0) -> dict:
    key = jax.random.key(seed)
    k1, k2 = jax.random.split(key)
    output = jax.random.normal(k1, (N, D), dtype=jnp.float32)
    batch = jnp.sort(jax.random.randint(k2, (N,), 0, NUM_SEGMENTS, dtype=jnp.int64))
    return {"output": output, "batch": batch}

def reference(output, batch):
    # scatter(output, batch, dim=0, reduce='sum').reshape(-1)
    summed = jax.ops.segment_sum(output, batch, num_segments=NUM_SEGMENTS)
    return summed.reshape(-1)

if __name__ == "__main__":
    import jax
    _d = setup_inputs()
    print(jax.jit(kernel)(*tuple(_d.values())))

</pallas_src>

<mosaic_0001>
#map = affine_map<(d0, d1) -> (0, 0)>
#map1 = affine_map<(d0, d1) -> (0)>
module attributes {stable_mosaic.version = 14 : i64} {
  func.func @body(%arg0: i32, %arg1: i32, %arg2: memref<320000x128xf32, #tpu.memory_space<hbm>>, %arg3: memref<320000xi32, #tpu.memory_space<hbm>>, %arg4: memref<320000xi32, #tpu.memory_space<hbm>>, %arg5: memref<16xi32, #tpu.memory_space<hbm>>, %arg6: memref<10000x128xf32, #tpu.memory_space<hbm>>, %arg7: memref<320x128xf32, #tpu.memory_space<vmem>>, %arg8: memref<320x128xf32, #tpu.memory_space<vmem>>, %arg9: memref<320xi32, #tpu.memory_space<vmem>>, %arg10: memref<320xi32, #tpu.memory_space<vmem>>, %arg11: memref<56x128xf32, #tpu.memory_space<vmem>>, %arg12: memref<16xi32, #tpu.memory_space<vmem>>, %arg13: memref<5064x128xf32, #tpu.memory_space<vmem_shared>>, %arg14: memref<!tpu.dma_semaphore, #tpu.memory_space<semaphore_mem>>, %arg15: memref<!tpu.dma_semaphore, #tpu.memory_space<semaphore_mem>>, %arg16: memref<!tpu.dma_semaphore, #tpu.memory_space<semaphore_mem>>, %arg17: memref<!tpu.dma_semaphore, #tpu.memory_space<semaphore_mem>>, %arg18: memref<!tpu.dma_semaphore, #tpu.memory_space<semaphore_mem>>) attributes {dimension_semantics = [#tpu.dimension_semantics<core_parallel>, #tpu.dimension_semantics<subcore_parallel>], iteration_bounds = array<i64: 2, 16>, scalar_prefetch = 0 : i64, scratch_operands = 12 : i64, tpu.core_type = #tpu.core_type<sc_vector_subcore>, window_params = [{transform_indices = #map}, {transform_indices = #map1}, {transform_indices = #map1}, {transform_indices = #map1}, {transform_indices = #map}]} {
    "tpu.region"() ({
      %run_scoped3A = tpu.sem_alloc : memref<!tpu.dma_semaphore, #tpu.memory_space<semaphore_mem>>
      tpu.enqueue_dma source(%arg5 : memref<16xi32, #tpu.memory_space<hbm>>) target(%arg12 : memref<16xi32, #tpu.memory_space<vmem>>) target_semaphore(%run_scoped3A : memref<!tpu.dma_semaphore, #tpu.memory_space<semaphore_mem>>)
      tpu.wait_dma2 semaphore(%run_scoped3A : memref<!tpu.dma_semaphore, #tpu.memory_space<semaphore_mem>>) src(%arg5 : memref<16xi32, #tpu.memory_space<hbm>>) dst(%arg12 : memref<16xi32, #tpu.memory_space<vmem>>)
      tpu.yield
    }) : () -> ()
    %get3A = arith.constant 0 : index
    %get3A_0 = tpu.vector_load %arg12[%get3A] {strides = array<i32>} : memref<16xi32, #tpu.memory_space<vmem>>, vector<16xi32>,
    %get3A_1 = vector.shape_cast %get3A_0 : vector<16xi32> to vector<16xi32>
    %slice3A = vector.extract_strided_slice %get3A_1 {offsets = [0], sizes = [1], strides = [1]} : vector<16xi32> to vector<1xi32>
    %squeeze3A = vector.extract %slice3A[0] : i32 from vector<1xi32>
    %add3A = arith.constant 320 : i32
    %add3A_2 = arith.addi %squeeze3A, %add3A : i32
    %sub3A = arith.constant 1 : i32
    %sub3A_3 = arith.subi %add3A_2, %sub3A : i32
    %jit3A = arith.constant 320 : i32
    %div3A = arith.divsi %sub3A_3, %jit3A : i32
    %sign3A = arith.constant 0 : i32
    %sign3A_4 = arith.cmpi sgt, %sub3A_3, %sign3A : i32
    %sign3A_5 = arith.extui %sign3A_4 : i1 to i32
    %sign3A_6 = arith.constant 0 : i32
    %sign3A_7 = arith.cmpi slt, %sub3A_3, %sign3A_6 : i32
    %sign3A_8 = arith.extui %sign3A_7 : i1 to i32
    %sign3A_9 = arith.subi %sign3A_5, %sign3A_8 : i32
    %sign3A_10 = arith.constant 0 : i32
    %sign3A_11 = arith.cmpi sgt, %jit3A, %sign3A_10 : i32
    %sign3A_12 = arith.extui %sign3A_11 : i1 to i32
    %sign3A_13 = arith.constant 0 : i32
    %sign3A_14 = arith.cmpi slt, %jit3A, %sign3A_13 : i32
    %sign3A_15 = arith.extui %sign3A_14 : i1 to i32
    %sign3A_16 = arith.subi %sign3A_12, %sign3A_15 : i32
    %ne3A = arith.cmpi ne, %sign3A_9, %sign3A_16 : i32
    %rem3A = arith.remsi %sub3A_3, %jit3A : i32
    %ne3A_17 = arith.constant 0 : i32
    %ne3A_18 = arith.cmpi ne, %rem3A, %ne3A_17 : i32
    %and3A = arith.andi %ne3A, %ne3A_18 : i1
    %sub3A_19 = arith.constant 1 : i32
    %sub3A_20 = arith.subi %div3A, %sub3A_19 : i32
    %select_n3A = arith.select %and3A, %sub3A_20, %div3A : i32
    %jit3A_21 = arith.constant 320 : i32
    %div3A_22 = arith.divsi %squeeze3A, %jit3A_21 : i32
    %sign3A_23 = arith.constant 0 : i32
    %sign3A_24 = arith.cmpi sgt, %squeeze3A, %sign3A_23 : i32
    %sign3A_25 = arith.extui %sign3A_24 : i1 to i32
    %sign3A_26 = arith.constant 0 : i32
    %sign3A_27 = arith.cmpi slt, %squeeze3A, %sign3A_26 : i32
    %sign3A_28 = arith.extui %sign3A_27 : i1 to i32
    %sign3A_29 = arith.subi %sign3A_25, %sign3A_28 : i32
    %sign3A_30 = arith.constant 0 : i32
    %sign3A_31 = arith.cmpi sgt, %jit3A_21, %sign3A_30 : i32
    %sign3A_32 = arith.extui %sign3A_31 : i1 to i32
    %sign3A_33 = arith.constant 0 : i32
    %sign3A_34 = arith.cmpi slt, %jit3A_21, %sign3A_33 : i32
    %sign3A_35 = arith.extui %sign3A_34 : i1 to i32
    %sign3A_36 = arith.subi %sign3A_32, %sign3A_35 : i32
    %ne3A_37 = arith.cmpi ne, %sign3A_29, %sign3A_36 : i32
    %rem3A_38 = arith.remsi %squeeze3A, %jit3A_21 : i32
    %ne3A_39 = arith.constant 0 : i32
    %ne3A_40 = arith.cmpi ne, %rem3A_38, %ne3A_39 : i32
    %and3A_41 = arith.andi %ne3A_37, %ne3A_40 : i1
    %sub3A_42 = arith.constant 1 : i32
    %sub3A_43 = arith.subi %div3A_22, %sub3A_42 : i32
    %select_n3A_44 = arith.select %and3A_41, %sub3A_43, %div3A_22 : i32
    %eq3A = arith.constant 0 : i32
    %eq3A_45 = arith.cmpi eq, %arg0, %eq3A : i32
    %jit3A_46 = arith.constant 0 : i32
    %select_n3A_47 = arith.select %eq3A_45, %jit3A_46, %select_n3A_44 : i32
    %eq3A_48 = arith.constant 0 : i32
    %eq3A_49 = arith.cmpi eq, %arg0, %eq3A_48 : i32
    %sub3A_50 = arith.constant 1000 : i32
    %sub3A_51 = arith.subi %sub3A_50, %select_n3A_44 : i32
    %select_n3A_52 = arith.select %eq3A_49, %select_n3A, %sub3A_51 : i32
    %sub3A_53 = arith.subi %select_n3A_52, %arg1 : i32
    %add3A_54 = arith.constant 16 : i32
    %add3A_55 = arith.addi %sub3A_53, %add3A_54 : i32
    %sub3A_56 = arith.constant 1 : i32
    %sub3A_57 = arith.subi %add3A_55, %sub3A_56 : i32
    %jit3A_58 = arith.constant 16 : i32
    %div3A_59 = arith.divsi %sub3A_57, %jit3A_58 : i32
    %sign3A_60 = arith.constant 0 : i32
    %sign3A_61 = arith.cmpi sgt, %sub3A_57, %sign3A_60 : i32
    %sign3A_62 = arith.extui %sign3A_61 : i1 to i32
    %sign3A_63 = arith.constant 0 : i32
    %sign3A_64 = arith.cmpi slt, %sub3A_57, %sign3A_63 : i32
    %sign3A_65 = arith.extui %sign3A_64 : i1 to i32
    %sign3A_66 = arith.subi %sign3A_62, %sign3A_65 : i32
    %sign3A_67 = arith.constant 0 : i32
    %sign3A_68 = arith.cmpi sgt, %jit3A_58, %sign3A_67 : i32
    %sign3A_69 = arith.extui %sign3A_68 : i1 to i32
    %sign3A_70 = arith.constant 0 : i32
    %sign3A_71 = arith.cmpi slt, %jit3A_58, %sign3A_70 : i32
    %sign3A_72 = arith.extui %sign3A_71 : i1 to i32
    %sign3A_73 = arith.subi %sign3A_69, %sign3A_72 : i32
    %ne3A_74 = arith.cmpi ne, %sign3A_66, %sign3A_73 : i32
    %rem3A_75 = arith.remsi %sub3A_57, %jit3A_58 : i32
    %ne3A_76 = arith.constant 0 : i32
    %ne3A_77 = arith.cmpi ne, %rem3A_75, %ne3A_76 : i32
    %and3A_78 = arith.andi %ne3A_74, %ne3A_77 : i1
    %sub3A_79 = arith.constant 1 : i32
    %sub3A_80 = arith.subi %div3A_59, %sub3A_79 : i32
    %select_n3A_81 = arith.select %and3A_78, %sub3A_80, %div3A_59 : i32
    %max3A = arith.constant 0 : i32
    %max3A_82 = arith.maxsi %max3A, %select_n3A_81 : i32
    %eq3A_83 = arith.constant 0 : i32
    %eq3A_84 = arith.cmpi eq, %arg0, %eq3A_83 : i32
    %jit3A_85 = arith.constant 0 : i32
    %jit3A_86 = arith.constant 5056 : i32
    %select_n3A_87 = arith.select %eq3A_84, %jit3A_85, %jit3A_86 : i32
    %gt3A = arith.constant 0 : i32
    %gt3A_88 = arith.cmpi sgt, %max3A_82, %gt3A : i32
    %convert_element_type3A = arith.extui %gt3A_88 : i1 to i32
    %cond3A = arith.constant 0 : i32
    %cond3A_89 = arith.cmpi ne, %convert_element_type3A, %cond3A : i32
    scf.if %cond3A_89 {
      %add3A_233 = arith.addi %select_n3A_47, %arg1 : i32
      %add3A_234 = arith.constant 0 : i32
      %add3A_235 = arith.addi %add3A_233, %add3A_234 : i32
      %mul3A_236 = arith.constant 320 : i32
      %mul3A_237 = arith.muli %add3A_235, %mul3A_236 : i32
      %multiple_of3A_238 = tpu.assume_multiple %mul3A_237, 320 : i32
      %eq3A_239 = arith.constant 0 : i32
      %eq3A_240 = arith.cmpi eq, %arg0, %eq3A_239 : i32
      %convert_element_type3A_241 = arith.extui %eq3A_240 : i1 to i32
      %cond3A_242 = arith.constant 0 : i32
      %cond3A_243 = arith.cmpi ne, %convert_element_type3A_241, %cond3A_242 : i32
      scf.if %cond3A_243 {
        %dma_start3A_253 = tpu.memref_slice %arg3[%multiple_of3A_238] : memref<320000xi32, #tpu.memory_space<hbm>> -> memref<320xi32, #tpu.memory_space<hbm>>
        %dma_start3A_254 = tpu.memref_slice %arg3[%multiple_of3A_238] : memref<320000xi32, #tpu.memory_space<hbm>> -> memref<320xi32, #tpu.memory_space<hbm>>
        tpu.enqueue_dma source(%dma_start3A_254 : memref<320xi32, #tpu.memory_space<hbm>>) target(%arg9 : memref<320xi32, #tpu.memory_space<vmem>>) target_semaphore(%arg16 : memref<!tpu.dma_semaphore, #tpu.memory_space<semaphore_mem>>)
      } else {
      }
      %eq3A_244 = arith.constant 1 : i32
      %eq3A_245 = arith.cmpi eq, %arg0, %eq3A_244 : i32
      %convert_element_type3A_246 = arith.extui %eq3A_245 : i1 to i32
      %cond3A_247 = arith.constant 0 : i32
      %cond3A_248 = arith.cmpi ne, %convert_element_type3A_246, %cond3A_247 : i32
      scf.if %cond3A_248 {
        %dma_start3A_253 = tpu.memref_slice %arg4[%multiple_of3A_238] : memref<320000xi32, #tpu.memory_space<hbm>> -> memref<320xi32, #tpu.memory_space<hbm>>
        %dma_start3A_254 = tpu.memref_slice %arg4[%multiple_of3A_238] : memref<320000xi32, #tpu.memory_space<hbm>> -> memref<320xi32, #tpu.memory_space<hbm>>
        tpu.enqueue_dma source(%dma_start3A_254 : memref<320xi32, #tpu.memory_space<hbm>>) target(%arg9 : memref<320xi32, #tpu.memory_space<vmem>>) target_semaphore(%arg16 : memref<!tpu.dma_semaphore, #tpu.memory_space<semaphore_mem>>)
      } else {
      }
      %dma_start3A_249 = arith.constant 0 : i32
      %dma_start3A_250 = tpu.memref_slice %arg2[%multiple_of3A_238, %dma_start3A_249] : memref<320000x128xf32, #tpu.memory_space<hbm>> -> memref<320x128xf32, #tpu.memory_space<hbm>>
      %dma_start3A_251 = arith.constant 0 : i32
      %dma_start3A_252 = tpu.memref_slice %arg2[%multiple_of3A_238, %dma_start3A_251] : memref<320000x128xf32, #tpu.memory_space<hbm>> -> memref<320x128xf32, #tpu.memory_space<hbm>>
      tpu.enqueue_dma source(%dma_start3A_252 : memref<320x128xf32, #tpu.memory_space<hbm>>) target(%arg7 : memref<320x128xf32, #tpu.memory_space<vmem>>) target_semaphore(%arg14 : memref<!tpu.dma_semaphore, #tpu.memory_space<semaphore_mem>>)
    } else {
    }
    %broadcast_in_dim3A = arith.constant 0.000000e+00 : f32
    %broadcast_in_dim3A_90 = vector.broadcast %broadcast_in_dim3A : f32 to vector<16xf32>
    %scan3A = arith.constant 0 : i32
    %scan3A_91 = arith.constant 0 : i32
    %scan3A_92 = arith.constant 56 : i32
    %scan3A_93 = arith.addi %scan3A_91, %scan3A_92 : i32
    %scan3A_94 = arith.constant 1 : i32
    scf.for %scan3A_233 = %scan3A_91 to %scan3A_93 step %scan3A_94  : i32 {
      %swap3A = arith.index_cast %scan3A_233 : i32 to index
      %swap3A_234 = arith.constant 0 : index
      %swap3A_235 = tpu.vector_load %arg11[%swap3A, %swap3A_234] {strides = array<i32>} : memref<56x128xf32, #tpu.memory_space<vmem>>, vector<1x16xf32>,
      %swap3A_236 = vector.shape_cast %swap3A_235 : vector<1x16xf32> to vector<16xf32>
      %swap3A_237 = vector.shape_cast %broadcast_in_dim3A_90 : vector<16xf32> to vector<1x16xf32>
      tpu.vector_store %arg11[%swap3A, %swap3A_234], %swap3A_237 {strides = array<i32>} : memref<56x128xf32, #tpu.memory_space<vmem>>, vector<1x16xf32>,
      %swap3A_238 = arith.index_cast %scan3A_233 : i32 to index
      %swap3A_239 = arith.constant 16 : index
      %swap3A_240 = tpu.vector_load %arg11[%swap3A_238, %swap3A_239] {strides = array<i32>} : memref<56x128xf32, #tpu.memory_space<vmem>>, vector<1x16xf32>,
      %swap3A_241 = vector.shape_cast %swap3A_240 : vector<1x16xf32> to vector<16xf32>
      %swap3A_242 = vector.shape_cast %broadcast_in_dim3A_90 : vector<16xf32> to vector<1x16xf32>
      tpu.vector_store %arg11[%swap3A_238, %swap3A_239], %swap3A_242 {strides = array<i32>} : memref<56x128xf32, #tpu.memory_space<vmem>>, vector<1x16xf32>,
      %swap3A_243 = arith.index_cast %scan3A_233 : i32 to index
      %swap3A_244 = arith.constant 32 : index
      %swap3A_245 = tpu.vector_load %arg11[%swap3A_243, %swap3A_244] {strides = array<i32>} : memref<56x128xf32, #tpu.memory_space<vmem>>, vector<1x16xf32>,
      %swap3A_246 = vector.shape_cast %swap3A_245 : vector<1x16xf32> to vector<16xf32>
      %swap3A_247 = vector.shape_cast %broadcast_in_dim3A_90 : vector<16xf32> to vector<1x16xf32>
      tpu.vector_store %arg11[%swap3A_243, %swap3A_244], %swap3A_247 {strides = array<i32>} : memref<56x128xf32, #tpu.memory_space<vmem>>, vector<1x16xf32>,
      %swap3A_248 = arith.index_cast %scan3A_233 : i32 to index
      %swap3A_249 = arith.constant 48 : index
      %swap3A_250 = tpu.vector_load %arg11[%swap3A_248, %swap3A_249] {strides = array<i32>} : memref<56x128xf32, #tpu.memory_space<vmem>>, vector<1x16xf32>,
      %swap3A_251 = vector.shape_cast %swap3A_250 : vector<1x16xf32> to vector<16xf32>
      %swap3A_252 = vector.shape_cast %broadcast_in_dim3A_90 : vector<16xf32> to vector<1x16xf32>
      tpu.vector_store %arg11[%swap3A_248, %swap3A_249], %swap3A_252 {strides = array<i32>} : memref<56x128xf32, #tpu.memory_space<vmem>>, vector<1x16xf32>,
      %swap3A_253 = arith.index_cast %scan3A_233 : i32 to index
      %swap3A_254 = arith.constant 64 : index
      %swap3A_255 = tpu.vector_load %arg11[%swap3A_253, %swap3A_254] {strides = array<i32>} : memref<56x128xf32, #tpu.memory_space<vmem>>, vector<1x16xf32>,
      %swap3A_256 = vector.shape_cast %swap3A_255 : vector<1x16xf32> to vector<16xf32>
      %swap3A_257 = vector.shape_cast %broadcast_in_dim3A_90 : vector<16xf32> to vector<1x16xf32>
      tpu.vector_store %arg11[%swap3A_253, %swap3A_254], %swap3A_257 {strides = array<i32>} : memref<56x128xf32, #tpu.memory_space<vmem>>, vector<1x16xf32>,
      %swap3A_258 = arith.index_cast %scan3A_233 : i32 to index
      %swap3A_259 = arith.constant 80 : index
      %swap3A_260 = tpu.vector_load %arg11[%swap3A_258, %swap3A_259] {strides = array<i32>} : memref<56x128xf32, #tpu.memory_space<vmem>>, vector<1x16xf32>,
      %swap3A_261 = vector.shape_cast %swap3A_260 : vector<1x16xf32> to vector<16xf32>
      %swap3A_262 = vector.shape_cast %broadcast_in_dim3A_90 : vector<16xf32> to vector<1x16xf32>
      tpu.vector_store %arg11[%swap3A_258, %swap3A_259], %swap3A_262 {strides = array<i32>} : memref<56x128xf32, #tpu.memory_space<vmem>>, vector<1x16xf32>,
      %swap3A_263 = arith.index_cast %scan3A_233 : i32 to index
      %swap3A_264 = arith.constant 96 : index
      %swap3A_265 = tpu.vector_load %arg11[%swap3A_263, %swap3A_264] {strides = array<i32>} : memref<56x128xf32, #tpu.memory_space<vmem>>, vector<1x16xf32>,
      %swap3A_266 = vector.shape_cast %swap3A_265 : vector<1x16xf32> to vector<16xf32>
      %swap3A_267 = vector.shape_cast %broadcast_in_dim3A_90 : vector<16xf32> to vector<1x16xf32>
      tpu.vector_store %arg11[%swap3A_263, %swap3A_264], %swap3A_267 {strides = array<i32>} : memref<56x128xf32, #tpu.memory_space<vmem>>, vector<1x16xf32>,
      %swap3A_268 = arith.index_cast %scan3A_233 : i32 to index
      %swap3A_269 = arith.constant 112 : index
      %swap3A_270 = tpu.vector_load %arg11[%swap3A_268, %swap3A_269] {strides = array<i32>} : memref<56x128xf32, #tpu.memory_space<vmem>>, vector<1x16xf32>,
      %swap3A_271 = vector.shape_cast %swap3A_270 : vector<1x16xf32> to vector<16xf32>
      %swap3A_272 = vector.shape_cast %broadcast_in_dim3A_90 : vector<16xf32> to vector<1x16xf32>
      tpu.vector_store %arg11[%swap3A_268, %swap3A_269], %swap3A_272 {strides = array<i32>} : memref<56x128xf32, #tpu.memory_space<vmem>>, vector<1x16xf32>,
    }
    %scan3A_95 = arith.constant 56 : i32
    %mul3A = arith.constant 320 : i32
    %mul3A_96 = arith.muli %arg1, %mul3A : i32
    %sub3A_97 = arith.constant 5064 : i32
    %sub3A_98 = arith.subi %sub3A_97, %mul3A_96 : i32
    %jit3A_99 = arith.constant 0 : i32
    %jit3A_100 = arith.constant 320 : i32
    %max3A_101 = arith.maxsi %jit3A_99, %sub3A_98 : i32
    %min3A = arith.minsi %jit3A_100, %max3A_101 : i32
    %jit3A_102 = arith.constant 56 : i32
    %div3A_103 = arith.divsi %min3A, %jit3A_102 : i32
    %sign3A_104 = arith.constant 0 : i32
    %sign3A_105 = arith.cmpi sgt, %min3A, %sign3A_104 : i32
    %sign3A_106 = arith.extui %sign3A_105 : i1 to i32
    %sign3A_107 = arith.constant 0 : i32
    %sign3A_108 = arith.cmpi slt, %min3A, %sign3A_107 : i32
    %sign3A_109 = arith.extui %sign3A_108 : i1 to i32
    %sign3A_110 = arith.subi %sign3A_106, %sign3A_109 : i32
    %sign3A_111 = arith.constant 0 : i32
    %sign3A_112 = arith.cmpi sgt, %jit3A_102, %sign3A_111 : i32
    %sign3A_113 = arith.extui %sign3A_112 : i1 to i32
    %sign3A_114 = arith.constant 0 : i32
    %sign3A_115 = arith.cmpi slt, %jit3A_102, %sign3A_114 : i32
    %sign3A_116 = arith.extui %sign3A_115 : i1 to i32
    %sign3A_117 = arith.subi %sign3A_113, %sign3A_116 : i32
    %ne3A_118 = arith.cmpi ne, %sign3A_110, %sign3A_117 : i32
    %rem3A_119 = arith.remsi %min3A, %jit3A_102 : i32
    %ne3A_120 = arith.constant 0 : i32
    %ne3A_121 = arith.cmpi ne, %rem3A_119, %ne3A_120 : i32
    %and3A_122 = arith.andi %ne3A_118, %ne3A_121 : i1
    %sub3A_123 = arith.constant 1 : i32
    %sub3A_124 = arith.subi %div3A_103, %sub3A_123 : i32
    %select_n3A_125 = arith.select %and3A_122, %sub3A_124, %div3A_103 : i32
    %while3A = arith.constant 0 : i32
    %while3A_126 = arith.constant 0 : i32
    %while3A_127 = arith.subi %select_n3A_125, %while3A_126 : i32
    %while3A_128 = arith.addi %while3A_126, %while3A_127 : i32
    %while3A_129 = arith.constant 1 : i32
    %while3A_130 = arith.divsi %while3A_127, %while3A_129 : i32
    %while3A_131 = arith.muli %while3A_130, %while3A_129 : i32
    %while3A_132 = arith.addi %while3A_126, %while3A_131 : i32
    %while3A_133 = arith.constant 1 : i32
    scf.for %while3A_233 = %while3A_126 to %while3A_132 step %while3A_133  : i32 {
      %mul3A_234 = arith.constant 56 : i32
      %mul3A_235 = arith.muli %while3A_233, %mul3A_234 : i32
      %add3A_236 = arith.addi %mul3A_96, %mul3A_235 : i32
      %multiple_of3A_237 = tpu.assume_multiple %add3A_236, 8 : i32
      %dma_start3A_238 = arith.constant 0 : i32
      %dma_start3A_239 = tpu.memref_slice %arg13[%multiple_of3A_237, %dma_start3A_238] : memref<5064x128xf32, #tpu.memory_space<vmem_shared>> -> memref<56x128xf32, #tpu.memory_space<vmem_shared>>
      %dma_start3A_240 = arith.constant 0 : i32
      %dma_start3A_241 = tpu.memref_slice %arg13[%multiple_of3A_237, %dma_start3A_240] : memref<5064x128xf32, #tpu.memory_space<vmem_shared>> -> memref<56x128xf32, #tpu.memory_space<vmem_shared>>
      tpu.enqueue_dma source(%arg11 : memref<56x128xf32, #tpu.memory_space<vmem>>) target(%dma_start3A_241 : memref<56x128xf32, #tpu.memory_space<vmem_shared>>) target_semaphore(%arg18 : memref<!tpu.dma_semaphore, #tpu.memory_space<semaphore_mem>>)
    }
    %while3A_134 = arith.constant 1 : i32
    scf.for %while3A_233 = %while3A_132 to %while3A_128 step %while3A_134  : i32 {
      %mul3A_234 = arith.constant 56 : i32
      %mul3A_235 = arith.muli %while3A_233, %mul3A_234 : i32
      %add3A_236 = arith.addi %mul3A_96, %mul3A_235 : i32
      %multiple_of3A_237 = tpu.assume_multiple %add3A_236, 8 : i32
      %dma_start3A_238 = arith.constant 0 : i32
      %dma_start3A_239 = tpu.memref_slice %arg13[%multiple_of3A_237, %dma_start3A_238] : memref<5064x128xf32, #tpu.memory_space<vmem_shared>> -> memref<56x128xf32, #tpu.memory_space<vmem_shared>>
      %dma_start3A_240 = arith.constant 0 : i32
      %dma_start3A_241 = tpu.memref_slice %arg13[%multiple_of3A_237, %dma_start3A_240] : memref<5064x128xf32, #tpu.memory_space<vmem_shared>> -> memref<56x128xf32, #tpu.memory_space<vmem_shared>>
      tpu.enqueue_dma source(%arg11 : memref<56x128xf32, #tpu.memory_space<vmem>>) target(%dma_start3A_241 : memref<56x128xf32, #tpu.memory_space<vmem_shared>>) target_semaphore(%arg18 : memref<!tpu.dma_semaphore, #tpu.memory_space<semaphore_mem>>)
    }
    %mul3A_135 = arith.constant 56 : i32
    %mul3A_136 = arith.muli %select_n3A_125, %mul3A_135 : i32
    %add3A_137 = arith.addi %mul3A_96, %mul3A_136 : i32
    %multiple_of3A = tpu.assume_multiple %add3A_137, 8 : i32
    %dma_start3A = arith.constant 0 : i32
    %dma_start3A_138 = arith.constant 0 : i32
    %dma_start3A_139 = tpu.memref_slice %arg11[%dma_start3A, %dma_start3A_138] : memref<56x128xf32, #tpu.memory_space<vmem>> -> memref<40x128xf32, #tpu.memory_space<vmem>>
    %dma_start3A_140 = arith.constant 0 : i32
    %dma_start3A_141 = tpu.memref_slice %arg13[%multiple_of3A, %dma_start3A_140] : memref<5064x128xf32, #tpu.memory_space<vmem_shared>> -> memref<40x128xf32, #tpu.memory_space<vmem_shared>>
    %dma_start3A_142 = arith.constant 0 : i32
    %dma_start3A_143 = tpu.memref_slice %arg13[%multiple_of3A, %dma_start3A_142] : memref<5064x128xf32, #tpu.memory_space<vmem_shared>> -> memref<40x128xf32, #tpu.memory_space<vmem_shared>>
    %dma_start3A_144 = arith.constant 0 : i32
    %dma_start3A_145 = arith.constant 0 : i32
    %dma_start3A_146 = tpu.memref_slice %arg11[%dma_start3A_144, %dma_start3A_145] : memref<56x128xf32, #tpu.memory_space<vmem>> -> memref<40x128xf32, #tpu.memory_space<vmem>>
    tpu.enqueue_dma source(%dma_start3A_146 : memref<40x128xf32, #tpu.memory_space<vmem>>) target(%dma_start3A_143 : memref<40x128xf32, #tpu.memory_space<vmem_shared>>) target_semaphore(%arg18 : memref<!tpu.dma_semaphore, #tpu.memory_space<semaphore_mem>>)
    %while3A_147 = arith.constant 0 : i32
    %while3A_148 = arith.constant 0 : i32
    %while3A_149 = arith.subi %select_n3A_125, %while3A_148 : i32
    %while3A_150 = arith.addi %while3A_148, %while3A_149 : i32
    %while3A_151 = arith.constant 1 : i32
    %while3A_152 = arith.divsi %while3A_149, %while3A_151 : i32
    %while3A_153 = arith.muli %while3A_152, %while3A_151 : i32
    %while3A_154 = arith.addi %while3A_148, %while3A_153 : i32
    %while3A_155 = arith.constant 1 : i32
    scf.for %while3A_233 = %while3A_148 to %while3A_154 step %while3A_155  : i32 {
      %dma_wait3A_234 = arith.constant 0 : i32
      %dma_wait3A_235 = arith.constant 0 : i32
      %dma_wait3A_236 = tpu.memref_slice %arg13[%dma_wait3A_234, %dma_wait3A_235] : memref<5064x128xf32, #tpu.memory_space<vmem_shared>> -> memref<56x128xf32, #tpu.memory_space<vmem_shared>>
      %dma_wait3A_237 = arith.constant 0 : i32
      %dma_wait3A_238 = arith.constant 0 : i32
      %dma_wait3A_239 = tpu.memref_slice %arg13[%dma_wait3A_237, %dma_wait3A_238] : memref<5064x128xf32, #tpu.memory_space<vmem_shared>> -> memref<56x128xf32, #tpu.memory_space<vmem_shared>>
      tpu.wait_dma2 semaphore(%arg18 : memref<!tpu.dma_semaphore, #tpu.memory_space<semaphore_mem>>) src(%arg11 : memref<56x128xf32, #tpu.memory_space<vmem>>) dst(%dma_wait3A_239 : memref<56x128xf32, #tpu.memory_space<vmem_shared>>)
    }
    %while3A_156 = arith.constant 1 : i32
    scf.for %while3A_233 = %while3A_154 to %while3A_150 step %while3A_156  : i32 {
      %dma_wait3A_234 = arith.constant 0 : i32
      %dma_wait3A_235 = arith.constant 0 : i32
      %dma_wait3A_236 = tpu.memref_slice %arg13[%dma_wait3A_234, %dma_wait3A_235] : memref<5064x128xf32, #tpu.memory_space<vmem_shared>> -> memref<56x128xf32, #tpu.memory_space<vmem_shared>>
      %dma_wait3A_237 = arith.constant 0 : i32
      %dma_wait3A_238 = arith.constant 0 : i32
      %dma_wait3A_239 = tpu.memref_slice %arg13[%dma_wait3A_237, %dma_wait3A_238] : memref<5064x128xf32, #tpu.memory_space<vmem_shared>> -> memref<56x128xf32, #tpu.memory_space<vmem_shared>>
      tpu.wait_dma2 semaphore(%arg18 : memref<!tpu.dma_semaphore, #tpu.memory_space<semaphore_mem>>) src(%arg11 : memref<56x128xf32, #tpu.memory_space<vmem>>) dst(%dma_wait3A_239 : memref<56x128xf32, #tpu.memory_space<vmem_shared>>)
    }
    %dma_wait3A = arith.constant 0 : i32
    %dma_wait3A_157 = arith.constant 0 : i32
    %dma_wait3A_158 = tpu.memref_slice %arg11[%dma_wait3A, %dma_wait3A_157] : memref<56x128xf32, #tpu.memory_space<vmem>> -> memref<40x128xf32, #tpu.memory_space<vmem>>
    %dma_wait3A_159 = arith.constant 0 : i32
    %dma_wait3A_160 = arith.constant 0 : i32
    %dma_wait3A_161 = tpu.memref_slice %arg13[%dma_wait3A_159, %dma_wait3A_160] : memref<5064x128xf32, #tpu.memory_space<vmem_shared>> -> memref<40x128xf32, #tpu.memory_space<vmem_shared>>
    %dma_wait3A_162 = arith.constant 0 : i32
    %dma_wait3A_163 = arith.constant 0 : i32
    %dma_wait3A_164 = tpu.memref_slice %arg13[%dma_wait3A_162, %dma_wait3A_163] : memref<5064x128xf32, #tpu.memory_space<vmem_shared>> -> memref<40x128xf32, #tpu.memory_space<vmem_shared>>
    %dma_wait3A_165 = arith.constant 0 : i32
    %dma_wait3A_166 = arith.constant 0 : i32
    %dma_wait3A_167 = tpu.memref_slice %arg11[%dma_wait3A_165, %dma_wait3A_166] : memref<56x128xf32, #tpu.memory_space<vmem>> -> memref<40x128xf32, #tpu.memory_space<vmem>>
    tpu.wait_dma2 semaphore(%arg18 : memref<!tpu.dma_semaphore, #tpu.memory_space<semaphore_mem>>) src(%dma_wait3A_167 : memref<40x128xf32, #tpu.memory_space<vmem>>) dst(%dma_wait3A_164 : memref<40x128xf32, #tpu.memory_space<vmem_shared>>)
    %barrier3A = arith.constant 0 : index
    tpu.barrier barrier_id(%barrier3A)
    %jit3A_168 = arith.constant 2 : i32
    %div3A_169 = arith.divsi %max3A_82, %jit3A_168 : i32
    %sign3A_170 = arith.constant 0 : i32
    %sign3A_171 = arith.cmpi sgt, %max3A_82, %sign3A_170 : i32
    %sign3A_172 = arith.extui %sign3A_171 : i1 to i32
    %sign3A_173 = arith.constant 0 : i32
    %sign3A_174 = arith.cmpi slt, %max3A_82, %sign3A_173 : i32
    %sign3A_175 = arith.extui %sign3A_174 : i1 to i32
    %sign3A_176 = arith.subi %sign3A_172, %sign3A_175 : i32
    %sign3A_177 = arith.constant 0 : i32
    %sign3A_178 = arith.cmpi sgt, %jit3A_168, %sign3A_177 : i32
    %sign3A_179 = arith.extui %sign3A_178 : i1 to i32
    %sign3A_180 = arith.constant 0 : i32
    %sign3A_181 = arith.cmpi slt, %jit3A_168, %sign3A_180 : i32
    %sign3A_182 = arith.extui %sign3A_181 : i1 to i32
    %sign3A_183 = arith.subi %sign3A_179, %sign3A_182 : i32
    %ne3A_184 = arith.cmpi ne, %sign3A_176, %sign3A_183 : i32
    %rem3A_185 = arith.remsi %max3A_82, %jit3A_168 : i32
    %ne3A_186 = arith.constant 0 : i32
    %ne3A_187 = arith.cmpi ne, %rem3A_185, %ne3A_186 : i32
    %and3A_188 = arith.andi %ne3A_184, %ne3A_187 : i1
    %sub3A_189 = arith.constant 1 : i32
    %sub3A_190 = arith.subi %div3A_169, %sub3A_189 : i32
    %select_n3A_191 = arith.select %and3A_188, %sub3A_190, %div3A_169 : i32
    %while3A_192 = arith.constant 0 : i32
    %while3A_193 = arith.constant 0 : i32
    %while3A_194 = arith.subi %select_n3A_191, %while3A_193 : i32
    %while3A_195 = arith.addi %while3A_193, %while3A_194 : i32
    %while3A_196 = arith.constant 1 : i32
    %while3A_197 = arith.divsi %while3A_194, %while3A_196 : i32
    %while3A_198 = arith.muli %while3A_197, %while3A_196 : i32
    %while3A_199 = arith.addi %while3A_193, %while3A_198 : i32
    %while3A_200 = arith.constant 1 : i32
    scf.for %while3A_233 = %while3A_193 to %while3A_199 step %while3A_200  : i32 {
      %mul3A_234 = arith.constant 2 : i32
      %mul3A_235 = arith.muli %mul3A_234, %while3A_233 : i32
      %add3A_236 = arith.constant 1 : i32
      %add3A_237 = arith.addi %mul3A_235, %add3A_236 : i32
      %add3A_238 = arith.addi %select_n3A_47, %arg1 : i32
      %mul3A_239 = arith.constant 16 : i32
      %mul3A_240 = arith.muli %mul3A_239, %add3A_237 : i32
      %add3A_241 = arith.addi %add3A_238, %mul3A_240 : i32
      %mul3A_242 = arith.constant 320 : i32
      %mul3A_243 = arith.muli %add3A_241, %mul3A_242 : i32
      %multiple_of3A_244 = tpu.assume_multiple %mul3A_243, 320 : i32
      %eq3A_245 = arith.constant 0 : i32
      %eq3A_246 = arith.cmpi eq, %arg0, %eq3A_245 : i32
      %convert_element_type3A_247 = arith.extui %eq3A_246 : i1 to i32
      %cond3A_248 = arith.constant 0 : i32
      %cond3A_249 = arith.cmpi ne, %convert_element_type3A_247, %cond3A_248 : i32
      scf.if %cond3A_249 {
        %dma_start3A_309 = tpu.memref_slice %arg3[%multiple_of3A_244] : memref<320000xi32, #tpu.memory_space<hbm>> -> memref<320xi32, #tpu.memory_space<hbm>>
        %dma_start3A_310 = tpu.memref_slice %arg3[%multiple_of3A_244] : memref<320000xi32, #tpu.memory_space<hbm>> -> memref<320xi32, #tpu.memory_space<hbm>>
        tpu.enqueue_dma source(%dma_start3A_310 : memref<320xi32, #tpu.memory_space<hbm>>) target(%arg10 : memref<320xi32, #tpu.memory_space<vmem>>) target_semaphore(%arg17 : memref<!tpu.dma_semaphore, #tpu.memory_space<semaphore_mem>>)
      } else {
      }
      %eq3A_250 = arith.constant 1 : i32
      %eq3A_251 = arith.cmpi eq, %arg0, %eq3A_250 : i32
      %convert_element_type3A_252 = arith.extui %eq3A_251 : i1 to i32
      %cond3A_253 = arith.constant 0 : i32
      %cond3A_254 = arith.cmpi ne, %convert_element_type3A_252, %cond3A_253 : i32
      scf.if %cond3A_254 {
        %dma_start3A_309 = tpu.memref_slice %arg4[%multiple_of3A_244] : memref<320000xi32, #tpu.memory_space<hbm>> -> memref<320xi32, #tpu.memory_space<hbm>>
        %dma_start3A_310 = tpu.memref_slice %arg4[%multiple_of3A_244] : memref<320000xi32, #tpu.memory_space<hbm>> -> memref<320xi32, #tpu.memory_space<hbm>>
        tpu.enqueue_dma source(%dma_start3A_310 : memref<320xi32, #tpu.memory_space<hbm>>) target(%arg10 : memref<320xi32, #tpu.memory_space<vmem>>) target_semaphore(%arg17 : memref<!tpu.dma_semaphore, #tpu.memory_space<semaphore_mem>>)
      } else {
      }
      %dma_start3A_255 = arith.constant 0 : i32
      %dma_start3A_256 = tpu.memref_slice %arg2[%multiple_of3A_244, %dma_start3A_255] : memref<320000x128xf32, #tpu.memory_space<hbm>> -> memref<320x128xf32, #tpu.memory_space<hbm>>
      %dma_start3A_257 = arith.constant 0 : i32
      %dma_start3A_258 = tpu.memref_slice %arg2[%multiple_of3A_244, %dma_start3A_257] : memref<320000x128xf32, #tpu.memory_space<hbm>> -> memref<320x128xf32, #tpu.memory_space<hbm>>
      tpu.enqueue_dma source(%dma_start3A_258 : memref<320x128xf32, #tpu.memory_space<hbm>>) target(%arg8 : memref<320x128xf32, #tpu.memory_space<vmem>>) target_semaphore(%arg15 : memref<!tpu.dma_semaphore, #tpu.memory_space<semaphore_mem>>)
      %dma_wait3A_259 = arith.constant 0 : i32
      %dma_wait3A_260 = tpu.memref_slice %arg3[%dma_wait3A_259] : memref<320000xi32, #tpu.memory_space<hbm>> -> memref<320xi32, #tpu.memory_space<hbm>>
      %dma_wait3A_261 = arith.constant 0 : i32
      %dma_wait3A_262 = tpu.memref_slice %arg3[%dma_wait3A_261] : memref<320000xi32, #tpu.memory_space<hbm>> -> memref<320xi32, #tpu.memory_space<hbm>>
      tpu.wait_dma2 semaphore(%arg16 : memref<!tpu.dma_semaphore, #tpu.memory_space<semaphore_mem>>) src(%dma_wait3A_262 : memref<320xi32, #tpu.memory_space<hbm>>) dst(%arg9 : memref<320xi32, #tpu.memory_space<vmem>>)
      %dma_wait3A_263 = arith.constant 0 : i32
      %dma_wait3A_264 = arith.constant 0 : i32
      %dma_wait3A_265 = tpu.memref_slice %arg2[%dma_wait3A_263, %dma_wait3A_264] : memref<320000x128xf32, #tpu.memory_space<hbm>> -> memref<320x128xf32, #tpu.memory_space<hbm>>
      %dma_wait3A_266 = arith.constant 0 : i32
      %dma_wait3A_267 = arith.constant 0 : i32
      %dma_wait3A_268 = tpu.memref_slice %arg2[%dma_wait3A_266, %dma_wait3A_267] : memref<320000x128xf32, #tpu.memory_space<hbm>> -> memref<320x128xf32, #tpu.memory_space<hbm>>
      tpu.wait_dma2 semaphore(%arg14 : memref<!tpu.dma_semaphore, #tpu.memory_space<semaphore_mem>>) src(%dma_wait3A_268 : memref<320x128xf32, #tpu.memory_space<hbm>>) dst(%arg7 : memref<320x128xf32, #tpu.memory_space<vmem>>)
      %mul3A_269 = arith.constant 2 : i32
      %mul3A_270 = arith.muli %mul3A_269, %while3A_233 : i32
      %add3A_271 = arith.addi %select_n3A_47, %arg1 : i32
      %mul3A_272 = arith.constant 16 : i32
      %mul3A_273 = arith.muli %mul3A_272, %mul3A_270 : i32
      %add3A_274 = arith.addi %add3A_271, %mul3A_273 : i32
      %eq3A_275 = arith.cmpi eq, %add3A_274, %select_n3A_44 : i32
      %convert_element_type3A_276 = arith.extui %eq3A_275 : i1 to i32
      %cond3A_277 = arith.constant 0 : i32
      %cond3A_278 = arith.cmpi ne, %convert_element_type3A_276, %cond3A_277 : i32
      scf.if %cond3A_278 {
        %eq3A_309 = arith.constant 0 : i32
        %eq3A_310 = arith.cmpi eq, %arg0, %eq3A_309 : i32
        %convert_element_type3A_311 = arith.extui %eq3A_310 : i1 to i32
        %cond3A_312 = arith.constant 0 : i32
        %cond3A_313 = arith.cmpi ne, %convert_element_type3A_311, %cond3A_312 : i32
        scf.if %cond3A_313 {
          %broadcast_in_dim3A_319 = arith.constant 5056 : i32
          %broadcast_in_dim3A_320 = vector.broadcast %broadcast_in_dim3A_319 : i32 to vector<16xi32>
          %get3A_321 = arith.constant 0 : index
          %get3A_322 = tpu.vector_load %arg9[%get3A_321] {strides = array<i32>} : memref<320xi32, #tpu.memory_space<vmem>>, vector<16xi32>,
          %get3A_323 = vector.shape_cast %get3A_322 : vector<16xi32> to vector<16xi32>
          %min3A_324 = arith.minsi %get3A_323, %broadcast_in_dim3A_320 : vector<16xi32>
          %swap3A = arith.constant 0 : index
          %swap3A_325 = tpu.vector_load %arg9[%swap3A] {strides = array<i32>} : memref<320xi32, #tpu.memory_space<vmem>>, vector<16xi32>,
          %swap3A_326 = vector.shape_cast %swap3A_325 : vector<16xi32> to vector<16xi32>
          %swap3A_327 = vector.shape_cast %min3A_324 : vector<16xi32> to vector<16xi32>
          tpu.vector_store %arg9[%swap3A], %swap3A_327 {strides = array<i32>} : memref<320xi32, #tpu.memory_space<vmem>>, vector<16xi32>,
          %get3A_328 = arith.constant 16 : index
          %get3A_329 = tpu.vector_load %arg9[%get3A_328] {strides = array<i32>} : memref<320xi32, #tpu.memory_space<vmem>>, vector<16xi32>,
          %get3A_330 = vector.shape_cast %get3A_329 : vector<16xi32> to vector<16xi32>
          %min3A_331 = arith.minsi %get3A_330, %broadcast_in_dim3A_320 : vector<16xi32>
          %swap3A_332 = arith.constant 16 : index
          %swap3A_333 = tpu.vector_load %arg9[%swap3A_332] {strides = array<i32>} : memref<320xi32, #tpu.memory_space<vmem>>, vector<16xi32>,
          %swap3A_334 = vector.shape_cast %swap3A_333 : vector<16xi32> to vector<16xi32>
          %swap3A_335 = vector.shape_cast %min3A_331 : vector<16xi32> to vector<16xi32>
          tpu.vector_store %arg9[%swap3A_332], %swap3A_335 {strides = array<i32>} : memref<320xi32, #tpu.memory_space<vmem>>, vector<16xi32>,
          %get3A_336 = arith.constant 32 : index
          %get3A_337 = tpu.vector_load %arg9[%get3A_336] {strides = array<i32>} : memref<320xi32, #tpu.memory_space<vmem>>, vector<16xi32>,
          %get3A_338 = vector.shape_cast %get3A_337 : vector<16xi32> to vector<16xi32>
          %min3A_339 = arith.minsi %get3A_338, %broadcast_in_dim3A_320 : vector<16xi32>
          %swap3A_340 = arith.constant 32 : index
          %swap3A_341 = tpu.vector_load %arg9[%swap3A_340] {strides = array<i32>} : memref<320xi32, #tpu.memory_space<vmem>>, vector<16xi32>,
          %swap3A_342 = vector.shape_cast %swap3A_341 : vector<16xi32> to vector<16xi32>
          %swap3A_343 = vector.shape_cast %min3A_339 : vector<16xi32> to vector<16xi32>
          tpu.vector_store %arg9[%swap3A_340], %swap3A_343 {strides = array<i32>} : memref<320xi32, #tpu.memory_space<vmem>>, vector<16xi32>,
          %get3A_344 = arith.constant 48 : index
          %get3A_345 = tpu.vector_load %arg9[%get3A_344] {strides = array<i32>} : memref<320xi32, #tpu.memory_space<vmem>>, vector<16xi32>,
          %get3A_346 = vector.shape_cast %get3A_345 : vector<16xi32> to vector<16xi32>
          %min3A_347 = arith.minsi %get3A_346, %broadcast_in_dim3A_320 : vector<16xi32>
          %swap3A_348 = arith.constant 48 : index
          %swap3A_349 = tpu.vector_load %arg9[%swap3A_348] {strides = array<i32>} : memref<320xi32, #tpu.memory_space<vmem>>, vector<16xi32>,
          %swap3A_350 = vector.shape_cast %swap3A_349 : vector<16xi32> to vector<16xi32>
          %swap3A_351 = vector.shape_cast %min3A_347 : vector<16xi32> to vector<16xi32>
          tpu.vector_store %arg9[%swap3A_348], %swap3A_351 {strides = array<i32>} : memref<320xi32, #tpu.memory_space<vmem>>, vector<16xi32>,
          %get3A_352 = arith.constant 64 : index
          %get3A_353 = tpu.vector_load %arg9[%get3A_352] {strides = array<i32>} : memref<320xi32, #tpu.memory_space<vmem>>, vector<16xi32>,
          %get3A_354 = vector.shape_cast %get3A_353 : vector<16xi32> to vector<16xi32>
          %min3A_355 = arith.minsi %get3A_354, %broadcast_in_dim3A_320 : vector<16xi32>
          %swap3A_356 = arith.constant 64 : index
          %swap3A_357 = tpu.vector_load %arg9[%swap3A_356] {strides = array<i32>} : memref<320xi32, #tpu.memory_space<vmem>>, vector<16xi32>,
          %swap3A_358 = vector.shape_cast %swap3A_357 : vector<16xi32> to vector<16xi32>
          %swap3A_359 = vector.shape_cast %min3A_355 : vector<16xi32> to vector<16xi32>
          tpu.vector_store %arg9[%swap3A_356], %swap3A_359 {strides = array<i32>} : memref<320xi32, #tpu.memory_space<vmem>>, vector<16xi32>,
          %get3A_360 = arith.constant 80 : index
          %get3A_361 = tpu.vector_load %arg9[%get3A_360] {strides = array<i32>} : memref<320xi32, #tpu.memory_space<vmem>>, vector<16xi32>,
          %get3A_362 = vector.shape_cast %get3A_361 : vector<16xi32> to vector<16xi32>
          %min3A_363 = arith.minsi %get3A_362, %broadcast_in_dim3A_320 : vector<16xi32>
          %swap3A_364 = arith.constant 80 : index
          %swap3A_365 = tpu.vector_load %arg9[%swap3A_364] {strides = array<i32>} : memref<320xi32, #tpu.memory_space<vmem>>, vector<16xi32>,
          %swap3A_366 = vector.shape_cast %swap3A_365 : vector<16xi32> to vector<16xi32>
          %swap3A_367 = vector.shape_cast %min3A_363 : vector<16xi32> to vector<16xi32>
          tpu.vector_store %arg9[%swap3A_364], %swap3A_367 {strides = array<i32>} : memref<320xi32, #tpu.memory_space<vmem>>, vector<16xi32>,
          %get3A_368 = arith.constant 96 : index
          %get3A_369 = tpu.vector_load %arg9[%get3A_368] {strides = array<i32>} : memref<320xi32, #tpu.memory_space<vmem>>, vector<16xi32>,
          %get3A_370 = vector.shape_cast %get3A_369 : vector<16xi32> to vector<16xi32>
          %min3A_371 = arith.minsi %get3A_370, %broadcast_in_dim3A_320 : vector<16xi32>
          %swap3A_372 = arith.constant 96 : index
          %swap3A_373 = tpu.vector_load %arg9[%swap3A_372] {strides = array<i32>} : memref<320xi32, #tpu.memory_space<vmem>>, vector<16xi32>,
          %swap3A_374 = vector.shape_cast %swap3A_373 : vector<16xi32> to vector<16xi32>
          %swap3A_375 = vector.shape_cast %min3A_371 : vector<16xi32> to vector<16xi32>
          tpu.vector_store %arg9[%swap3A_372], %swap3A_375 {strides = array<i32>} : memref<320xi32, #tpu.memory_space<vmem>>, vector<16xi32>,
          %get3A_376 = arith.constant 112 : index
          %get3A_377 = tpu.vector_load %arg9[%get3A_376] {strides = array<i32>} : memref<320xi32, #tpu.memory_space<vmem>>, vector<16xi32>,
          %get3A_378 = vector.shape_cast %get3A_377 : vector<16xi32> to vector<16xi32>
          %min3A_379 = arith.minsi %get3A_378, %broadcast_in_dim3A_320 : vector<16xi32>
          %swap3A_380 = arith.constant 112 : index
          %swap3A_381 = tpu.vector_load %arg9[%swap3A_380] {strides = array<i32>} : memref<320xi32, #tpu.memory_space<vmem>>, vector<16xi32>,
          %swap3A_382 = vector.shape_cast %swap3A_381 : vector<16xi32> to vector<16xi32>
          %swap3A_383 = vector.shape_cast %min3A_379 : vector<16xi32> to vector<16xi32>
          tpu.vector_store %arg9[%swap3A_380], %swap3A_383 {strides = array<i32>} : memref<320xi32, #tpu.memory_space<vmem>>, vector<16xi32>,
          %get3A_384 = arith.constant 128 : index
          %get3A_385 = tpu.vector_load %arg9[%get3A_384] {strides = array<i32>} : memref<320xi32, #tpu.memory_space<vmem>>, vector<16xi32>,
          %get3A_386 = vector.shape_cast %get3A_385 : vector<16xi32> to vector<16xi32>
          %min3A_387 = arith.minsi %get3A_386, %broadcast_in_dim3A_320 : vector<16xi32>
          %swap3A_388 = arith.constant 128 : index
          %swap3A_389 = tpu.vector_load %arg9[%swap3A_388] {strides = array<i32>} : memref<320xi32, #tpu.memory_space<vmem>>, vector<16xi32>,
          %swap3A_390 = vector.shape_cast %swap3A_389 : vector<16xi32> to vector<16xi32>
          %swap3A_391 = vector.shape_cast %min3A_387 : vector<16xi32> to vector<16xi32>
          tpu.vector_store %arg9[%swap3A_388], %swap3A_391 {strides = array<i32>} : memref<320xi32, #tpu.memory_space<vmem>>, vector<16xi32>,
          %get3A_392 = arith.constant 144 : index
          %get3A_393 = tpu.vector_load %arg9[%get3A_392] {strides = array<i32>} : memref<320xi32, #tpu.memory_space<vmem>>, vector<16xi32>,
          %get3A_394 = vector.shape_cast %get3A_393 : vector<16xi32> to vector<16xi32>
          %min3A_395 = arith.minsi %get3A_394, %broadcast_in_dim3A_320 : vector<16xi32>
          %swap3A_396 = arith.constant 144 : index
          %swap3A_397 = tpu.vector_load %arg9[%swap3A_396] {strides = array<i32>} : memref<320xi32, #tpu.memory_space<vmem>>, vector<16xi32>,
          %swap3A_398 = vector.shape_cast %swap3A_397 : vector<16xi32> to vector<16xi32>
          %swap3A_399 = vector.shape_cast %min3A_395 : vector<16xi32> to vector<16xi32>
          tpu.vector_store %arg9[%swap3A_396], %swap3A_399 {strides = array<i32>} : memref<320xi32, #tpu.memory_space<vmem>>, vector<16xi32>,
          %get3A_400 = arith.constant 160 : index
          %get3A_401 = tpu.vector_load %arg9[%get3A_400] {strides = array<i32>} : memref<320xi32, #tpu.memory_space<vmem>>, vector<16xi32>,
          %get3A_402 = vector.shape_cast %get3A_401 : vector<16xi32> to vector<16xi32>
          %min3A_403 = arith.minsi %get3A_402, %broadcast_in_dim3A_320 : vector<16xi32>
          %swap3A_404 = arith.constant 160 : index
          %swap3A_405 = tpu.vector_load %arg9[%swap3A_404] {strides = array<i32>} : memref<320xi32, #tpu.memory_space<vmem>>, vector<16xi32>,
          %swap3A_406 = vector.shape_cast %swap3A_405 : vector<16xi32> to vector<16xi32>
          %swap3A_407 = vector.shape_cast %min3A_403 : vector<16xi32> to vector<16xi32>
          tpu.vector_store %arg9[%swap3A_404], %swap3A_407 {strides = array<i32>} : memref<320xi32, #tpu.memory_space<vmem>>, vector<16xi32>,
          %get3A_408 = arith.constant 176 : index
          %get3A_409 = tpu.vector_load %arg9[%get3A_408] {strides = array<i32>} : memref<320xi32, #tpu.memory_space<vmem>>, vector<16xi32>,
          %get3A_410 = vector.shape_cast %get3A_409 : vector<16xi32> to vector<16xi32>
          %min3A_411 = arith.minsi %get3A_410, %broadcast_in_dim3A_320 : vector<16xi32>
          %swap3A_412 = arith.constant 176 : index
          %swap3A_413 = tpu.vector_load %arg9[%swap3A_412] {strides = array<i32>} : memref<320xi32, #tpu.memory_space<vmem>>, vector<16xi32>,
          %swap3A_414 = vector.shape_cast %swap3A_413 : vector<16xi32> to vector<16xi32>
          %swap3A_415 = vector.shape_cast %min3A_411 : vector<16xi32> to vector<16xi32>
          tpu.vector_store %arg9[%swap3A_412], %swap3A_415 {strides = array<i32>} : memref<320xi32, #tpu.memory_space<vmem>>, vector<16xi32>,
          %get3A_416 = arith.constant 192 : index
          %get3A_417 = tpu.vector_load %arg9[%get3A_416] {strides = array<i32>} : memref<320xi32, #tpu.memory_space<vmem>>, vector<16xi32>,
          %get3A_418 = vector.shape_cast %get3A_417 : vector<16xi32> to vector<16xi32>
          %min3A_419 = arith.minsi %get3A_418, %broadcast_in_dim3A_320 : vector<16xi32>
          %swap3A_420 = arith.constant 192 : index
          %swap3A_421 = tpu.vector_load %arg9[%swap3A_420] {strides = array<i32>} : memref<320xi32, #tpu.memory_space<vmem>>, vector<16xi32>,
          %swap3A_422 = vector.shape_cast %swap3A_421 : vector<16xi32> to vector<16xi32>
          %swap3A_423 = vector.shape_cast %min3A_419 : vector<16xi32> to vector<16xi32>
          tpu.vector_store %arg9[%swap3A_420], %swap3A_423 {strides = array<i32>} : memref<320xi32, #tpu.memory_space<vmem>>, vector<16xi32>,
          %get3A_424 = arith.constant 208 : index
          %get3A_425 = tpu.vector_load %arg9[%get3A_424] {strides = array<i32>} : memref<320xi32, #tpu.memory_space<vmem>>, vector<16xi32>,
          %get3A_426 = vector.shape_cast %get3A_425 : vector<16xi32> to vector<16xi32>
          %min3A_427 = arith.minsi %get3A_426, %broadcast_in_dim3A_320 : vector<16xi32>
          %swap3A_428 = arith.constant 208 : index
          %swap3A_429 = tpu.vector_load %arg9[%swap3A_428] {strides = array<i32>} : memref<320xi32, #tpu.memory_space<vmem>>, vector<16xi32>,
          %swap3A_430 = vector.shape_cast %swap3A_429 : vector<16xi32> to vector<16xi32>
          %swap3A_431 = vector.shape_cast %min3A_427 : vector<16xi32> to vector<16xi32>
          tpu.vector_store %arg9[%swap3A_428], %swap3A_431 {strides = array<i32>} : memref<320xi32, #tpu.memory_space<vmem>>, vector<16xi32>,
          %get3A_432 = arith.constant 224 : index
          %get3A_433 = tpu.vector_load %arg9[%get3A_432] {strides = array<i32>} : memref<320xi32, #tpu.memory_space<vmem>>, vector<16xi32>,
          %get3A_434 = vector.shape_cast %get3A_433 : vector<16xi32> to vector<16xi32>
          %min3A_435 = arith.minsi %get3A_434, %broadcast_in_dim3A_320 : vector<16xi32>
          %swap3A_436 = arith.constant 224 : index
          %swap3A_437 = tpu.vector_load %arg9[%swap3A_436] {strides = array<i32>} : memref<320xi32, #tpu.memory_space<vmem>>, vector<16xi32>,
          %swap3A_438 = vector.shape_cast %swap3A_437 : vector<16xi32> to vector<16xi32>
          %swap3A_439 = vector.shape_cast %min3A_435 : vector<16xi32> to vector<16xi32>
          tpu.vector_store %arg9[%swap3A_436], %swap3A_439 {strides = array<i32>} : memref<320xi32, #tpu.memory_space<vmem>>, vector<16xi32>,
          %get3A_440 = arith.constant 240 : index
          %get3A_441 = tpu.vector_load %arg9[%get3A_440] {strides = array<i32>} : memref<320xi32, #tpu.memory_space<vmem>>, vector<16xi32>,
          %get3A_442 = vector.shape_cast %get3A_441 : vector<16xi32> to vector<16xi32>
          %min3A_443 = arith.minsi %get3A_442, %broadcast_in_dim3A_320 : vector<16xi32>
          %swap3A_444 = arith.constant 240 : index
          %swap3A_445 = tpu.vector_load %arg9[%swap3A_444] {strides = array<i32>} : memref<320xi32, #tpu.memory_space<vmem>>, vector<16xi32>,
          %swap3A_446 = vector.shape_cast %swap3A_445 : vector<16xi32> to vector<16xi32>
          %swap3A_447 = vector.shape_cast %min3A_443 : vector<16xi32> to vector<16xi32>
          tpu.vector_store %arg9[%swap3A_444], %swap3A_447 {strides = array<i32>} : memref<320xi32, #tpu.memory_space<vmem>>, vector<16xi32>,
          %get3A_448 = arith.constant 256 : index
          %get3A_449 = tpu.vector_load %arg9[%get3A_448] {strides = array<i32>} : memref<320xi32, #tpu.memory_space<vmem>>, vector<16xi32>,
          %get3A_450 = vector.shape_cast %get3A_449 : vector<16xi32> to vector<16xi32>
          %min3A_451 = arith.minsi %get3A_450, %broadcast_in_dim3A_320 : vector<16xi32>
          %swap3A_452 = arith.constant 256 : index
          %swap3A_453 = tpu.vector_load %arg9[%swap3A_452] {strides = array<i32>} : memref<320xi32, #tpu.memory_space<vmem>>, vector<16xi32>,
          %swap3A_454 = vector.shape_cast %swap3A_453 : vector<16xi32> to vector<16xi32>
          %swap3A_455 = vector.shape_cast %min3A_451 : vector<16xi32> to vector<16xi32>
          tpu.vector_store %arg9[%swap3A_452], %swap3A_455 {strides = array<i32>} : memref<320xi32, #tpu.memory_space<vmem>>, vector<16xi32>,
          %get3A_456 = arith.constant 272 : index
          %get3A_457 = tpu.vector_load %arg9[%get3A_456] {strides = array<i32>} : memref<320xi32, #tpu.memory_space<vmem>>, vector<16xi32>,
          %get3A_458 = vector.shape_cast %get3A_457 : vector<16xi32> to vector<16xi32>
          %min3A_459 = arith.minsi %get3A_458, %broadcast_in_dim3A_320 : vector<16xi32>
          %swap3A_460 = arith.constant 272 : index
          %swap3A_461 = tpu.vector_load %arg9[%swap3A_460] {strides = array<i32>} : memref<320xi32, #tpu.memory_space<vmem>>, vector<16xi32>,
          %swap3A_462 = vector.shape_cast %swap3A_461 : vector<16xi32> to vector<16xi32>
          %swap3A_463 = vector.shape_cast %min3A_459 : vector<16xi32> to vector<16xi32>
          tpu.vector_store %arg9[%swap3A_460], %swap3A_463 {strides = array<i32>} : memref<320xi32, #tpu.memory_space<vmem>>, vector<16xi32>,
          %get3A_464 = arith.constant 288 : index
          %get3A_465 = tpu.vector_load %arg9[%get3A_464] {strides = array<i32>} : memref<320xi32, #tpu.memory_space<vmem>>, vector<16xi32>,
          %get3A_466 = vector.shape_cast %get3A_465 : vector<16xi32> to vector<16xi32>
          %min3A_467 = arith.minsi %get3A_466, %broadcast_in_dim3A_320 : vector<16xi32>
          %swap3A_468 = arith.constant 288 : index
          %swap3A_469 = tpu.vector_load %arg9[%swap3A_468] {strides = array<i32>} : memref<320xi32, #tpu.memory_space<vmem>>, vector<16xi32>,
          %swap3A_470 = vector.shape_cast %swap3A_469 : vector<16xi32> to vector<16xi32>
          %swap3A_471 = vector.shape_cast %min3A_467 : vector<16xi32> to vector<16xi32>
          tpu.vector_store %arg9[%swap3A_468], %swap3A_471 {strides = array<i32>} : memref<320xi32, #tpu.memory_space<vmem>>, vector<16xi32>,
          %get3A_472 = arith.constant 304 : index
          %get3A_473 = tpu.vector_load %arg9[%get3A_472] {strides = array<i32>} : memref<320xi32, #tpu.memory_space<vmem>>, vector<16xi32>,
          %get3A_474 = vector.shape_cast %get3A_473 : vector<16xi32> to vector<16xi32>
          %min3A_475 = arith.minsi %get3A_474, %broadcast_in_dim3A_320 : vector<16xi32>
          %swap3A_476 = arith.constant 304 : index
          %swap3A_477 = tpu.vector_load %arg9[%swap3A_476] {strides = array<i32>} : memref<320xi32, #tpu.memory_space<vmem>>, vector<16xi32>,
          %swap3A_478 = vector.shape_cast %swap3A_477 : vector<16xi32> to vector<16xi32>
          %swap3A_479 = vector.shape_cast %min3A_475 : vector<16xi32> to vector<16xi32>
          tpu.vector_store %arg9[%swap3A_476], %swap3A_479 {strides = array<i32>} : memref<320xi32, #tpu.memory_space<vmem>>, vector<16xi32>,
        } else {
        }
        %eq3A_314 = arith.constant 1 : i32
        %eq3A_315 = arith.cmpi eq, %arg0, %eq3A_314 : i32
        %convert_element_type3A_316 = arith.extui %eq3A_315 : i1 to i32
        %cond3A_317 = arith.constant 0 : i32
        %cond3A_318 = arith.cmpi ne, %convert_element_type3A_316, %cond3A_317 : i32
        scf.if %cond3A_318 {
          %broadcast_in_dim3A_319 = arith.constant 4944 : i32
          %broadcast_in_dim3A_320 = vector.broadcast %broadcast_in_dim3A_319 : i32 to vector<16xi32>
          %broadcast_in_dim3A_321 = arith.constant 0 : i32
          %broadcast_in_dim3A_322 = vector.broadcast %broadcast_in_dim3A_321 : i32 to vector<16xi32>
          %get3A_323 = arith.constant 0 : index
          %get3A_324 = tpu.vector_load %arg9[%get3A_323] {strides = array<i32>} : memref<320xi32, #tpu.memory_space<vmem>>, vector<16xi32>,
          %get3A_325 = vector.shape_cast %get3A_324 : vector<16xi32> to vector<16xi32>
          %lt3A_326 = arith.cmpi slt, %get3A_325, %broadcast_in_dim3A_322 : vector<16xi32>
          %select_n3A_327 = arith.select %lt3A_326, %broadcast_in_dim3A_320, %get3A_325 : vector<16xi1>, vector<16xi32>
          %swap3A = arith.constant 0 : index
          %swap3A_328 = tpu.vector_load %arg9[%swap3A] {strides = array<i32>} : memref<320xi32, #tpu.memory_space<vmem>>, vector<16xi32>,
          %swap3A_329 = vector.shape_cast %swap3A_328 : vector<16xi32> to vector<16xi32>
          %swap3A_330 = vector.shape_cast %select_n3A_327 : vector<16xi32> to vector<16xi32>
          tpu.vector_store %arg9[%swap3A], %swap3A_330 {strides = array<i32>} : memref<320xi32, #tpu.memory_space<vmem>>, vector<16xi32>,
          %get3A_331 = arith.constant 16 : index
          %get3A_332 = tpu.vector_load %arg9[%get3A_331] {strides = array<i32>} : memref<320xi32, #tpu.memory_space<vmem>>, vector<16xi32>,
          %get3A_333 = vector.shape_cast %get3A_332 : vector<16xi32> to vector<16xi32>
          %lt3A_334 = arith.cmpi slt, %get3A_333, %broadcast_in_dim3A_322 : vector<16xi32>
          %select_n3A_335 = arith.select %lt3A_334, %broadcast_in_dim3A_320, %get3A_333 : vector<16xi1>, vector<16xi32>
          %swap3A_336 = arith.constant 16 : index
          %swap3A_337 = tpu.vector_load %arg9[%swap3A_336] {strides = array<i32>} : memref<320xi32, #tpu.memory_space<vmem>>, vector<16xi32>,
          %swap3A_338 = vector.shape_cast %swap3A_337 : vector<16xi32> to vector<16xi32>
          %swap3A_339 = vector.shape_cast %select_n3A_335 : vector<16xi32> to vector<16xi32>
          tpu.vector_store %arg9[%swap3A_336], %swap3A_339 {strides = array<i32>} : memref<320xi32, #tpu.memory_space<vmem>>, vector<16xi32>,
          %get3A_340 = arith.constant 32 : index
          %get3A_341 = tpu.vector_load %arg9[%get3A_340] {strides = array<i32>} : memref<320xi32, #tpu.memory_space<vmem>>, vector<16xi32>,
          %get3A_342 = vector.shape_cast %get3A_341 : vector<16xi32> to vector<16xi32>
          %lt3A_343 = arith.cmpi slt, %get3A_342, %broadcast_in_dim3A_322 : vector<16xi32>
          %select_n3A_344 = arith.select %lt3A_343, %broadcast_in_dim3A_320, %get3A_342 : vector<16xi1>, vector<16xi32>
          %swap3A_345 = arith.constant 32 : index
          %swap3A_346 = tpu.vector_load %arg9[%swap3A_345] {strides = array<i32>} : memref<320xi32, #tpu.memory_space<vmem>>, vector<16xi32>,
          %swap3A_347 = vector.shape_cast %swap3A_346 : vector<16xi32> to vector<16xi32>
          %swap3A_348 = vector.shape_cast %select_n3A_344 : vector<16xi32> to vector<16xi32>
          tpu.vector_store %arg9[%swap3A_345], %swap3A_348 {strides = array<i32>} : memref<320xi32, #tpu.memory_space<vmem>>, vector<16xi32>,
          %get3A_349 = arith.constant 48 : index
          %get3A_350 = tpu.vector_load %arg9[%get3A_349] {strides = array<i32>} : memref<320xi32, #tpu.memory_space<vmem>>, vector<16xi32>,
          %get3A_351 = vector.shape_cast %get3A_350 : vector<16xi32> to vector<16xi32>
          %lt3A_352 = arith.cmpi slt, %get3A_351, %broadcast_in_dim3A_322 : vector<16xi32>
          %select_n3A_353 = arith.select %lt3A_352, %broadcast_in_dim3A_320, %get3A_351 : vector<16xi1>, vector<16xi32>
          %swap3A_354 = arith.constant 48 : index
          %swap3A_355 = tpu.vector_load %arg9[%swap3A_354] {strides = array<i32>} : memref<320xi32, #tpu.memory_space<vmem>>, vector<16xi32>,
          %swap3A_356 = vector.shape_cast %swap3A_355 : vector<16xi32> to vector<16xi32>
          %swap3A_357 = vector.shape_cast %select_n3A_353 : vector<16xi32> to vector<16xi32>
          tpu.vector_store %arg9[%swap3A_354], %swap3A_357 {strides = array<i32>} : memref<320xi32, #tpu.memory_space<vmem>>, vector<16xi32>,
          %get3A_358 = arith.constant 64 : index
          %get3A_359 = tpu.vector_load %arg9[%get3A_358] {strides = array<i32>} : memref<320xi32, #tpu.memory_space<vmem>>, vector<16xi32>,
          %get3A_360 = vector.shape_cast %get3A_359 : vector<16xi32> to vector<16xi32>
          %lt3A_361 = arith.cmpi slt, %get3A_360, %broadcast_in_dim3A_322 : vector<16xi32>
          %select_n3A_362 = arith.select %lt3A_361, %broadcast_in_dim3A_320, %get3A_360 : vector<16xi1>, vector<16xi32>
          %swap3A_363 = arith.constant 64 : index
          %swap3A_364 = tpu.vector_load %arg9[%swap3A_363] {strides = array<i32>} : memref<320xi32, #tpu.memory_space<vmem>>, vector<16xi32>,
          %swap3A_365 = vector.shape_cast %swap3A_364 : vector<16xi32> to vector<16xi32>
          %swap3A_366 = vector.shape_cast %select_n3A_362 : vector<16xi32> to vector<16xi32>
          tpu.vector_store %arg9[%swap3A_363], %swap3A_366 {strides = array<i32>} : memref<320xi32, #tpu.memory_space<vmem>>, vector<16xi32>,
          %get3A_367 = arith.constant 80 : index
          %get3A_368 = tpu.vector_load %arg9[%get3A_367] {strides = array<i32>} : memref<320xi32, #tpu.memory_space<vmem>>, vector<16xi32>,
          %get3A_369 = vector.shape_cast %get3A_368 : vector<16xi32> to vector<16xi32>
          %lt3A_370 = arith.cmpi slt, %get3A_369, %broadcast_in_dim3A_322 : vector<16xi32>
          %select_n3A_371 = arith.select %lt3A_370, %broadcast_in_dim3A_320, %get3A_369 : vector<16xi1>, vector<16xi32>
          %swap3A_372 = arith.constant 80 : index
          %swap3A_373 = tpu.vector_load %arg9[%swap3A_372] {strides = array<i32>} : memref<320xi32, #tpu.memory_space<vmem>>, vector<16xi32>,
          %swap3A_374 = vector.shape_cast %swap3A_373 : vector<16xi32> to vector<16xi32>
          %swap3A_375 = vector.shape_cast %select_n3A_371 : vector<16xi32> to vector<16xi32>
          tpu.vector_store %arg9[%swap3A_372], %swap3A_375 {strides = array<i32>} : memref<320xi32, #tpu.memory_space<vmem>>, vector<16xi32>,
          %get3A_376 = arith.constant 96 : index
          %get3A_377 = tpu.vector_load %arg9[%get3A_376] {strides = array<i32>} : memref<320xi32, #tpu.memory_space<vmem>>, vector<16xi32>,
          %get3A_378 = vector.shape_cast %get3A_377 : vector<16xi32> to vector<16xi32>
          %lt3A_379 = arith.cmpi slt, %get3A_378, %broadcast_in_dim3A_322 : vector<16xi32>
          %select_n3A_380 = arith.select %lt3A_379, %broadcast_in_dim3A_320, %get3A_378 : vector<16xi1>, vector<16xi32>
          %swap3A_381 = arith.constant 96 : index
          %swap3A_382 = tpu.vector_load %arg9[%swap3A_381] {strides = array<i32>} : memref<320xi32, #tpu.memory_space<vmem>>, vector<16xi32>,
          %swap3A_383 = vector.shape_cast %swap3A_382 : vector<16xi32> to vector<16xi32>
          %swap3A_384 = vector.shape_cast %select_n3A_380 : vector<16xi32> to vector<16xi32>
          tpu.vector_store %arg9[%swap3A_381], %swap3A_384 {strides = array<i32>} : memref<320xi32, #tpu.memory_space<vmem>>, vector<16xi32>,
          %get3A_385 = arith.constant 112 : index
          %get3A_386 = tpu.vector_load %arg9[%get3A_385] {strides = array<i32>} : memref<320xi32, #tpu.memory_space<vmem>>, vector<16xi32>,
          %get3A_387 = vector.shape_cast %get3A_386 : vector<16xi32> to vector<16xi32>
          %lt3A_388 = arith.cmpi slt, %get3A_387, %broadcast_in_dim3A_322 : vector<16xi32>
          %select_n3A_389 = arith.select %lt3A_388, %broadcast_in_dim3A_320, %get3A_387 : vector<16xi1>, vector<16xi32>
          %swap3A_390 = arith.constant 112 : index
          %swap3A_391 = tpu.vector_load %arg9[%swap3A_390] {strides = array<i32>} : memref<320xi32, #tpu.memory_space<vmem>>, vector<16xi32>,
          %swap3A_392 = vector.shape_cast %swap3A_391 : vector<16xi32> to vector<16xi32>
          %swap3A_393 = vector.shape_cast %select_n3A_389 : vector<16xi32> to vector<16xi32>
          tpu.vector_store %arg9[%swap3A_390], %swap3A_393 {strides = array<i32>} : memref<320xi32, #tpu.memory_space<vmem>>, vector<16xi32>,
          %get3A_394 = arith.constant 128 : index
          %get3A_395 = tpu.vector_load %arg9[%get3A_394] {strides = array<i32>} : memref<320xi32, #tpu.memory_space<vmem>>, vector<16xi32>,
          %get3A_396 = vector.shape_cast %get3A_395 : vector<16xi32> to vector<16xi32>
          %lt3A_397 = arith.cmpi slt, %get3A_396, %broadcast_in_dim3A_322 : vector<16xi32>
          %select_n3A_398 = arith.select %lt3A_397, %broadcast_in_dim3A_320, %get3A_396 : vector<16xi1>, vector<16xi32>
          %swap3A_399 = arith.constant 128 : index
          %swap3A_400 = tpu.vector_load %arg9[%swap3A_399] {strides = array<i32>} : memref<320xi32, #tpu.memory_space<vmem>>, vector<16xi32>,
          %swap3A_401 = vector.shape_cast %swap3A_400 : vector<16xi32> to vector<16xi32>
          %swap3A_402 = vector.shape_cast %select_n3A_398 : vector<16xi32> to vector<16xi32>
          tpu.vector_store %arg9[%swap3A_399], %swap3A_402 {strides = array<i32>} : memref<320xi32, #tpu.memory_space<vmem>>, vector<16xi32>,
          %get3A_403 = arith.constant 144 : index
          %get3A_404 = tpu.vector_load %arg9[%get3A_403] {strides = array<i32>} : memref<320xi32, #tpu.memory_space<vmem>>, vector<16xi32>,
          %get3A_405 = vector.shape_cast %get3A_404 : vector<16xi32> to vector<16xi32>
          %lt3A_406 = arith.cmpi slt, %get3A_405, %broadcast_in_dim3A_322 : vector<16xi32>
          %select_n3A_407 = arith.select %lt3A_406, %broadcast_in_dim3A_320, %get3A_405 : vector<16xi1>, vector<16xi32>
          %swap3A_408 = arith.constant 144 : index
          %swap3A_409 = tpu.vector_load %arg9[%swap3A_408] {strides = array<i32>} : memref<320xi32, #tpu.memory_space<vmem>>, vector<16xi32>,
          %swap3A_410 = vector.shape_cast %swap3A_409 : vector<16xi32> to vector<16xi32>
          %swap3A_411 = vector.shape_cast %select_n3A_407 : vector<16xi32> to vector<16xi32>
          tpu.vector_store %arg9[%swap3A_408], %swap3A_411 {strides = array<i32>} : memref<320xi32, #tpu.memory_space<vmem>>, vector<16xi32>,
          %get3A_412 = arith.constant 160 : index
          %get3A_413 = tpu.vector_load %arg9[%get3A_412] {strides = array<i32>} : memref<320xi32, #tpu.memory_space<vmem>>, vector<16xi32>,
          %get3A_414 = vector.shape_cast %get3A_413 : vector<16xi32> to vector<16xi32>
          %lt3A_415 = arith.cmpi slt, %get3A_414, %broadcast_in_dim3A_322 : vector<16xi32>
          %select_n3A_416 = arith.select %lt3A_415, %broadcast_in_dim3A_320, %get3A_414 : vector<16xi1>, vector<16xi32>
          %swap3A_417 = arith.constant 160 : index
          %swap3A_418 = tpu.vector_load %arg9[%swap3A_417] {strides = array<i32>} : memref<320xi32, #tpu.memory_space<vmem>>, vector<16xi32>,
          %swap3A_419 = vector.shape_cast %swap3A_418 : vector<16xi32> to vector<16xi32>
          %swap3A_420 = vector.shape_cast %select_n3A_416 : vector<16xi32> to vector<16xi32>
          tpu.vector_store %arg9[%swap3A_417], %swap3A_420 {strides = array<i32>} : memref<320xi32, #tpu.memory_space<vmem>>, vector<16xi32>,
          %get3A_421 = arith.constant 176 : index
          %get3A_422 = tpu.vector_load %arg9[%get3A_421] {strides = array<i32>} : memref<320xi32, #tpu.memory_space<vmem>>, vector<16xi32>,
          %get3A_423 = vector.shape_cast %get3A_422 : vector<16xi32> to vector<16xi32>
          %lt3A_424 = arith.cmpi slt, %get3A_423, %broadcast_in_dim3A_322 : vector<16xi32>
          %select_n3A_425 = arith.select %lt3A_424, %broadcast_in_dim3A_320, %get3A_423 : vector<16xi1>, vector<16xi32>
          %swap3A_426 = arith.constant 176 : index
          %swap3A_427 = tpu.vector_load %arg9[%swap3A_426] {strides = array<i32>} : memref<320xi32, #tpu.memory_space<vmem>>, vector<16xi32>,
          %swap3A_428 = vector.shape_cast %swap3A_427 : vector<16xi32> to vector<16xi32>
          %swap3A_429 = vector.shape_cast %select_n3A_425 : vector<16xi32> to vector<16xi32>
          tpu.vector_store %arg9[%swap3A_426], %swap3A_429 {strides = array<i32>} : memref<320xi32, #tpu.memory_space<vmem>>, vector<16xi32>,
          %get3A_430 = arith.constant 192 : index
          %get3A_431 = tpu.vector_load %arg9[%get3A_430] {strides = array<i32>} : memref<320xi32, #tpu.memory_space<vmem>>, vector<16xi32>,
          %get3A_432 = vector.shape_cast %get3A_431 : vector<16xi32> to vector<16xi32>
          %lt3A_433 = arith.cmpi slt, %get3A_432, %broadcast_in_dim3A_322 : vector<16xi32>
          %select_n3A_434 = arith.select %lt3A_433, %broadcast_in_dim3A_320, %get3A_432 : vector<16xi1>, vector<16xi32>
          %swap3A_435 = arith.constant 192 : index
          %swap3A_436 = tpu.vector_load %arg9[%swap3A_435] {strides = array<i32>} : memref<320xi32, #tpu.memory_space<vmem>>, vector<16xi32>,
          %swap3A_437 = vector.shape_cast %swap3A_436 : vector<16xi32> to vector<16xi32>
          %swap3A_438 = vector.shape_cast %select_n3A_434 : vector<16xi32> to vector<16xi32>
          tpu.vector_store %arg9[%swap3A_435], %swap3A_438 {strides = array<i32>} : memref<320xi32, #tpu.memory_space<vmem>>, vector<16xi32>,
          %get3A_439 = arith.constant 208 : index
          %get3A_440 = tpu.vector_load %arg9[%get3A_439] {strides = array<i32>} : memref<320xi32, #tpu.memory_space<vmem>>, vector<16xi32>,
          %get3A_441 = vector.shape_cast %get3A_440 : vector<16xi32> to vector<16xi32>
          %lt3A_442 = arith.cmpi slt, %get3A_441, %broadcast_in_dim3A_322 : vector<16xi32>
          %select_n3A_443 = arith.select %lt3A_442, %broadcast_in_dim3A_320, %get3A_441 : vector<16xi1>, vector<16xi32>
          %swap3A_444 = arith.constant 208 : index
          %swap3A_445 = tpu.vector_load %arg9[%swap3A_444] {strides = array<i32>} : memref<320xi32, #tpu.memory_space<vmem>>, vector<16xi32>,
          %swap3A_446 = vector.shape_cast %swap3A_445 : vector<16xi32> to vector<16xi32>
          %swap3A_447 = vector.shape_cast %select_n3A_443 : vector<16xi32> to vector<16xi32>
          tpu.vector_store %arg9[%swap3A_444], %swap3A_447 {strides = array<i32>} : memref<320xi32, #tpu.memory_space<vmem>>, vector<16xi32>,
          %get3A_448 = arith.constant 224 : index
          %get3A_449 = tpu.vector_load %arg9[%get3A_448] {strides = array<i32>} : memref<320xi32, #tpu.memory_space<vmem>>, vector<16xi32>,
          %get3A_450 = vector.shape_cast %get3A_449 : vector<16xi32> to vector<16xi32>
          %lt3A_451 = arith.cmpi slt, %get3A_450, %broadcast_in_dim3A_322 : vector<16xi32>
          %select_n3A_452 = arith.select %lt3A_451, %broadcast_in_dim3A_320, %get3A_450 : vector<16xi1>, vector<16xi32>
          %swap3A_453 = arith.constant 224 : index
          %swap3A_454 = tpu.vector_load %arg9[%swap3A_453] {strides = array<i32>} : memref<320xi32, #tpu.memory_space<vmem>>, vector<16xi32>,
          %swap3A_455 = vector.shape_cast %swap3A_454 : vector<16xi32> to vector<16xi32>
          %swap3A_456 = vector.shape_cast %select_n3A_452 : vector<16xi32> to vector<16xi32>
          tpu.vector_store %arg9[%swap3A_453], %swap3A_456 {strides = array<i32>} : memref<320xi32, #tpu.memory_space<vmem>>, vector<16xi32>,
          %get3A_457 = arith.constant 240 : index
          %get3A_458 = tpu.vector_load %arg9[%get3A_457] {strides = array<i32>} : memref<320xi32, #tpu.memory_space<vmem>>, vector<16xi32>,
          %get3A_459 = vector.shape_cast %get3A_458 : vector<16xi32> to vector<16xi32>
          %lt3A_460 = arith.cmpi slt, %get3A_459, %broadcast_in_dim3A_322 : vector<16xi32>
          %select_n3A_461 = arith.select %lt3A_460, %broadcast_in_dim3A_320, %get3A_459 : vector<16xi1>, vector<16xi32>
          %swap3A_462 = arith.constant 240 : index
          %swap3A_463 = tpu.vector_load %arg9[%swap3A_462] {strides = array<i32>} : memref<320xi32, #tpu.memory_space<vmem>>, vector<16xi32>,
          %swap3A_464 = vector.shape_cast %swap3A_463 : vector<16xi32> to vector<16xi32>
          %swap3A_465 = vector.shape_cast %select_n3A_461 : vector<16xi32> to vector<16xi32>
          tpu.vector_store %arg9[%swap3A_462], %swap3A_465 {strides = array<i32>} : memref<320xi32, #tpu.memory_space<vmem>>, vector<16xi32>,
          %get3A_466 = arith.constant 256 : index
          %get3A_467 = tpu.vector_load %arg9[%get3A_466] {strides = array<i32>} : memref<320xi32, #tpu.memory_space<vmem>>, vector<16xi32>,
          %get3A_468 = vector.shape_cast %get3A_467 : vector<16xi32> to vector<16xi32>
          %lt3A_469 = arith.cmpi slt, %get3A_468, %broadcast_in_dim3A_322 : vector<16xi32>
          %select_n3A_470 = arith.select %lt3A_469, %broadcast_in_dim3A_320, %get3A_468 : vector<16xi1>, vector<16xi32>
          %swap3A_471 = arith.constant 256 : index
          %swap3A_472 = tpu.vector_load %arg9[%swap3A_471] {strides = array<i32>} : memref<320xi32, #tpu.memory_space<vmem>>, vector<16xi32>,
          %swap3A_473 = vector.shape_cast %swap3A_472 : vector<16xi32> to vector<16xi32>
          %swap3A_474 = vector.shape_cast %select_n3A_470 : vector<16xi32> to vector<16xi32>
          tpu.vector_store %arg9[%swap3A_471], %swap3A_474 {strides = array<i32>} : memref<320xi32, #tpu.memory_space<vmem>>, vector<16xi32>,
          %get3A_475 = arith.constant 272 : index
          %get3A_476 = tpu.vector_load %arg9[%get3A_475] {strides = array<i32>} : memref<320xi32, #tpu.memory_space<vmem>>, vector<16xi32>,
          %get3A_477 = vector.shape_cast %get3A_476 : vector<16xi32> to vector<16xi32>
          %lt3A_478 = arith.cmpi slt, %get3A_477, %broadcast_in_dim3A_322 : vector<16xi32>
          %select_n3A_479 = arith.select %lt3A_478, %broadcast_in_dim3A_320, %get3A_477 : vector<16xi1>, vector<16xi32>
          %swap3A_480 = arith.constant 272 : index
          %swap3A_481 = tpu.vector_load %arg9[%swap3A_480] {strides = array<i32>} : memref<320xi32, #tpu.memory_space<vmem>>, vector<16xi32>,
          %swap3A_482 = vector.shape_cast %swap3A_481 : vector<16xi32> to vector<16xi32>
          %swap3A_483 = vector.shape_cast %select_n3A_479 : vector<16xi32> to vector<16xi32>
          tpu.vector_store %arg9[%swap3A_480], %swap3A_483 {strides = array<i32>} : memref<320xi32, #tpu.memory_space<vmem>>, vector<16xi32>,
          %get3A_484 = arith.constant 288 : index
          %get3A_485 = tpu.vector_load %arg9[%get3A_484] {strides = array<i32>} : memref<320xi32, #tpu.memory_space<vmem>>, vector<16xi32>,
          %get3A_486 = vector.shape_cast %get3A_485 : vector<16xi32> to vector<16xi32>
          %lt3A_487 = arith.cmpi slt, %get3A_486, %broadcast_in_dim3A_322 : vector<16xi32>
          %select_n3A_488 = arith.select %lt3A_487, %broadcast_in_dim3A_320, %get3A_486 : vector<16xi1>, vector<16xi32>
          %swap3A_489 = arith.constant 288 : index
          %swap3A_490 = tpu.vector_load %arg9[%swap3A_489] {strides = array<i32>} : memref<320xi32, #tpu.memory_space<vmem>>, vector<16xi32>,
          %swap3A_491 = vector.shape_cast %swap3A_490 : vector<16xi32> to vector<16xi32>
          %swap3A_492 = vector.shape_cast %select_n3A_488 : vector<16xi32> to vector<16xi32>
          tpu.vector_store %arg9[%swap3A_489], %swap3A_492 {strides = array<i32>} : memref<320xi32, #tpu.memory_space<vmem>>, vector<16xi32>,
          %get3A_493 = arith.constant 304 : index
          %get3A_494 = tpu.vector_load %arg9[%get3A_493] {strides = array<i32>} : memref<320xi32, #tpu.memory_space<vmem>>, vector<16xi32>,
          %get3A_495 = vector.shape_cast %get3A_494 : vector<16xi32> to vector<16xi32>
          %lt3A_496 = arith.cmpi slt, %get3A_495, %broadcast_in_dim3A_322 : vector<16xi32>
          %select_n3A_497 = arith.select %lt3A_496, %broadcast_in_dim3A_320, %get3A_495 : vector<16xi1>, vector<16xi32>
          %swap3A_498 = arith.constant 304 : index
          %swap3A_499 = tpu.vector_load %arg9[%swap3A_498] {strides = array<i32>} : memref<320xi32, #tpu.memory_space<vmem>>, vector<16xi32>,
          %swap3A_500 = vector.shape_cast %swap3A_499 : vector<16xi32> to vector<16xi32>
          %swap3A_501 = vector.shape_cast %select_n3A_497 : vector<16xi32> to vector<16xi32>
          tpu.vector_store %arg9[%swap3A_498], %swap3A_501 {strides = array<i32>} : memref<320xi32, #tpu.memory_space<vmem>>, vector<16xi32>,
        } else {
        }
      } else {
      }
      "tpu.region"() ({
        %run_scoped3A = tpu.sem_alloc : memref<!tpu.dma_semaphore, #tpu.memory_space<semaphore_mem>>
        %dma_start3A_309 = arith.constant 0 : i32
        %dma_start3A_310 = arith.constant 0 : i32
        %dma_start3A_311 = tpu.memref_slice %arg13[%dma_start3A_309, %dma_start3A_310] : memref<5064x128xf32, #tpu.memory_space<vmem_shared>> -> memref<5064x128xf32, #tpu.memory_space<vmem_shared>>
        tpu.enqueue_indirect_dma source(%arg7 : memref<320x128xf32, #tpu.memory_space<vmem>>) target(%dma_start3A_311 : memref<5064x128xf32, #tpu.memory_space<vmem_shared>>) offsets(%arg9 : memref<320xi32, #tpu.memory_space<vmem>>) semaphore(%run_scoped3A : memref<!tpu.dma_semaphore, #tpu.memory_space<semaphore_mem>>) {add = true}
        %dma_wait3A_312 = arith.constant 0 : i32
        %dma_wait3A_313 = arith.constant 0 : i32
        %dma_wait3A_314 = tpu.memref_slice %arg13[%dma_wait3A_312, %dma_wait3A_313] : memref<5064x128xf32, #tpu.memory_space<vmem_shared>> -> memref<5064x128xf32, #tpu.memory_space<vmem_shared>>
        tpu.wait_indirect_dma semaphore(%run_scoped3A : memref<!tpu.dma_semaphore, #tpu.memory_space<semaphore_mem>>) src(%arg7 : memref<320x128xf32, #tpu.memory_space<vmem>>) dst(%dma_wait3A_314 : memref<5064x128xf32, #tpu.memory_space<vmem_shared>>)
        tpu.yield
      }) : () -> ()
      %mul3A_279 = arith.constant 2 : i32
      %mul3A_280 = arith.muli %mul3A_279, %while3A_233 : i32
      %add3A_281 = arith.constant 2 : i32
      %add3A_282 = arith.addi %mul3A_280, %add3A_281 : i32
      %lt3A_283 = arith.cmpi slt, %add3A_282, %max3A_82 : i32
      %convert_element_type3A_284 = arith.extui %lt3A_283 : i1 to i32
      %cond3A_285 = arith.constant 0 : i32
      %cond3A_286 = arith.cmpi ne, %convert_element_type3A_284, %cond3A_285 : i32
      scf.if %cond3A_286 {
        %mul3A_309 = arith.constant 2 : i32
        %mul3A_310 = arith.muli %mul3A_309, %while3A_233 : i32
        %add3A_311 = arith.constant 2 : i32
        %add3A_312 = arith.addi %mul3A_310, %add3A_311 : i32
        %add3A_313 = arith.addi %select_n3A_47, %arg1 : i32
        %mul3A_314 = arith.constant 16 : i32
        %mul3A_315 = arith.muli %mul3A_314, %add3A_312 : i32
        %add3A_316 = arith.addi %add3A_313, %mul3A_315 : i32
        %mul3A_317 = arith.constant 320 : i32
        %mul3A_318 = arith.muli %add3A_316, %mul3A_317 : i32
        %multiple_of3A_319 = tpu.assume_multiple %mul3A_318, 320 : i32
        %eq3A_320 = arith.constant 0 : i32
        %eq3A_321 = arith.cmpi eq, %arg0, %eq3A_320 : i32
        %convert_element_type3A_322 = arith.extui %eq3A_321 : i1 to i32
        %cond3A_323 = arith.constant 0 : i32
        %cond3A_324 = arith.cmpi ne, %convert_element_type3A_322, %cond3A_323 : i32
        scf.if %cond3A_324 {
          %dma_start3A_334 = tpu.memref_slice %arg3[%multiple_of3A_319] : memref<320000xi32, #tpu.memory_space<hbm>> -> memref<320xi32, #tpu.memory_space<hbm>>
          %dma_start3A_335 = tpu.memref_slice %arg3[%multiple_of3A_319] : memref<320000xi32, #tpu.memory_space<hbm>> -> memref<320xi32, #tpu.memory_space<hbm>>
          tpu.enqueue_dma source(%dma_start3A_335 : memref<320xi32, #tpu.memory_space<hbm>>) target(%arg9 : memref<320xi32, #tpu.memory_space<vmem>>) target_semaphore(%arg16 : memref<!tpu.dma_semaphore, #tpu.memory_space<semaphore_mem>>)
        } else {
        }
        %eq3A_325 = arith.constant 1 : i32
        %eq3A_326 = arith.cmpi eq, %arg0, %eq3A_325 : i32
        %convert_element_type3A_327 = arith.extui %eq3A_326 : i1 to i32
        %cond3A_328 = arith.constant 0 : i32
        %cond3A_329 = arith.cmpi ne, %convert_element_type3A_327, %cond3A_328 : i32
        scf.if %cond3A_329 {
          %dma_start3A_334 = tpu.memref_slice %arg4[%multiple_of3A_319] : memref<320000xi32, #tpu.memory_space<hbm>> -> memref<320xi32, #tpu.memory_space<hbm>>
          %dma_start3A_335 = tpu.memref_slice %arg4[%multiple_of3A_319] : memref<320000xi32, #tpu.memory_space<hbm>> -> memref<320xi32, #tpu.memory_space<hbm>>
          tpu.enqueue_dma source(%dma_start3A_335 : memref<320xi32, #tpu.memory_space<hbm>>) target(%arg9 : memref<320xi32, #tpu.memory_space<vmem>>) target_semaphore(%arg16 : memref<!tpu.dma_semaphore, #tpu.memory_space<semaphore_mem>>)
        } else {
        }
        %dma_start3A_330 = arith.constant 0 : i32
        %dma_start3A_331 = tpu.memref_slice %arg2[%multiple_of3A_319, %dma_start3A_330] : memref<320000x128xf32, #tpu.memory_space<hbm>> -> memref<320x128xf32, #tpu.memory_space<hbm>>
        %dma_start3A_332 = arith.constant 0 : i32
        %dma_start3A_333 = tpu.memref_slice %arg2[%multiple_of3A_319, %dma_start3A_332] : memref<320000x128xf32, #tpu.memory_space<hbm>> -> memref<320x128xf32, #tpu.memory_space<hbm>>
        tpu.enqueue_dma source(%dma_start3A_333 : memref<320x128xf32, #tpu.memory_space<hbm>>) target(%arg7 : memref<320x128xf32, #tpu.memory_space<vmem>>) target_semaphore(%arg14 : memref<!tpu.dma_semaphore, #tpu.memory_space<semaphore_mem>>)
      } else {
      }
      %dma_wait3A_287 = arith.constant 0 : i32
      %dma_wait3A_288 = tpu.memref_slice %arg3[%dma_wait3A_287] : memref<320000xi32, #tpu.memory_space<hbm>> -> memref<320xi32, #tpu.memory_space<hbm>>
      %dma_wait3A_289 = arith.constant 0 : i32
      %dma_wait3A_290 = tpu.memref_slice %arg3[%dma_wait3A_289] : memref<320000xi32, #tpu.memory_space<hbm>> -> memref<320xi32, #tpu.memory_space<hbm>>
      tpu.wait_dma2 semaphore(%arg17 : memref<!tpu.dma_semaphore, #tpu.memory_space<semaphore_mem>>) src(%dma_wait3A_290 : memref<320xi32, #tpu.memory_space<hbm>>) dst(%arg10 : memref<320xi32, #tpu.memory_space<vmem>>)
      %dma_wait3A_291 = arith.constant 0 : i32
      %dma_wait3A_292 = arith.constant 0 : i32
      %dma_wait3A_293 = tpu.memref_slice %arg2[%dma_wait3A_291, %dma_wait3A_292] : memref<320000x128xf32, #tpu.memory_space<hbm>> -> memref<320x128xf32, #tpu.memory_space<hbm>>
      %dma_wait3A_294 = arith.constant 0 : i32
      %dma_wait3A_295 = arith.constant 0 : i32
      %dma_wait3A_296 = tpu.memref_slice %arg2[%dma_wait3A_294, %dma_wait3A_295] : memref<320000x128xf32, #tpu.memory_space<hbm>> -> memref<320x128xf32, #tpu.memory_space<hbm>>
      tpu.wait_dma2 semaphore(%arg15 : memref<!tpu.dma_semaphore, #tpu.memory_space<semaphore_mem>>) src(%dma_wait3A_296 : memref<320x128xf32, #tpu.memory_space<hbm>>) dst(%arg8 : memref<320x128xf32, #tpu.memory_space<vmem>>)
      %mul3A_297 = arith.constant 2 : i32
      %mul3A_298 = arith.muli %mul3A_297, %while3A_233 : i32
      %add3A_299 = arith.constant 1 : i32
      %add3A_300 = arith.addi %mul3A_298, %add3A_299 : i32
      %add3A_301 = arith.addi %select_n3A_47, %arg1 : i32
      %mul3A_302 = arith.constant 16 : i32
      %mul3A_303 = arith.muli %mul3A_302, %add3A_300 : i32
      %add3A_304 = arith.addi %add3A_301, %mul3A_303 : i32
      %eq3A_305 = arith.cmpi eq, %add3A_304, %select_n3A_44 : i32
      %convert_element_type3A_306 = arith.extui %eq3A_305 : i1 to i32
      %cond3A_307 = arith.constant 0 : i32
      %cond3A_308 = arith.cmpi ne, %convert_element_type3A_306, %cond3A_307 : i32
      scf.if %cond3A_308 {
        %eq3A_309 = arith.constant 0 : i32
        %eq3A_310 = arith.cmpi eq, %arg0, %eq3A_309 : i32
        %convert_element_type3A_311 = arith.extui %eq3A_310 : i1 to i32
        %cond3A_312 = arith.constant 0 : i32
        %cond3A_313 = arith.cmpi ne, %convert_element_type3A_311, %cond3A_312 : i32
        scf.if %cond3A_313 {
          %broadcast_in_dim3A_319 = arith.constant 5056 : i32
          %broadcast_in_dim3A_320 = vector.broadcast %broadcast_in_dim3A_319 : i32 to vector<16xi32>
          %get3A_321 = arith.constant 0 : index
          %get3A_322 = tpu.vector_load %arg10[%get3A_321] {strides = array<i32>} : memref<320xi32, #tpu.memory_space<vmem>>, vector<16xi32>,
          %get3A_323 = vector.shape_cast %get3A_322 : vector<16xi32> to vector<16xi32>
          %min3A_324 = arith.minsi %get3A_323, %broadcast_in_dim3A_320 : vector<16xi32>
          %swap3A = arith.constant 0 : index
          %swap3A_325 = tpu.vector_load %arg10[%swap3A] {strides = array<i32>} : memref<320xi32, #tpu.memory_space<vmem>>, vector<16xi32>,
          %swap3A_326 = vector.shape_cast %swap3A_325 : vector<16xi32> to vector<16xi32>
          %swap3A_327 = vector.shape_cast %min3A_324 : vector<16xi32> to vector<16xi32>
          tpu.vector_store %arg10[%swap3A], %swap3A_327 {strides = array<i32>} : memref<320xi32, #tpu.memory_space<vmem>>, vector<16xi32>,
          %get3A_328 = arith.constant 16 : index
          %get3A_329 = tpu.vector_load %arg10[%get3A_328] {strides = array<i32>} : memref<320xi32, #tpu.memory_space<vmem>>, vector<16xi32>,
          %get3A_330 = vector.shape_cast %get3A_329 : vector<16xi32> to vector<16xi32>
          %min3A_331 = arith.minsi %get3A_330, %broadcast_in_dim3A_320 : vector<16xi32>
          %swap3A_332 = arith.constant 16 : index
          %swap3A_333 = tpu.vector_load %arg10[%swap3A_332] {strides = array<i32>} : memref<320xi32, #tpu.memory_space<vmem>>, vector<16xi32>,
          %swap3A_334 = vector.shape_cast %swap3A_333 : vector<16xi32> to vector<16xi32>
          %swap3A_335 = vector.shape_cast %min3A_331 : vector<16xi32> to vector<16xi32>
          tpu.vector_store %arg10[%swap3A_332], %swap3A_335 {strides = array<i32>} : memref<320xi32, #tpu.memory_space<vmem>>, vector<16xi32>,
          %get3A_336 = arith.constant 32 : index
          %get3A_337 = tpu.vector_load %arg10[%get3A_336] {strides = array<i32>} : memref<320xi32, #tpu.memory_space<vmem>>, vector<16xi32>,
          %get3A_338 = vector.shape_cast %get3A_337 : vector<16xi32> to vector<16xi32>
          %min3A_339 = arith.minsi %get3A_338, %broadcast_in_dim3A_320 : vector<16xi32>
          %swap3A_340 = arith.constant 32 : index
          %swap3A_341 = tpu.vector_load %arg10[%swap3A_340] {strides = array<i32>} : memref<320xi32, #tpu.memory_space<vmem>>, vector<16xi32>,
          %swap3A_342 = vector.shape_cast %swap3A_341 : vector<16xi32> to vector<16xi32>
          %swap3A_343 = vector.shape_cast %min3A_339 : vector<16xi32> to vector<16xi32>
          tpu.vector_store %arg10[%swap3A_340], %swap3A_343 {strides = array<i32>} : memref<320xi32, #tpu.memory_space<vmem>>, vector<16xi32>,
          %get3A_344 = arith.constant 48 : index
          %get3A_345 = tpu.vector_load %arg10[%get3A_344] {strides = array<i32>} : memref<320xi32, #tpu.memory_space<vmem>>, vector<16xi32>,
          %get3A_346 = vector.shape_cast %get3A_345 : vector<16xi32> to vector<16xi32>
          %min3A_347 = arith.minsi %get3A_346, %broadcast_in_dim3A_320 : vector<16xi32>
          %swap3A_348 = arith.constant 48 : index
          %swap3A_349 = tpu.vector_load %arg10[%swap3A_348] {strides = array<i32>} : memref<320xi32, #tpu.memory_space<vmem>>, vector<16xi32>,
          %swap3A_350 = vector.shape_cast %swap3A_349 : vector<16xi32> to vector<16xi32>
          %swap3A_351 = vector.shape_cast %min3A_347 : vector<16xi32> to vector<16xi32>
          tpu.vector_store %arg10[%swap3A_348], %swap3A_351 {strides = array<i32>} : memref<320xi32, #tpu.memory_space<vmem>>, vector<16xi32>,
          %get3A_352 = arith.constant 64 : index
          %get3A_353 = tpu.vector_load %arg10[%get3A_352] {strides = array<i32>} : memref<320xi32, #tpu.memory_space<vmem>>, vector<16xi32>,
          %get3A_354 = vector.shape_cast %get3A_353 : vector<16xi32> to vector<16xi32>
          %min3A_355 = arith.minsi %get3A_354, %broadcast_in_dim3A_320 : vector<16xi32>
          %swap3A_356 = arith.constant 64 : index
          %swap3A_357 = tpu.vector_load %arg10[%swap3A_356] {strides = array<i32>} : memref<320xi32, #tpu.memory_space<vmem>>, vector<16xi32>,
          %swap3A_358 = vector.shape_cast %swap3A_357 : vector<16xi32> to vector<16xi32>
          %swap3A_359 = vector.shape_cast %min3A_355 : vector<16xi32> to vector<16xi32>
          tpu.vector_store %arg10[%swap3A_356], %swap3A_359 {strides = array<i32>} : memref<320xi32, #tpu.memory_space<vmem>>, vector<16xi32>,
          %get3A_360 = arith.constant 80 : index
          %get3A_361 = tpu.vector_load %arg10[%get3A_360] {strides = array<i32>} : memref<320xi32, #tpu.memory_space<vmem>>, vector<16xi32>,
          %get3A_362 = vector.shape_cast %get3A_361 : vector<16xi32> to vector<16xi32>
          %min3A_363 = arith.minsi %get3A_362, %broadcast_in_dim3A_320 : vector<16xi32>
          %swap3A_364 = arith.constant 80 : index
          %swap3A_365 = tpu.vector_load %arg10[%swap3A_364] {strides = array<i32>} : memref<320xi32, #tpu.memory_space<vmem>>, vector<16xi32>,
          %swap3A_366 = vector.shape_cast %swap3A_365 : vector<16xi32> to vector<16xi32>
          %swap3A_367 = vector.shape_cast %min3A_363 : vector<16xi32> to vector<16xi32>
          tpu.vector_store %arg10[%swap3A_364], %swap3A_367 {strides = array<i32>} : memref<320xi32, #tpu.memory_space<vmem>>, vector<16xi32>,
          %get3A_368 = arith.constant 96 : index
          %get3A_369 = tpu.vector_load %arg10[%get3A_368] {strides = array<i32>} : memref<320xi32, #tpu.memory_space<vmem>>, vector<16xi32>,
          %get3A_370 = vector.shape_cast %get3A_369 : vector<16xi32> to vector<16xi32>
          %min3A_371 = arith.minsi %get3A_370, %broadcast_in_dim3A_320 : vector<16xi32>
          %swap3A_372 = arith.constant 96 : index
          %swap3A_373 = tpu.vector_load %arg10[%swap3A_372] {strides = array<i32>} : memref<320xi32, #tpu.memory_space<vmem>>, vector<16xi32>,
          %swap3A_374 = vector.shape_cast %swap3A_373 : vector<16xi32> to vector<16xi32>
          %swap3A_375 = vector.shape_cast %min3A_371 : vector<16xi32> to vector<16xi32>
          tpu.vector_store %arg10[%swap3A_372], %swap3A_375 {strides = array<i32>} : memref<320xi32, #tpu.memory_space<vmem>>, vector<16xi32>,
          %get3A_376 = arith.constant 112 : index
          %get3A_377 = tpu.vector_load %arg10[%get3A_376] {strides = array<i32>} : memref<320xi32, #tpu.memory_space<vmem>>, vector<16xi32>,
          %get3A_378 = vector.shape_cast %get3A_377 : vector<16xi32> to vector<16xi32>
          %min3A_379 = arith.minsi %get3A_378, %broadcast_in_dim3A_320 : vector<16xi32>
          %swap3A_380 = arith.constant 112 : index
          %swap3A_381 = tpu.vector_load %arg10[%swap3A_380] {strides = array<i32>} : memref<320xi32, #tpu.memory_space<vmem>>, vector<16xi32>,
          %swap3A_382 = vector.shape_cast %swap3A_381 : vector<16xi32> to vector<16xi32>
          %swap3A_383 = vector.shape_cast %min3A_379 : vector<16xi32> to vector<16xi32>
          tpu.vector_store %arg10[%swap3A_380], %swap3A_383 {strides = array<i32>} : memref<320xi32, #tpu.memory_space<vmem>>, vector<16xi32>,
          %get3A_384 = arith.constant 128 : index
          %get3A_385 = tpu.vector_load %arg10[%get3A_384] {strides = array<i32>} : memref<320xi32, #tpu.memory_space<vmem>>, vector<16xi32>,
          %get3A_386 = vector.shape_cast %get3A_385 : vector<16xi32> to vector<16xi32>
          %min3A_387 = arith.minsi %get3A_386, %broadcast_in_dim3A_320 : vector<16xi32>
          %swap3A_388 = arith.constant 128 : index
          %swap3A_389 = tpu.vector_load %arg10[%swap3A_388] {strides = array<i32>} : memref<320xi32, #tpu.memory_space<vmem>>, vector<16xi32>,
          %swap3A_390 = vector.shape_cast %swap3A_389 : vector<16xi32> to vector<16xi32>
          %swap3A_391 = vector.shape_cast %min3A_387 : vector<16xi32> to vector<16xi32>
          tpu.vector_store %arg10[%swap3A_388], %swap3A_391 {strides = array<i32>} : memref<320xi32, #tpu.memory_space<vmem>>, vector<16xi32>,
          %get3A_392 = arith.constant 144 : index
          %get3A_393 = tpu.vector_load %arg10[%get3A_392] {strides = array<i32>} : memref<320xi32, #tpu.memory_space<vmem>>, vector<16xi32>,
          %get3A_394 = vector.shape_cast %get3A_393 : vector<16xi32> to vector<16xi32>
          %min3A_395 = arith.minsi %get3A_394, %broadcast_in_dim3A_320 : vector<16xi32>
          %swap3A_396 = arith.constant 144 : index
          %swap3A_397 = tpu.vector_load %arg10[%swap3A_396] {strides = array<i32>} : memref<320xi32, #tpu.memory_space<vmem>>, vector<16xi32>,
          %swap3A_398 = vector.shape_cast %swap3A_397 : vector<16xi32> to vector<16xi32>
          %swap3A_399 = vector.shape_cast %min3A_395 : vector<16xi32> to vector<16xi32>
          tpu.vector_store %arg10[%swap3A_396], %swap3A_399 {strides = array<i32>} : memref<320xi32, #tpu.memory_space<vmem>>, vector<16xi32>,
          %get3A_400 = arith.constant 160 : index
          %get3A_401 = tpu.vector_load %arg10[%get3A_400] {strides = array<i32>} : memref<320xi32, #tpu.memory_space<vmem>>, vector<16xi32>,
          %get3A_402 = vector.shape_cast %get3A_401 : vector<16xi32> to vector<16xi32>
          %min3A_403 = arith.minsi %get3A_402, %broadcast_in_dim3A_320 : vector<16xi32>
          %swap3A_404 = arith.constant 160 : index
          %swap3A_405 = tpu.vector_load %arg10[%swap3A_404] {strides = array<i32>} : memref<320xi32, #tpu.memory_space<vmem>>, vector<16xi32>,
          %swap3A_406 = vector.shape_cast %swap3A_405 : vector<16xi32> to vector<16xi32>
          %swap3A_407 = vector.shape_cast %min3A_403 : vector<16xi32> to vector<16xi32>
          tpu.vector_store %arg10[%swap3A_404], %swap3A_407 {strides = array<i32>} : memref<320xi32, #tpu.memory_space<vmem>>, vector<16xi32>,
          %get3A_408 = arith.constant 176 : index
          %get3A_409 = tpu.vector_load %arg10[%get3A_408] {strides = array<i32>} : memref<320xi32, #tpu.memory_space<vmem>>, vector<16xi32>,
          %get3A_410 = vector.shape_cast %get3A_409 : vector<16xi32> to vector<16xi32>
          %min3A_411 = arith.minsi %get3A_410, %broadcast_in_dim3A_320 : vector<16xi32>
          %swap3A_412 = arith.constant 176 : index
          %swap3A_413 = tpu.vector_load %arg10[%swap3A_412] {strides = array<i32>} : memref<320xi32, #tpu.memory_space<vmem>>, vector<16xi32>,
          %swap3A_414 = vector.shape_cast %swap3A_413 : vector<16xi32> to vector<16xi32>
          %swap3A_415 = vector.shape_cast %min3A_411 : vector<16xi32> to vector<16xi32>
          tpu.vector_store %arg10[%swap3A_412], %swap3A_415 {strides = array<i32>} : memref<320xi32, #tpu.memory_space<vmem>>, vector<16xi32>,
          %get3A_416 = arith.constant 192 : index
          %get3A_417 = tpu.vector_load %arg10[%get3A_416] {strides = array<i32>} : memref<320xi32, #tpu.memory_space<vmem>>, vector<16xi32>,
          %get3A_418 = vector.shape_cast %get3A_417 : vector<16xi32> to vector<16xi32>
          %min3A_419 = arith.minsi %get3A_418, %broadcast_in_dim3A_320 : vector<16xi32>
          %swap3A_420 = arith.constant 192 : index
          %swap3A_421 = tpu.vector_load %arg10[%swap3A_420] {strides = array<i32>} : memref<320xi32, #tpu.memory_space<vmem>>, vector<16xi32>,
          %swap3A_422 = vector.shape_cast %swap3A_421 : vector<16xi32> to vector<16xi32>
          %swap3A_423 = vector.shape_cast %min3A_419 : vector<16xi32> to vector<16xi32>
          tpu.vector_store %arg10[%swap3A_420], %swap3A_423 {strides = array<i32>} : memref<320xi32, #tpu.memory_space<vmem>>, vector<16xi32>,
          %get3A_424 = arith.constant 208 : index
          %get3A_425 = tpu.vector_load %arg10[%get3A_424] {strides = array<i32>} : memref<320xi32, #tpu.memory_space<vmem>>, vector<16xi32>,
          %get3A_426 = vector.shape_cast %get3A_425 : vector<16xi32> to vector<16xi32>
          %min3A_427 = arith.minsi %get3A_426, %broadcast_in_dim3A_320 : vector<16xi32>
          %swap3A_428 = arith.constant 208 : index
          %swap3A_429 = tpu.vector_load %arg10[%swap3A_428] {strides = array<i32>} : memref<320xi32, #tpu.memory_space<vmem>>, vector<16xi32>,
          %swap3A_430 = vector.shape_cast %swap3A_429 : vector<16xi32> to vector<16xi32>
          %swap3A_431 = vector.shape_cast %min3A_427 : vector<16xi32> to vector<16xi32>
          tpu.vector_store %arg10[%swap3A_428], %swap3A_431 {strides = array<i32>} : memref<320xi32, #tpu.memory_space<vmem>>, vector<16xi32>,
          %get3A_432 = arith.constant 224 : index
          %get3A_433 = tpu.vector_load %arg10[%get3A_432] {strides = array<i32>} : memref<320xi32, #tpu.memory_space<vmem>>, vector<16xi32>,
          %get3A_434 = vector.shape_cast %get3A_433 : vector<16xi32> to vector<16xi32>
          %min3A_435 = arith.minsi %get3A_434, %broadcast_in_dim3A_320 : vector<16xi32>
          %swap3A_436 = arith.constant 224 : index
          %swap3A_437 = tpu.vector_load %arg10[%swap3A_436] {strides = array<i32>} : memref<320xi32, #tpu.memory_space<vmem>>, vector<16xi32>,
          %swap3A_438 = vector.shape_cast %swap3A_437 : vector<16xi32> to vector<16xi32>
          %swap3A_439 = vector.shape_cast %min3A_435 : vector<16xi32> to vector<16xi32>
          tpu.vector_store %arg10[%swap3A_436], %swap3A_439 {strides = array<i32>} : memref<320xi32, #tpu.memory_space<vmem>>, vector<16xi32>,
          %get3A_440 = arith.constant 240 : index
          %get3A_441 = tpu.vector_load %arg10[%get3A_440] {strides = array<i32>} : memref<320xi32, #tpu.memory_space<vmem>>, vector<16xi32>,
          %get3A_442 = vector.shape_cast %get3A_441 : vector<16xi32> to vector<16xi32>
          %min3A_443 = arith.minsi %get3A_442, %broadcast_in_dim3A_320 : vector<16xi32>
          %swap3A_444 = arith.constant 240 : index
          %swap3A_445 = tpu.vector_load %arg10[%swap3A_444] {strides = array<i32>} : memref<320xi32, #tpu.memory_space<vmem>>, vector<16xi32>,
          %swap3A_446 = vector.shape_cast %swap3A_445 : vector<16xi32> to vector<16xi32>
          %swap3A_447 = vector.shape_cast %min3A_443 : vector<16xi32> to vector<16xi32>
          tpu.vector_store %arg10[%swap3A_444], %swap3A_447 {strides = array<i32>} : memref<320xi32, #tpu.memory_space<vmem>>, vector<16xi32>,
          %get3A_448 = arith.constant 256 : index
          %get3A_449 = tpu.vector_load %arg10[%get3A_448] {strides = array<i32>} : memref<320xi32, #tpu.memory_space<vmem>>, vector<16xi32>,
          %get3A_450 = vector.shape_cast %get3A_449 : vector<16xi32> to vector<16xi32>
          %min3A_451 = arith.minsi %get3A_450, %broadcast_in_dim3A_320 : vector<16xi32>
          %swap3A_452 = arith.constant 256 : index
          %swap3A_453 = tpu.vector_load %arg10[%swap3A_452] {strides = array<i32>} : memref<320xi32, #tpu.memory_space<vmem>>, vector<16xi32>,
          %swap3A_454 = vector.shape_cast %swap3A_453 : vector<16xi32> to vector<16xi32>
          %swap3A_455 = vector.shape_cast %min3A_451 : vector<16xi32> to vector<16xi32>
          tpu.vector_store %arg10[%swap3A_452], %swap3A_455 {strides = array<i32>} : memref<320xi32, #tpu.memory_space<vmem>>, vector<16xi32>,
          %get3A_456 = arith.constant 272 : index
          %get3A_457 = tpu.vector_load %arg10[%get3A_456] {strides = array<i32>} : memref<320xi32, #tpu.memory_space<vmem>>, vector<16xi32>,
          %get3A_458 = vector.shape_cast %get3A_457 : vector<16xi32> to vector<16xi32>
          %min3A_459 = arith.minsi %get3A_458, %broadcast_in_dim3A_320 : vector<16xi32>
          %swap3A_460 = arith.constant 272 : index
          %swap3A_461 = tpu.vector_load %arg10[%swap3A_460] {strides = array<i32>} : memref<320xi32, #tpu.memory_space<vmem>>, vector<16xi32>,
          %swap3A_462 = vector.shape_cast %swap3A_461 : vector<16xi32> to vector<16xi32>
          %swap3A_463 = vector.shape_cast %min3A_459 : vector<16xi32> to vector<16xi32>
          tpu.vector_store %arg10[%swap3A_460], %swap3A_463 {strides = array<i32>} : memref<320xi32, #tpu.memory_space<vmem>>, vector<16xi32>,
          %get3A_464 = arith.constant 288 : index
          %get3A_465 = tpu.vector_load %arg10[%get3A_464] {strides = array<i32>} : memref<320xi32, #tpu.memory_space<vmem>>, vector<16xi32>,
          %get3A_466 = vector.shape_cast %get3A_465 : vector<16xi32> to vector<16xi32>
          %min3A_467 = arith.minsi %get3A_466, %broadcast_in_dim3A_320 : vector<16xi32>
          %swap3A_468 = arith.constant 288 : index
          %swap3A_469 = tpu.vector_load %arg10[%swap3A_468] {strides = array<i32>} : memref<320xi32, #tpu.memory_space<vmem>>, vector<16xi32>,
          %swap3A_470 = vector.shape_cast %swap3A_469 : vector<16xi32> to vector<16xi32>
          %swap3A_471 = vector.shape_cast %min3A_467 : vector<16xi32> to vector<16xi32>
          tpu.vector_store %arg10[%swap3A_468], %swap3A_471 {strides = array<i32>} : memref<320xi32, #tpu.memory_space<vmem>>, vector<16xi32>,
          %get3A_472 = arith.constant 304 : index
          %get3A_473 = tpu.vector_load %arg10[%get3A_472] {strides = array<i32>} : memref<320xi32, #tpu.memory_space<vmem>>, vector<16xi32>,
          %get3A_474 = vector.shape_cast %get3A_473 : vector<16xi32> to vector<16xi32>
          %min3A_475 = arith.minsi %get3A_474, %broadcast_in_dim3A_320 : vector<16xi32>
          %swap3A_476 = arith.constant 304 : index
          %swap3A_477 = tpu.vector_load %arg10[%swap3A_476] {strides = array<i32>} : memref<320xi32, #tpu.memory_space<vmem>>, vector<16xi32>,
          %swap3A_478 = vector.shape_cast %swap3A_477 : vector<16xi32> to vector<16xi32>
          %swap3A_479 = vector.shape_cast %min3A_475 : vector<16xi32> to vector<16xi32>
          tpu.vector_store %arg10[%swap3A_476], %swap3A_479 {strides = array<i32>} : memref<320xi32, #tpu.memory_space<vmem>>, vector<16xi32>,
        } else {
        }
        %eq3A_314 = arith.constant 1 : i32
        %eq3A_315 = arith.cmpi eq, %arg0, %eq3A_314 : i32
        %convert_element_type3A_316 = arith.extui %eq3A_315 : i1 to i32
        %cond3A_317 = arith.constant 0 : i32
        %cond3A_318 = arith.cmpi ne, %convert_element_type3A_316, %cond3A_317 : i32
        scf.if %cond3A_318 {
          %broadcast_in_dim3A_319 = arith.constant 4944 : i32
          %broadcast_in_dim3A_320 = vector.broadcast %broadcast_in_dim3A_319 : i32 to vector<16xi32>
          %broadcast_in_dim3A_321 = arith.constant 0 : i32
          %broadcast_in_dim3A_322 = vector.broadcast %broadcast_in_dim3A_321 : i32 to vector<16xi32>
          %get3A_323 = arith.constant 0 : index
          %get3A_324 = tpu.vector_load %arg10[%get3A_323] {strides = array<i32>} : memref<320xi32, #tpu.memory_space<vmem>>, vector<16xi32>,
          %get3A_325 = vector.shape_cast %get3A_324 : vector<16xi32> to vector<16xi32>
          %lt3A_326 = arith.cmpi slt, %get3A_325, %broadcast_in_dim3A_322 : vector<16xi32>
          %select_n3A_327 = arith.select %lt3A_326, %broadcast_in_dim3A_320, %get3A_325 : vector<16xi1>, vector<16xi32>
          %swap3A = arith.constant 0 : index
          %swap3A_328 = tpu.vector_load %arg10[%swap3A] {strides = array<i32>} : memref<320xi32, #tpu.memory_space<vmem>>, vector<16xi32>,
          %swap3A_329 = vector.shape_cast %swap3A_328 : vector<16xi32> to vector<16xi32>
          %swap3A_330 = vector.shape_cast %select_n3A_327 : vector<16xi32> to vector<16xi32>
          tpu.vector_store %arg10[%swap3A], %swap3A_330 {strides = array<i32>} : memref<320xi32, #tpu.memory_space<vmem>>, vector<16xi32>,
          %get3A_331 = arith.constant 16 : index
          %get3A_332 = tpu.vector_load %arg10[%get3A_331] {strides = array<i32>} : memref<320xi32, #tpu.memory_space<vmem>>, vector<16xi32>,
          %get3A_333 = vector.shape_cast %get3A_332 : vector<16xi32> to vector<16xi32>
          %lt3A_334 = arith.cmpi slt, %get3A_333, %broadcast_in_dim3A_322 : vector<16xi32>
          %select_n3A_335 = arith.select %lt3A_334, %broadcast_in_dim3A_320, %get3A_333 : vector<16xi1>, vector<16xi32>
          %swap3A_336 = arith.constant 16 : index
          %swap3A_337 = tpu.vector_load %arg10[%swap3A_336] {strides = array<i32>} : memref<320xi32, #tpu.memory_space<vmem>>, vector<16xi32>,
          %swap3A_338 = vector.shape_cast %swap3A_337 : vector<16xi32> to vector<16xi32>
          %swap3A_339 = vector.shape_cast %select_n3A_335 : vector<16xi32> to vector<16xi32>
          tpu.vector_store %arg10[%swap3A_336], %swap3A_339 {strides = array<i32>} : memref<320xi32, #tpu.memory_space<vmem>>, vector<16xi32>,
          %get3A_340 = arith.constant 32 : index
          %get3A_341 = tpu.vector_load %arg10[%get3A_340] {strides = array<i32>} : memref<320xi32, #tpu.memory_space<vmem>>, vector<16xi32>,
          %get3A_342 = vector.shape_cast %get3A_341 : vector<16xi32> to vector<16xi32>
          %lt3A_343 = arith.cmpi slt, %get3A_342, %broadcast_in_dim3A_322 : vector<16xi32>
          %select_n3A_344 = arith.select %lt3A_343, %broadcast_in_dim3A_320, %get3A_342 : vector<16xi1>, vector<16xi32>
          %swap3A_345 = arith.constant 32 : index
          %swap3A_346 = tpu.vector_load %arg10[%swap3A_345] {strides = array<i32>} : memref<320xi32, #tpu.memory_space<vmem>>, vector<16xi32>,
          %swap3A_347 = vector.shape_cast %swap3A_346 : vector<16xi32> to vector<16xi32>
          %swap3A_348 = vector.shape_cast %select_n3A_344 : vector<16xi32> to vector<16xi32>
          tpu.vector_store %arg10[%swap3A_345], %swap3A_348 {strides = array<i32>} : memref<320xi32, #tpu.memory_space<vmem>>, vector<16xi32>,
          %get3A_349 = arith.constant 48 : index
          %get3A_350 = tpu.vector_load %arg10[%get3A_349] {strides = array<i32>} : memref<320xi32, #tpu.memory_space<vmem>>, vector<16xi32>,
          %get3A_351 = vector.shape_cast %get3A_350 : vector<16xi32> to vector<16xi32>
          %lt3A_352 = arith.cmpi slt, %get3A_351, %broadcast_in_dim3A_322 : vector<16xi32>
          %select_n3A_353 = arith.select %lt3A_352, %broadcast_in_dim3A_320, %get3A_351 : vector<16xi1>, vector<16xi32>
          %swap3A_354 = arith.constant 48 : index
          %swap3A_355 = tpu.vector_load %arg10[%swap3A_354] {strides = array<i32>} : memref<320xi32, #tpu.memory_space<vmem>>, vector<16xi32>,
          %swap3A_356 = vector.shape_cast %swap3A_355 : vector<16xi32> to vector<16xi32>
          %swap3A_357 = vector.shape_cast %select_n3A_353 : vector<16xi32> to vector<16xi32>
          tpu.vector_store %arg10[%swap3A_354], %swap3A_357 {strides = array<i32>} : memref<320xi32, #tpu.memory_space<vmem>>, vector<16xi32>,
          %get3A_358 = arith.constant 64 : index
          %get3A_359 = tpu.vector_load %arg10[%get3A_358] {strides = array<i32>} : memref<320xi32, #tpu.memory_space<vmem>>, vector<16xi32>,
          %get3A_360 = vector.shape_cast %get3A_359 : vector<16xi32> to vector<16xi32>
          %lt3A_361 = arith.cmpi slt, %get3A_360, %broadcast_in_dim3A_322 : vector<16xi32>
          %select_n3A_362 = arith.select %lt3A_361, %broadcast_in_dim3A_320, %get3A_360 : vector<16xi1>, vector<16xi32>
          %swap3A_363 = arith.constant 64 : index
          %swap3A_364 = tpu.vector_load %arg10[%swap3A_363] {strides = array<i32>} : memref<320xi32, #tpu.memory_space<vmem>>, vector<16xi32>,
          %swap3A_365 = vector.shape_cast %swap3A_364 : vector<16xi32> to vector<16xi32>
          %swap3A_366 = vector.shape_cast %select_n3A_362 : vector<16xi32> to vector<16xi32>
          tpu.vector_store %arg10[%swap3A_363], %swap3A_366 {strides = array<i32>} : memref<320xi32, #tpu.memory_space<vmem>>, vector<16xi32>,
          %get3A_367 = arith.constant 80 : index
          %get3A_368 = tpu.vector_load %arg10[%get3A_367] {strides = array<i32>} : memref<320xi32, #tpu.memory_space<vmem>>, vector<16xi32>,
          %get3A_369 = vector.shape_cast %get3A_368 : vector<16xi32> to vector<16xi32>
          %lt3A_370 = arith.cmpi slt, %get3A_369, %broadcast_in_dim3A_322 : vector<16xi32>
          %select_n3A_371 = arith.select %lt3A_370, %broadcast_in_dim3A_320, %get3A_369 : vector<16xi1>, vector<16xi32>
          %swap3A_372 = arith.constant 80 : index
          %swap3A_373 = tpu.vector_load %arg10[%swap3A_372] {strides = array<i32>} : memref<320xi32, #tpu.memory_space<vmem>>, vector<16xi32>,
          %swap3A_374 = vector.shape_cast %swap3A_373 : vector<16xi32> to vector<16xi32>
          %swap3A_375 = vector.shape_cast %select_n3A_371 : vector<16xi32> to vector<16xi32>
          tpu.vector_store %arg10[%swap3A_372], %swap3A_375 {strides = array<i32>} : memref<320xi32, #tpu.memory_space<vmem>>, vector<16xi32>,
          %get3A_376 = arith.constant 96 : index
          %get3A_377 = tpu.vector_load %arg10[%get3A_376] {strides = array<i32>} : memref<320xi32, #tpu.memory_space<vmem>>, vector<16xi32>,
          %get3A_378 = vector.shape_cast %get3A_377 : vector<16xi32> to vector<16xi32>
          %lt3A_379 = arith.cmpi slt, %get3A_378, %broadcast_in_dim3A_322 : vector<16xi32>
          %select_n3A_380 = arith.select %lt3A_379, %broadcast_in_dim3A_320, %get3A_378 : vector<16xi1>, vector<16xi32>
          %swap3A_381 = arith.constant 96 : index
          %swap3A_382 = tpu.vector_load %arg10[%swap3A_381] {strides = array<i32>} : memref<320xi32, #tpu.memory_space<vmem>>, vector<16xi32>,
          %swap3A_383 = vector.shape_cast %swap3A_382 : vector<16xi32> to vector<16xi32>
          %swap3A_384 = vector.shape_cast %select_n3A_380 : vector<16xi32> to vector<16xi32>
          tpu.vector_store %arg10[%swap3A_381], %swap3A_384 {strides = array<i32>} : memref<320xi32, #tpu.memory_space<vmem>>, vector<16xi32>,
          %get3A_385 = arith.constant 112 : index
          %get3A_386 = tpu.vector_load %arg10[%get3A_385] {strides = array<i32>} : memref<320xi32, #tpu.memory_space<vmem>>, vector<16xi32>,
          %get3A_387 = vector.shape_cast %get3A_386 : vector<16xi32> to vector<16xi32>
          %lt3A_388 = arith.cmpi slt, %get3A_387, %broadcast_in_dim3A_322 : vector<16xi32>
          %select_n3A_389 = arith.select %lt3A_388, %broadcast_in_dim3A_320, %get3A_387 : vector<16xi1>, vector<16xi32>
          %swap3A_390 = arith.constant 112 : index
          %swap3A_391 = tpu.vector_load %arg10[%swap3A_390] {strides = array<i32>} : memref<320xi32, #tpu.memory_space<vmem>>, vector<16xi32>,
          %swap3A_392 = vector.shape_cast %swap3A_391 : vector<16xi32> to vector<16xi32>
          %swap3A_393 = vector.shape_cast %select_n3A_389 : vector<16xi32> to vector<16xi32>
          tpu.vector_store %arg10[%swap3A_390], %swap3A_393 {strides = array<i32>} : memref<320xi32, #tpu.memory_space<vmem>>, vector<16xi32>,
          %get3A_394 = arith.constant 128 : index
          %get3A_395 = tpu.vector_load %arg10[%get3A_394] {strides = array<i32>} : memref<320xi32, #tpu.memory_space<vmem>>, vector<16xi32>,
          %get3A_396 = vector.shape_cast %get3A_395 : vector<16xi32> to vector<16xi32>
          %lt3A_397 = arith.cmpi slt, %get3A_396, %broadcast_in_dim3A_322 : vector<16xi32>
          %select_n3A_398 = arith.select %lt3A_397, %broadcast_in_dim3A_320, %get3A_396 : vector<16xi1>, vector<16xi32>
          %swap3A_399 = arith.constant 128 : index
          %swap3A_400 = tpu.vector_load %arg10[%swap3A_399] {strides = array<i32>} : memref<320xi32, #tpu.memory_space<vmem>>, vector<16xi32>,
          %swap3A_401 = vector.shape_cast %swap3A_400 : vector<16xi32> to vector<16xi32>
          %swap3A_402 = vector.shape_cast %select_n3A_398 : vector<16xi32> to vector<16xi32>
          tpu.vector_store %arg10[%swap3A_399], %swap3A_402 {strides = array<i32>} : memref<320xi32, #tpu.memory_space<vmem>>, vector<16xi32>,
          %get3A_403 = arith.constant 144 : index
          %get3A_404 = tpu.vector_load %arg10[%get3A_403] {strides = array<i32>} : memref<320xi32, #tpu.memory_space<vmem>>, vector<16xi32>,
          %get3A_405 = vector.shape_cast %get3A_404 : vector<16xi32> to vector<16xi32>
          %lt3A_406 = arith.cmpi slt, %get3A_405, %broadcast_in_dim3A_322 : vector<16xi32>
          %select_n3A_407 = arith.select %lt3A_406, %broadcast_in_dim3A_320, %get3A_405 : vector<16xi1>, vector<16xi32>
          %swap3A_408 = arith.constant 144 : index
          %swap3A_409 = tpu.vector_load %arg10[%swap3A_408] {strides = array<i32>} : memref<320xi32, #tpu.memory_space<vmem>>, vector<16xi32>,
          %swap3A_410 = vector.shape_cast %swap3A_409 : vector<16xi32> to vector<16xi32>
          %swap3A_411 = vector.shape_cast %select_n3A_407 : vector<16xi32> to vector<16xi32>
          tpu.vector_store %arg10[%swap3A_408], %swap3A_411 {strides = array<i32>} : memref<320xi32, #tpu.memory_space<vmem>>, vector<16xi32>,
          %get3A_412 = arith.constant 160 : index
          %get3A_413 = tpu.vector_load %arg10[%get3A_412] {strides = array<i32>} : memref<320xi32, #tpu.memory_space<vmem>>, vector<16xi32>,
          %get3A_414 = vector.shape_cast %get3A_413 : vector<16xi32> to vector<16xi32>
          %lt3A_415 = arith.cmpi slt, %get3A_414, %broadcast_in_dim3A_322 : vector<16xi32>
          %select_n3A_416 = arith.select %lt3A_415, %broadcast_in_dim3A_320, %get3A_414 : vector<16xi1>, vector<16xi32>
          %swap3A_417 = arith.constant 160 : index
          %swap3A_418 = tpu.vector_load %arg10[%swap3A_417] {strides = array<i32>} : memref<320xi32, #tpu.memory_space<vmem>>, vector<16xi32>,
          %swap3A_419 = vector.shape_cast %swap3A_418 : vector<16xi32> to vector<16xi32>
          %swap3A_420 = vector.shape_cast %select_n3A_416 : vector<16xi32> to vector<16xi32>
          tpu.vector_store %arg10[%swap3A_417], %swap3A_420 {strides = array<i32>} : memref<320xi32, #tpu.memory_space<vmem>>, vector<16xi32>,
          %get3A_421 = arith.constant 176 : index
          %get3A_422 = tpu.vector_load %arg10[%get3A_421] {strides = array<i32>} : memref<320xi32, #tpu.memory_space<vmem>>, vector<16xi32>,
          %get3A_423 = vector.shape_cast %get3A_422 : vector<16xi32> to vector<16xi32>
          %lt3A_424 = arith.cmpi slt, %get3A_423, %broadcast_in_dim3A_322 : vector<16xi32>
          %select_n3A_425 = arith.select %lt3A_424, %broadcast_in_dim3A_320, %get3A_423 : vector<16xi1>, vector<16xi32>
          %swap3A_426 = arith.constant 176 : index
          %swap3A_427 = tpu.vector_load %arg10[%swap3A_426] {strides = array<i32>} : memref<320xi32, #tpu.memory_space<vmem>>, vector<16xi32>,
          %swap3A_428 = vector.shape_cast %swap3A_427 : vector<16xi32> to vector<16xi32>
          %swap3A_429 = vector.shape_cast %select_n3A_425 : vector<16xi32> to vector<16xi32>
          tpu.vector_store %arg10[%swap3A_426], %swap3A_429 {strides = array<i32>} : memref<320xi32, #tpu.memory_space<vmem>>, vector<16xi32>,
          %get3A_430 = arith.constant 192 : index
          %get3A_431 = tpu.vector_load %arg10[%get3A_430] {strides = array<i32>} : memref<320xi32, #tpu.memory_space<vmem>>, vector<16xi32>,
          %get3A_432 = vector.shape_cast %get3A_431 : vector<16xi32> to vector<16xi32>
          %lt3A_433 = arith.cmpi slt, %get3A_432, %broadcast_in_dim3A_322 : vector<16xi32>
          %select_n3A_434 = arith.select %lt3A_433, %broadcast_in_dim3A_320, %get3A_432 : vector<16xi1>, vector<16xi32>
          %swap3A_435 = arith.constant 192 : index
          %swap3A_436 = tpu.vector_load %arg10[%swap3A_435] {strides = array<i32>} : memref<320xi32, #tpu.memory_space<vmem>>, vector<16xi32>,
          %swap3A_437 = vector.shape_cast %swap3A_436 : vector<16xi32> to vector<16xi32>
          %swap3A_438 = vector.shape_cast %select_n3A_434 : vector<16xi32> to vector<16xi32>
          tpu.vector_store %arg10[%swap3A_435], %swap3A_438 {strides = array<i32>} : memref<320xi32, #tpu.memory_space<vmem>>, vector<16xi32>,
          %get3A_439 = arith.constant 208 : index
          %get3A_440 = tpu.vector_load %arg10[%get3A_439] {strides = array<i32>} : memref<320xi32, #tpu.memory_space<vmem>>, vector<16xi32>,
          %get3A_441 = vector.shape_cast %get3A_440 : vector<16xi32> to vector<16xi32>
          %lt3A_442 = arith.cmpi slt, %get3A_441, %broadcast_in_dim3A_322 : vector<16xi32>
          %select_n3A_443 = arith.select %lt3A_442, %broadcast_in_dim3A_320, %get3A_441 : vector<16xi1>, vector<16xi32>
          %swap3A_444 = arith.constant 208 : index
          %swap3A_445 = tpu.vector_load %arg10[%swap3A_444] {strides = array<i32>} : memref<320xi32, #tpu.memory_space<vmem>>, vector<16xi32>,
          %swap3A_446 = vector.shape_cast %swap3A_445 : vector<16xi32> to vector<16xi32>
          %swap3A_447 = vector.shape_cast %select_n3A_443 : vector<16xi32> to vector<16xi32>
          tpu.vector_store %arg10[%swap3A_444], %swap3A_447 {strides = array<i32>} : memref<320xi32, #tpu.memory_space<vmem>>, vector<16xi32>,
          %get3A_448 = arith.constant 224 : index
          %get3A_449 = tpu.vector_load %arg10[%get3A_448] {strides = array<i32>} : memref<320xi32, #tpu.memory_space<vmem>>, vector<16xi32>,
          %get3A_450 = vector.shape_cast %get3A_449 : vector<16xi32> to vector<16xi32>
          %lt3A_451 = arith.cmpi slt, %get3A_450, %broadcast_in_dim3A_322 : vector<16xi32>
          %select_n3A_452 = arith.select %lt3A_451, %broadcast_in_dim3A_320, %get3A_450 : vector<16xi1>, vector<16xi32>
          %swap3A_453 = arith.constant 224 : index
          %swap3A_454 = tpu.vector_load %arg10[%swap3A_453] {strides = array<i32>} : memref<320xi32, #tpu.memory_space<vmem>>, vector<16xi32>,
          %swap3A_455 = vector.shape_cast %swap3A_454 : vector<16xi32> to vector<16xi32>
          %swap3A_456 = vector.shape_cast %select_n3A_452 : vector<16xi32> to vector<16xi32>
          tpu.vector_store %arg10[%swap3A_453], %swap3A_456 {strides = array<i32>} : memref<320xi32, #tpu.memory_space<vmem>>, vector<16xi32>,
          %get3A_457 = arith.constant 240 : index
          %get3A_458 = tpu.vector_load %arg10[%get3A_457] {strides = array<i32>} : memref<320xi32, #tpu.memory_space<vmem>>, vector<16xi32>,
          %get3A_459 = vector.shape_cast %get3A_458 : vector<16xi32> to vector<16xi32>
          %lt3A_460 = arith.cmpi slt, %get3A_459, %broadcast_in_dim3A_322 : vector<16xi32>
          %select_n3A_461 = arith.select %lt3A_460, %broadcast_in_dim3A_320, %get3A_459 : vector<16xi1>, vector<16xi32>
          %swap3A_462 = arith.constant 240 : index
          %swap3A_463 = tpu.vector_load %arg10[%swap3A_462] {strides = array<i32>} : memref<320xi32, #tpu.memory_space<vmem>>, vector<16xi32>,
          %swap3A_464 = vector.shape_cast %swap3A_463 : vector<16xi32> to vector<16xi32>
          %swap3A_465 = vector.shape_cast %select_n3A_461 : vector<16xi32> to vector<16xi32>
          tpu.vector_store %arg10[%swap3A_462], %swap3A_465 {strides = array<i32>} : memref<320xi32, #tpu.memory_space<vmem>>, vector<16xi32>,
          %get3A_466 = arith.constant 256 : index
          %get3A_467 = tpu.vector_load %arg10[%get3A_466] {strides = array<i32>} : memref<320xi32, #tpu.memory_space<vmem>>, vector<16xi32>,
          %get3A_468 = vector.shape_cast %get3A_467 : vector<16xi32> to vector<16xi32>
          %lt3A_469 = arith.cmpi slt, %get3A_468, %broadcast_in_dim3A_322 : vector<16xi32>
          %select_n3A_470 = arith.select %lt3A_469, %broadcast_in_dim3A_320, %get3A_468 : vector<16xi1>, vector<16xi32>
          %swap3A_471 = arith.constant 256 : index
          %swap3A_472 = tpu.vector_load %arg10[%swap3A_471] {strides = array<i32>} : memref<320xi32, #tpu.memory_space<vmem>>, vector<16xi32>,
          %swap3A_473 = vector.shape_cast %swap3A_472 : vector<16xi32> to vector<16xi32>
          %swap3A_474 = vector.shape_cast %select_n3A_470 : vector<16xi32> to vector<16xi32>
          tpu.vector_store %arg10[%swap3A_471], %swap3A_474 {strides = array<i32>} : memref<320xi32, #tpu.memory_space<vmem>>, vector<16xi32>,
          %get3A_475 = arith.constant 272 : index
          %get3A_476 = tpu.vector_load %arg10[%get3A_475] {strides = array<i32>} : memref<320xi32, #tpu.memory_space<vmem>>, vector<16xi32>,
          %get3A_477 = vector.shape_cast %get3A_476 : vector<16xi32> to vector<16xi32>
          %lt3A_478 = arith.cmpi slt, %get3A_477, %broadcast_in_dim3A_322 : vector<16xi32>
          %select_n3A_479 = arith.select %lt3A_478, %broadcast_in_dim3A_320, %get3A_477 : vector<16xi1>, vector<16xi32>
          %swap3A_480 = arith.constant 272 : index
          %swap3A_481 = tpu.vector_load %arg10[%swap3A_480] {strides = array<i32>} : memref<320xi32, #tpu.memory_space<vmem>>, vector<16xi32>,
          %swap3A_482 = vector.shape_cast %swap3A_481 : vector<16xi32> to vector<16xi32>
          %swap3A_483 = vector.shape_cast %select_n3A_479 : vector<16xi32> to vector<16xi32>
          tpu.vector_store %arg10[%swap3A_480], %swap3A_483 {strides = array<i32>} : memref<320xi32, #tpu.memory_space<vmem>>, vector<16xi32>,
          %get3A_484 = arith.constant 288 : index
          %get3A_485 = tpu.vector_load %arg10[%get3A_484] {strides = array<i32>} : memref<320xi32, #tpu.memory_space<vmem>>, vector<16xi32>,
          %get3A_486 = vector.shape_cast %get3A_485 : vector<16xi32> to vector<16xi32>
          %lt3A_487 = arith.cmpi slt, %get3A_486, %broadcast_in_dim3A_322 : vector<16xi32>
          %select_n3A_488 = arith.select %lt3A_487, %broadcast_in_dim3A_320, %get3A_486 : vector<16xi1>, vector<16xi32>
          %swap3A_489 = arith.constant 288 : index
          %swap3A_490 = tpu.vector_load %arg10[%swap3A_489] {strides = array<i32>} : memref<320xi32, #tpu.memory_space<vmem>>, vector<16xi32>,
          %swap3A_491 = vector.shape_cast %swap3A_490 : vector<16xi32> to vector<16xi32>
          %swap3A_492 = vector.shape_cast %select_n3A_488 : vector<16xi32> to vector<16xi32>
          tpu.vector_store %arg10[%swap3A_489], %swap3A_492 {strides = array<i32>} : memref<320xi32, #tpu.memory_space<vmem>>, vector<16xi32>,
          %get3A_493 = arith.constant 304 : index
          %get3A_494 = tpu.vector_load %arg10[%get3A_493] {strides = array<i32>} : memref<320xi32, #tpu.memory_space<vmem>>, vector<16xi32>,
          %get3A_495 = vector.shape_cast %get3A_494 : vector<16xi32> to vector<16xi32>
          %lt3A_496 = arith.cmpi slt, %get3A_495, %broadcast_in_dim3A_322 : vector<16xi32>
          %select_n3A_497 = arith.select %lt3A_496, %broadcast_in_dim3A_320, %get3A_495 : vector<16xi1>, vector<16xi32>
          %swap3A_498 = arith.constant 304 : index
          %swap3A_499 = tpu.vector_load %arg10[%swap3A_498] {strides = array<i32>} : memref<320xi32, #tpu.memory_space<vmem>>, vector<16xi32>,
          %swap3A_500 = vector.shape_cast %swap3A_499 : vector<16xi32> to vector<16xi32>
          %swap3A_501 = vector.shape_cast %select_n3A_497 : vector<16xi32> to vector<16xi32>
          tpu.vector_store %arg10[%swap3A_498], %swap3A_501 {strides = array<i32>} : memref<320xi32, #tpu.memory_space<vmem>>, vector<16xi32>,
        } else {
        }
      } else {
      }
      "tpu.region"() ({
        %run_scoped3A = tpu.sem_alloc : memref<!tpu.dma_semaphore, #tpu.memory_space<semaphore_mem>>
        %dma_start3A_309 = arith.constant 0 : i32
        %dma_start3A_310 = arith.constant 0 : i32
        %dma_start3A_311 = tpu.memref_slice %arg13[%dma_start3A_309, %dma_start3A_310] : memref<5064x128xf32, #tpu.memory_space<vmem_shared>> -> memref<5064x128xf32, #tpu.memory_space<vmem_shared>>
        tpu.enqueue_indirect_dma source(%arg8 : memref<320x128xf32, #tpu.memory_space<vmem>>) target(%dma_start3A_311 : memref<5064x128xf32, #tpu.memory_space<vmem_shared>>) offsets(%arg10 : memref<320xi32, #tpu.memory_space<vmem>>) semaphore(%run_scoped3A : memref<!tpu.dma_semaphore, #tpu.memory_space<semaphore_mem>>) {add = true}
        %dma_wait3A_312 = arith.constant 0 : i32
        %dma_wait3A_313 = arith.constant 0 : i32
        %dma_wait3A_314 = tpu.memref_slice %arg13[%dma_wait3A_312, %dma_wait3A_313] : memref<5064x128xf32, #tpu.memory_space<vmem_shared>> -> memref<5064x128xf32, #tpu.memory_space<vmem_shared>>
        tpu.wait_indirect_dma semaphore(%run_scoped3A : memref<!tpu.dma_semaphore, #tpu.memory_space<semaphore_mem>>) src(%arg8 : memref<320x128xf32, #tpu.memory_space<vmem>>) dst(%dma_wait3A_314 : memref<5064x128xf32, #tpu.memory_space<vmem_shared>>)
        tpu.yield
      }) : () -> ()
    }
    %while3A_201 = arith.constant 1 : i32
    scf.for %while3A_233 = %while3A_199 to %while3A_195 step %while3A_201  : i32 {
      %mul3A_234 = arith.constant 2 : i32
      %mul3A_235 = arith.muli %mul3A_234, %while3A_233 : i32
      %add3A_236 = arith.constant 1 : i32
      %add3A_237 = arith.addi %mul3A_235, %add3A_236 : i32
      %add3A_238 = arith.addi %select_n3A_47, %arg1 : i32
      %mul3A_239 = arith.constant 16 : i32
      %mul3A_240 = arith.muli %mul3A_239, %add3A_237 : i32
      %add3A_241 = arith.addi %add3A_238, %mul3A_240 : i32
      %mul3A_242 = arith.constant 320 : i32
      %mul3A_243 = arith.muli %add3A_241, %mul3A_242 : i32
      %multiple_of3A_244 = tpu.assume_multiple %mul3A_243, 320 : i32
      %eq3A_245 = arith.constant 0 : i32
      %eq3A_246 = arith.cmpi eq, %arg0, %eq3A_245 : i32
      %convert_element_type3A_247 = arith.extui %eq3A_246 : i1 to i32
      %cond3A_248 = arith.constant 0 : i32
      %cond3A_249 = arith.cmpi ne, %convert_element_type3A_247, %cond3A_248 : i32
      scf.if %cond3A_249 {
        %dma_start3A_309 = tpu.memref_slice %arg3[%multiple_of3A_244] : memref<320000xi32, #tpu.memory_space<hbm>> -> memref<320xi32, #tpu.memory_space<hbm>>
        %dma_start3A_310 = tpu.memref_slice %arg3[%multiple_of3A_244] : memref<320000xi32, #tpu.memory_space<hbm>> -> memref<320xi32, #tpu.memory_space<hbm>>
        tpu.enqueue_dma source(%dma_start3A_310 : memref<320xi32, #tpu.memory_space<hbm>>) target(%arg10 : memref<320xi32, #tpu.memory_space<vmem>>) target_semaphore(%arg17 : memref<!tpu.dma_semaphore, #tpu.memory_space<semaphore_mem>>)
      } else {
      }
      %eq3A_250 = arith.constant 1 : i32
      %eq3A_251 = arith.cmpi eq, %arg0, %eq3A_250 : i32
      %convert_element_type3A_252 = arith.extui %eq3A_251 : i1 to i32
      %cond3A_253 = arith.constant 0 : i32
      %cond3A_254 = arith.cmpi ne, %convert_element_type3A_252, %cond3A_253 : i32
      scf.if %cond3A_254 {
        %dma_start3A_309 = tpu.memref_slice %arg4[%multiple_of3A_244] : memref<320000xi32, #tpu.memory_space<hbm>> -> memref<320xi32, #tpu.memory_space<hbm>>
        %dma_start3A_310 = tpu.memref_slice %arg4[%multiple_of3A_244] : memref<320000xi32, #tpu.memory_space<hbm>> -> memref<320xi32, #tpu.memory_space<hbm>>
        tpu.enqueue_dma source(%dma_start3A_310 : memref<320xi32, #tpu.memory_space<hbm>>) target(%arg10 : memref<320xi32, #tpu.memory_space<vmem>>) target_semaphore(%arg17 : memref<!tpu.dma_semaphore, #tpu.memory_space<semaphore_mem>>)
      } else {
      }
      %dma_start3A_255 = arith.constant 0 : i32
      %dma_start3A_256 = tpu.memref_slice %arg2[%multiple_of3A_244, %dma_start3A_255] : memref<320000x128xf32, #tpu.memory_space<hbm>> -> memref<320x128xf32, #tpu.memory_space<hbm>>
      %dma_start3A_257 = arith.constant 0 : i32
      %dma_start3A_258 = tpu.memref_slice %arg2[%multiple_of3A_244, %dma_start3A_257] : memref<320000x128xf32, #tpu.memory_space<hbm>> -> memref<320x128xf32, #tpu.memory_space<hbm>>
      tpu.enqueue_dma source(%dma_start3A_258 : memref<320x128xf32, #tpu.memory_space<hbm>>) target(%arg8 : memref<320x128xf32, #tpu.memory_space<vmem>>) target_semaphore(%arg15 : memref<!tpu.dma_semaphore, #tpu.memory_space<semaphore_mem>>)
      %dma_wait3A_259 = arith.constant 0 : i32
      %dma_wait3A_260 = tpu.memref_slice %arg3[%dma_wait3A_259] : memref<320000xi32, #tpu.memory_space<hbm>> -> memref<320xi32, #tpu.memory_space<hbm>>
      %dma_wait3A_261 = arith.constant 0 : i32
      %dma_wait3A_262 = tpu.memref_slice %arg3[%dma_wait3A_261] : memref<320000xi32, #tpu.memory_space<hbm>> -> memref<320xi32, #tpu.memory_space<hbm>>
      tpu.wait_dma2 semaphore(%arg16 : memref<!tpu.dma_semaphore, #tpu.memory_space<semaphore_mem>>) src(%dma_wait3A_262 : memref<320xi32, #tpu.memory_space<hbm>>) dst(%arg9 : memref<320xi32, #tpu.memory_space<vmem>>)
      %dma_wait3A_263 = arith.constant 0 : i32
      %dma_wait3A_264 = arith.constant 0 : i32
      %dma_wait3A_265 = tpu.memref_slice %arg2[%dma_wait3A_263, %dma_wait3A_264] : memref<320000x128xf32, #tpu.memory_space<hbm>> -> memref<320x128xf32, #tpu.memory_space<hbm>>
      %dma_wait3A_266 = arith.constant 0 : i32
      %dma_wait3A_267 = arith.constant 0 : i32
      %dma_wait3A_268 = tpu.memref_slice %arg2[%dma_wait3A_266, %dma_wait3A_267] : memref<320000x128xf32, #tpu.memory_space<hbm>> -> memref<320x128xf32, #tpu.memory_space<hbm>>
      tpu.wait_dma2 semaphore(%arg14 : memref<!tpu.dma_semaphore, #tpu.memory_space<semaphore_mem>>) src(%dma_wait3A_268 : memref<320x128xf32, #tpu.memory_space<hbm>>) dst(%arg7 : memref<320x128xf32, #tpu.memory_space<vmem>>)
      %mul3A_269 = arith.constant 2 : i32
      %mul3A_270 = arith.muli %mul3A_269, %while3A_233 : i32
      %add3A_271 = arith.addi %select_n3A_47, %arg1 : i32
      %mul3A_272 = arith.constant 16 : i32
      %mul3A_273 = arith.muli %mul3A_272, %mul3A_270 : i32
      %add3A_274 = arith.addi %add3A_271, %mul3A_273 : i32
      %eq3A_275 = arith.cmpi eq, %add3A_274, %select_n3A_44 : i32
      %convert_element_type3A_276 = arith.extui %eq3A_275 : i1 to i32
      %cond3A_277 = arith.constant 0 : i32
      %cond3A_278 = arith.cmpi ne, %convert_element_type3A_276, %cond3A_277 : i32
      scf.if %cond3A_278 {
        %eq3A_309 = arith.constant 0 : i32
        %eq3A_310 = arith.cmpi eq, %arg0, %eq3A_309 : i32
        %convert_element_type3A_311 = arith.extui %eq3A_310 : i1 to i32
        %cond3A_312 = arith.constant 0 : i32
        %cond3A_313 = arith.cmpi ne, %convert_element_type3A_311, %cond3A_312 : i32
        scf.if %cond3A_313 {
          %broadcast_in_dim3A_319 = arith.constant 5056 : i32
          %broadcast_in_dim3A_320 = vector.broadcast %broadcast_in_dim3A_319 : i32 to vector<16xi32>
          %get3A_321 = arith.constant 0 : index
          %get3A_322 = tpu.vector_load %arg9[%get3A_321] {strides = array<i32>} : memref<320xi32, #tpu.memory_space<vmem>>, vector<16xi32>,
          %get3A_323 = vector.shape_cast %get3A_322 : vector<16xi32> to vector<16xi32>
          %min3A_324 = arith.minsi %get3A_323, %broadcast_in_dim3A_320 : vector<16xi32>
          %swap3A = arith.constant 0 : index
          %swap3A_325 = tpu.vector_load %arg9[%swap3A] {strides = array<i32>} : memref<320xi32, #tpu.memory_space<vmem>>, vector<16xi32>,
          %swap3A_326 = vector.shape_cast %swap3A_325 : vector<16xi32> to vector<16xi32>
          %swap3A_327 = vector.shape_cast %min3A_324 : vector<16xi32> to vector<16xi32>
          tpu.vector_store %arg9[%swap3A], %swap3A_327 {strides = array<i32>} : memref<320xi32, #tpu.memory_space<vmem>>, vector<16xi32>,
          %get3A_328 = arith.constant 16 : index
          %get3A_329 = tpu.vector_load %arg9[%get3A_328] {strides = array<i32>} : memref<320xi32, #tpu.memory_space<vmem>>, vector<16xi32>,
          %get3A_330 = vector.shape_cast %get3A_329 : vector<16xi32> to vector<16xi32>
          %min3A_331 = arith.minsi %get3A_330, %broadcast_in_dim3A_320 : vector<16xi32>
          %swap3A_332 = arith.constant 16 : index
          %swap3A_333 = tpu.vector_load %arg9[%swap3A_332] {strides = array<i32>} : memref<320xi32, #tpu.memory_space<vmem>>, vector<16xi32>,
          %swap3A_334 = vector.shape_cast %swap3A_333 : vector<16xi32> to vector<16xi32>
          %swap3A_335 = vector.shape_cast %min3A_331 : vector<16xi32> to vector<16xi32>
          tpu.vector_store %arg9[%swap3A_332], %swap3A_335 {strides = array<i32>} : memref<320xi32, #tpu.memory_space<vmem>>, vector<16xi32>,
          %get3A_336 = arith.constant 32 : index
          %get3A_337 = tpu.vector_load %arg9[%get3A_336] {strides = array<i32>} : memref<320xi32, #tpu.memory_space<vmem>>, vector<16xi32>,
          %get3A_338 = vector.shape_cast %get3A_337 : vector<16xi32> to vector<16xi32>
          %min3A_339 = arith.minsi %get3A_338, %broadcast_in_dim3A_320 : vector<16xi32>
          %swap3A_340 = arith.constant 32 : index
          %swap3A_341 = tpu.vector_load %arg9[%swap3A_340] {strides = array<i32>} : memref<320xi32, #tpu.memory_space<vmem>>, vector<16xi32>,
          %swap3A_342 = vector.shape_cast %swap3A_341 : vector<16xi32> to vector<16xi32>
          %swap3A_343 = vector.shape_cast %min3A_339 : vector<16xi32> to vector<16xi32>
          tpu.vector_store %arg9[%swap3A_340], %swap3A_343 {strides = array<i32>} : memref<320xi32, #tpu.memory_space<vmem>>, vector<16xi32>,
          %get3A_344 = arith.constant 48 : index
          %get3A_345 = tpu.vector_load %arg9[%get3A_344] {strides = array<i32>} : memref<320xi32, #tpu.memory_space<vmem>>, vector<16xi32>,
          %get3A_346 = vector.shape_cast %get3A_345 : vector<16xi32> to vector<16xi32>
          %min3A_347 = arith.minsi %get3A_346, %broadcast_in_dim3A_320 : vector<16xi32>
          %swap3A_348 = arith.constant 48 : index
          %swap3A_349 = tpu.vector_load %arg9[%swap3A_348] {strides = array<i32>} : memref<320xi32, #tpu.memory_space<vmem>>, vector<16xi32>,
          %swap3A_350 = vector.shape_cast %swap3A_349 : vector<16xi32> to vector<16xi32>
          %swap3A_351 = vector.shape_cast %min3A_347 : vector<16xi32> to vector<16xi32>
          tpu.vector_store %arg9[%swap3A_348], %swap3A_351 {strides = array<i32>} : memref<320xi32, #tpu.memory_space<vmem>>, vector<16xi32>,
          %get3A_352 = arith.constant 64 : index
          %get3A_353 = tpu.vector_load %arg9[%get3A_352] {strides = array<i32>} : memref<320xi32, #tpu.memory_space<vmem>>, vector<16xi32>,
          %get3A_354 = vector.shape_cast %get3A_353 : vector<16xi32> to vector<16xi32>
          %min3A_355 = arith.minsi %get3A_354, %broadcast_in_dim3A_320 : vector<16xi32>
          %swap3A_356 = arith.constant 64 : index
          %swap3A_357 = tpu.vector_load %arg9[%swap3A_356] {strides = array<i32>} : memref<320xi32, #tpu.memory_space<vmem>>, vector<16xi32>,
          %swap3A_358 = vector.shape_cast %swap3A_357 : vector<16xi32> to vector<16xi32>
          %swap3A_359 = vector.shape_cast %min3A_355 : vector<16xi32> to vector<16xi32>
          tpu.vector_store %arg9[%swap3A_356], %swap3A_359 {strides = array<i32>} : memref<320xi32, #tpu.memory_space<vmem>>, vector<16xi32>,
          %get3A_360 = arith.constant 80 : index
          %get3A_361 = tpu.vector_load %arg9[%get3A_360] {strides = array<i32>} : memref<320xi32, #tpu.memory_space<vmem>>, vector<16xi32>,
          %get3A_362 = vector.shape_cast %get3A_361 : vector<16xi32> to vector<16xi32>
          %min3A_363 = arith.minsi %get3A_362, %broadcast_in_dim3A_320 : vector<16xi32>
          %swap3A_364 = arith.constant 80 : index
          %swap3A_365 = tpu.vector_load %arg9[%swap3A_364] {strides = array<i32>} : memref<320xi32, #tpu.memory_space<vmem>>, vector<16xi32>,
          %swap3A_366 = vector.shape_cast %swap3A_365 : vector<16xi32> to vector<16xi32>
          %swap3A_367 = vector.shape_cast %min3A_363 : vector<16xi32> to vector<16xi32>
          tpu.vector_store %arg9[%swap3A_364], %swap3A_367 {strides = array<i32>} : memref<320xi32, #tpu.memory_space<vmem>>, vector<16xi32>,
          %get3A_368 = arith.constant 96 : index
          %get3A_369 = tpu.vector_load %arg9[%get3A_368] {strides = array<i32>} : memref<320xi32, #tpu.memory_space<vmem>>, vector<16xi32>,
          %get3A_370 = vector.shape_cast %get3A_369 : vector<16xi32> to vector<16xi32>
          %min3A_371 = arith.minsi %get3A_370, %broadcast_in_dim3A_320 : vector<16xi32>
          %swap3A_372 = arith.constant 96 : index
          %swap3A_373 = tpu.vector_load %arg9[%swap3A_372] {strides = array<i32>} : memref<320xi32, #tpu.memory_space<vmem>>, vector<16xi32>,
          %swap3A_374 = vector.shape_cast %swap3A_373 : vector<16xi32> to vector<16xi32>
          %swap3A_375 = vector.shape_cast %min3A_371 : vector<16xi32> to vector<16xi32>
          tpu.vector_store %arg9[%swap3A_372], %swap3A_375 {strides = array<i32>} : memref<320xi32, #tpu.memory_space<vmem>>, vector<16xi32>,
          %get3A_376 = arith.constant 112 : index
          %get3A_377 = tpu.vector_load %arg9[%get3A_376] {strides = array<i32>} : memref<320xi32, #tpu.memory_space<vmem>>, vector<16xi32>,
          %get3A_378 = vector.shape_cast %get3A_377 : vector<16xi32> to vector<16xi32>
          %min3A_379 = arith.minsi %get3A_378, %broadcast_in_dim3A_320 : vector<16xi32>
          %swap3A_380 = arith.constant 112 : index
          %swap3A_381 = tpu.vector_load %arg9[%swap3A_380] {strides = array<i32>} : memref<320xi32, #tpu.memory_space<vmem>>, vector<16xi32>,
          %swap3A_382 = vector.shape_cast %swap3A_381 : vector<16xi32> to vector<16xi32>
          %swap3A_383 = vector.shape_cast %min3A_379 : vector<16xi32> to vector<16xi32>
          tpu.vector_store %arg9[%swap3A_380], %swap3A_383 {strides = array<i32>} : memref<320xi32, #tpu.memory_space<vmem>>, vector<16xi32>,
          %get3A_384 = arith.constant 128 : index
          %get3A_385 = tpu.vector_load %arg9[%get3A_384] {strides = array<i32>} : memref<320xi32, #tpu.memory_space<vmem>>, vector<16xi32>,
          %get3A_386 = vector.shape_cast %get3A_385 : vector<16xi32> to vector<16xi32>
          %min3A_387 = arith.minsi %get3A_386, %broadcast_in_dim3A_320 : vector<16xi32>
          %swap3A_388 = arith.constant 128 : index
          %swap3A_389 = tpu.vector_load %arg9[%swap3A_388] {strides = array<i32>} : memref<320xi32, #tpu.memory_space<vmem>>, vector<16xi32>,
          %swap3A_390 = vector.shape_cast %swap3A_389 : vector<16xi32> to vector<16xi32>
          %swap3A_391 = vector.shape_cast %min3A_387 : vector<16xi32> to vector<16xi32>
          tpu.vector_store %arg9[%swap3A_388], %swap3A_391 {strides = array<i32>} : memref<320xi32, #tpu.memory_space<vmem>>, vector<16xi32>,
          %get3A_392 = arith.constant 144 : index
          %get3A_393 = tpu.vector_load %arg9[%get3A_392] {strides = array<i32>} : memref<320xi32, #tpu.memory_space<vmem>>, vector<16xi32>,
          %get3A_394 = vector.shape_cast %get3A_393 : vector<16xi32> to vector<16xi32>
          %min3A_395 = arith.minsi %get3A_394, %broadcast_in_dim3A_320 : vector<16xi32>
          %swap3A_396 = arith.constant 144 : index
          %swap3A_397 = tpu.vector_load %arg9[%swap3A_396] {strides = array<i32>} : memref<320xi32, #tpu.memory_space<vmem>>, vector<16xi32>,
          %swap3A_398 = vector.shape_cast %swap3A_397 : vector<16xi32> to vector<16xi32>
          %swap3A_399 = vector.shape_cast %min3A_395 : vector<16xi32> to vector<16xi32>
          tpu.vector_store %arg9[%swap3A_396], %swap3A_399 {strides = array<i32>} : memref<320xi32, #tpu.memory_space<vmem>>, vector<16xi32>,
          %get3A_400 = arith.constant 160 : index
          %get3A_401 = tpu.vector_load %arg9[%get3A_400] {strides = array<i32>} : memref<320xi32, #tpu.memory_space<vmem>>, vector<16xi32>,
          %get3A_402 = vector.shape_cast %get3A_401 : vector<16xi32> to vector<16xi32>
          %min3A_403 = arith.minsi %get3A_402, %broadcast_in_dim3A_320 : vector<16xi32>
          %swap3A_404 = arith.constant 160 : index
          %swap3A_405 = tpu.vector_load %arg9[%swap3A_404] {strides = array<i32>} : memref<320xi32, #tpu.memory_space<vmem>>, vector<16xi32>,
          %swap3A_406 = vector.shape_cast %swap3A_405 : vector<16xi32> to vector<16xi32>
          %swap3A_407 = vector.shape_cast %min3A_403 : vector<16xi32> to vector<16xi32>
          tpu.vector_store %arg9[%swap3A_404], %swap3A_407 {strides = array<i32>} : memref<320xi32, #tpu.memory_space<vmem>>, vector<16xi32>,
          %get3A_408 = arith.constant 176 : index
          %get3A_409 = tpu.vector_load %arg9[%get3A_408] {strides = array<i32>} : memref<320xi32, #tpu.memory_space<vmem>>, vector<16xi32>,
          %get3A_410 = vector.shape_cast %get3A_409 : vector<16xi32> to vector<16xi32>
          %min3A_411 = arith.minsi %get3A_410, %broadcast_in_dim3A_320 : vector<16xi32>
          %swap3A_412 = arith.constant 176 : index
          %swap3A_413 = tpu.vector_load %arg9[%swap3A_412] {strides = array<i32>} : memref<320xi32, #tpu.memory_space<vmem>>, vector<16xi32>,
          %swap3A_414 = vector.shape_cast %swap3A_413 : vector<16xi32> to vector<16xi32>
          %swap3A_415 = vector.shape_cast %min3A_411 : vector<16xi32> to vector<16xi32>
          tpu.vector_store %arg9[%swap3A_412], %swap3A_415 {strides = array<i32>} : memref<320xi32, #tpu.memory_space<vmem>>, vector<16xi32>,
          %get3A_416 = arith.constant 192 : index
          %get3A_417 = tpu.vector_load %arg9[%get3A_416] {strides = array<i32>} : memref<320xi32, #tpu.memory_space<vmem>>, vector<16xi32>,
          %get3A_418 = vector.shape_cast %get3A_417 : vector<16xi32> to vector<16xi32>
          %min3A_419 = arith.minsi %get3A_418, %broadcast_in_dim3A_320 : vector<16xi32>
          %swap3A_420 = arith.constant 192 : index
          %swap3A_421 = tpu.vector_load %arg9[%swap3A_420] {strides = array<i32>} : memref<320xi32, #tpu.memory_space<vmem>>, vector<16xi32>,
          %swap3A_422 = vector.shape_cast %swap3A_421 : vector<16xi32> to vector<16xi32>
          %swap3A_423 = vector.shape_cast %min3A_419 : vector<16xi32> to vector<16xi32>
          tpu.vector_store %arg9[%swap3A_420], %swap3A_423 {strides = array<i32>} : memref<320xi32, #tpu.memory_space<vmem>>, vector<16xi32>,
          %get3A_424 = arith.constant 208 : index
          %get3A_425 = tpu.vector_load %arg9[%get3A_424] {strides = array<i32>} : memref<320xi32, #tpu.memory_space<vmem>>, vector<16xi32>,
          %get3A_426 = vector.shape_cast %get3A_425 : vector<16xi32> to vector<16xi32>
          %min3A_427 = arith.minsi %get3A_426, %broadcast_in_dim3A_320 : vector<16xi32>
          %swap3A_428 = arith.constant 208 : index
          %swap3A_429 = tpu.vector_load %arg9[%swap3A_428] {strides = array<i32>} : memref<320xi32, #tpu.memory_space<vmem>>, vector<16xi32>,
          %swap3A_430 = vector.shape_cast %swap3A_429 : vector<16xi32> to vector<16xi32>
          %swap3A_431 = vector.shape_cast %min3A_427 : vector<16xi32> to vector<16xi32>
          tpu.vector_store %arg9[%swap3A_428], %swap3A_431 {strides = array<i32>} : memref<320xi32, #tpu.memory_space<vmem>>, vector<16xi32>,
          %get3A_432 = arith.constant 224 : index
          %get3A_433 = tpu.vector_load %arg9[%get3A_432] {strides = array<i32>} : memref<320xi32, #tpu.memory_space<vmem>>, vector<16xi32>,
          %get3A_434 = vector.shape_cast %get3A_433 : vector<16xi32> to vector<16xi32>
          %min3A_435 = arith.minsi %get3A_434, %broadcast_in_dim3A_320 : vector<16xi32>
          %swap3A_436 = arith.constant 224 : index
          %swap3A_437 = tpu.vector_load %arg9[%swap3A_436] {strides = array<i32>} : memref<320xi32, #tpu.memory_space<vmem>>, vector<16xi32>,
          %swap3A_438 = vector.shape_cast %swap3A_437 : vector<16xi32> to vector<16xi32>
          %swap3A_439 = vector.shape_cast %min3A_435 : vector<16xi32> to vector<16xi32>
          tpu.vector_store %arg9[%swap3A_436], %swap3A_439 {strides = array<i32>} : memref<320xi32, #tpu.memory_space<vmem>>, vector<16xi32>,
          %get3A_440 = arith.constant 240 : index
          %get3A_441 = tpu.vector_load %arg9[%get3A_440] {strides = array<i32>} : memref<320xi32, #tpu.memory_space<vmem>>, vector<16xi32>,
          %get3A_442 = vector.shape_cast %get3A_441 : vector<16xi32> to vector<16xi32>
          %min3A_443 = arith.minsi %get3A_442, %broadcast_in_dim3A_320 : vector<16xi32>
          %swap3A_444 = arith.constant 240 : index
          %swap3A_445 = tpu.vector_load %arg9[%swap3A_444] {strides = array<i32>} : memref<320xi32, #tpu.memory_space<vmem>>, vector<16xi32>,
          %swap3A_446 = vector.shape_cast %swap3A_445 : vector<16xi32> to vector<16xi32>
          %swap3A_447 = vector.shape_cast %min3A_443 : vector<16xi32> to vector<16xi32>
          tpu.vector_store %arg9[%swap3A_444], %swap3A_447 {strides = array<i32>} : memref<320xi32, #tpu.memory_space<vmem>>, vector<16xi32>,
          %get3A_448 = arith.constant 256 : index
          %get3A_449 = tpu.vector_load %arg9[%get3A_448] {strides = array<i32>} : memref<320xi32, #tpu.memory_space<vmem>>, vector<16xi32>,
          %get3A_450 = vector.shape_cast %get3A_449 : vector<16xi32> to vector<16xi32>
          %min3A_451 = arith.minsi %get3A_450, %broadcast_in_dim3A_320 : vector<16xi32>
          %swap3A_452 = arith.constant 256 : index
          %swap3A_453 = tpu.vector_load %arg9[%swap3A_452] {strides = array<i32>} : memref<320xi32, #tpu.memory_space<vmem>>, vector<16xi32>,
          %swap3A_454 = vector.shape_cast %swap3A_453 : vector<16xi32> to vector<16xi32>
          %swap3A_455 = vector.shape_cast %min3A_451 : vector<16xi32> to vector<16xi32>
          tpu.vector_store %arg9[%swap3A_452], %swap3A_455 {strides = array<i32>} : memref<320xi32, #tpu.memory_space<vmem>>, vector<16xi32>,
          %get3A_456 = arith.constant 272 : index
          %get3A_457 = tpu.vector_load %arg9[%get3A_456] {strides = array<i32>} : memref<320xi32, #tpu.memory_space<vmem>>, vector<16xi32>,
          %get3A_458 = vector.shape_cast %get3A_457 : vector<16xi32> to vector<16xi32>
          %min3A_459 = arith.minsi %get3A_458, %broadcast_in_dim3A_320 : vector<16xi32>
          %swap3A_460 = arith.constant 272 : index
          %swap3A_461 = tpu.vector_load %arg9[%swap3A_460] {strides = array<i32>} : memref<320xi32, #tpu.memory_space<vmem>>, vector<16xi32>,
          %swap3A_462 = vector.shape_cast %swap3A_461 : vector<16xi32> to vector<16xi32>
          %swap3A_463 = vector.shape_cast %min3A_459 : vector<16xi32> to vector<16xi32>
          tpu.vector_store %arg9[%swap3A_460], %swap3A_463 {strides = array<i32>} : memref<320xi32, #tpu.memory_space<vmem>>, vector<16xi32>,
          %get3A_464 = arith.constant 288 : index
          %get3A_465 = tpu.vector_load %arg9[%get3A_464] {strides = array<i32>} : memref<320xi32, #tpu.memory_space<vmem>>, vector<16xi32>,
          %get3A_466 = vector.shape_cast %get3A_465 : vector<16xi32> to vector<16xi32>
          %min3A_467 = arith.minsi %get3A_466, %broadcast_in_dim3A_320 : vector<16xi32>
          %swap3A_468 = arith.constant 288 : index
          %swap3A_469 = tpu.vector_load %arg9[%swap3A_468] {strides = array<i32>} : memref<320xi32, #tpu.memory_space<vmem>>, vector<16xi32>,
          %swap3A_470 = vector.shape_cast %swap3A_469 : vector<16xi32> to vector<16xi32>
          %swap3A_471 = vector.shape_cast %min3A_467 : vector<16xi32> to vector<16xi32>
          tpu.vector_store %arg9[%swap3A_468], %swap3A_471 {strides = array<i32>} : memref<320xi32, #tpu.memory_space<vmem>>, vector<16xi32>,
          %get3A_472 = arith.constant 304 : index
          %get3A_473 = tpu.vector_load %arg9[%get3A_472] {strides = array<i32>} : memref<320xi32, #tpu.memory_space<vmem>>, vector<16xi32>,
          %get3A_474 = vector.shape_cast %get3A_473 : vector<16xi32> to vector<16xi32>
          %min3A_475 = arith.minsi %get3A_474, %broadcast_in_dim3A_320 : vector<16xi32>
          %swap3A_476 = arith.constant 304 : index
          %swap3A_477 = tpu.vector_load %arg9[%swap3A_476] {strides = array<i32>} : memref<320xi32, #tpu.memory_space<vmem>>, vector<16xi32>,
          %swap3A_478 = vector.shape_cast %swap3A_477 : vector<16xi32> to vector<16xi32>
          %swap3A_479 = vector.shape_cast %min3A_475 : vector<16xi32> to vector<16xi32>
          tpu.vector_store %arg9[%swap3A_476], %swap3A_479 {strides = array<i32>} : memref<320xi32, #tpu.memory_space<vmem>>, vector<16xi32>,
        } else {
        }
        %eq3A_314 = arith.constant 1 : i32
        %eq3A_315 = arith.cmpi eq, %arg0, %eq3A_314 : i32
        %convert_element_type3A_316 = arith.extui %eq3A_315 : i1 to i32
        %cond3A_317 = arith.constant 0 : i32
        %cond3A_318 = arith.cmpi ne, %convert_element_type3A_316, %cond3A_317 : i32
        scf.if %cond3A_318 {
          %broadcast_in_dim3A_319 = arith.constant 4944 : i32
          %broadcast_in_dim3A_320 = vector.broadcast %broadcast_in_dim3A_319 : i32 to vector<16xi32>
          %broadcast_in_dim3A_321 = arith.constant 0 : i32
          %broadcast_in_dim3A_322 = vector.broadcast %broadcast_in_dim3A_321 : i32 to vector<16xi32>
          %get3A_323 = arith.constant 0 : index
          %get3A_324 = tpu.vector_load %arg9[%get3A_323] {strides = array<i32>} : memref<320xi32, #tpu.memory_space<vmem>>, vector<16xi32>,
          %get3A_325 = vector.shape_cast %get3A_324 : vector<16xi32> to vector<16xi32>
          %lt3A_326 = arith.cmpi slt, %get3A_325, %broadcast_in_dim3A_322 : vector<16xi32>
          %select_n3A_327 = arith.select %lt3A_326, %broadcast_in_dim3A_320, %get3A_325 : vector<16xi1>, vector<16xi32>
          %swap3A = arith.constant 0 : index
          %swap3A_328 = tpu.vector_load %arg9[%swap3A] {strides = array<i32>} : memref<320xi32, #tpu.memory_space<vmem>>, vector<16xi32>,
          %swap3A_329 = vector.shape_cast %swap3A_328 : vector<16xi32> to vector<16xi32>
          %swap3A_330 = vector.shape_cast %select_n3A_327 : vector<16xi32> to vector<16xi32>
          tpu.vector_store %arg9[%swap3A], %swap3A_330 {strides = array<i32>} : memref<320xi32, #tpu.memory_space<vmem>>, vector<16xi32>,
          %get3A_331 = arith.constant 16 : index
          %get3A_332 = tpu.vector_load %arg9[%get3A_331] {strides = array<i32>} : memref<320xi32, #tpu.memory_space<vmem>>, vector<16xi32>,
          %get3A_333 = vector.shape_cast %get3A_332 : vector<16xi32> to vector<16xi32>
          %lt3A_334 = arith.cmpi slt, %get3A_333, %broadcast_in_dim3A_322 : vector<16xi32>
          %select_n3A_335 = arith.select %lt3A_334, %broadcast_in_dim3A_320, %get3A_333 : vector<16xi1>, vector<16xi32>
          %swap3A_336 = arith.constant 16 : index
          %swap3A_337 = tpu.vector_load %arg9[%swap3A_336] {strides = array<i32>} : memref<320xi32, #tpu.memory_space<vmem>>, vector<16xi32>,
          %swap3A_338 = vector.shape_cast %swap3A_337 : vector<16xi32> to vector<16xi32>
          %swap3A_339 = vector.shape_cast %select_n3A_335 : vector<16xi32> to vector<16xi32>
          tpu.vector_store %arg9[%swap3A_336], %swap3A_339 {strides = array<i32>} : memref<320xi32, #tpu.memory_space<vmem>>, vector<16xi32>,
          %get3A_340 = arith.constant 32 : index
          %get3A_341 = tpu.vector_load %arg9[%get3A_340] {strides = array<i32>} : memref<320xi32, #tpu.memory_space<vmem>>, vector<16xi32>,
          %get3A_342 = vector.shape_cast %get3A_341 : vector<16xi32> to vector<16xi32>
          %lt3A_343 = arith.cmpi slt, %get3A_342, %broadcast_in_dim3A_322 : vector<16xi32>
          %select_n3A_344 = arith.select %lt3A_343, %broadcast_in_dim3A_320, %get3A_342 : vector<16xi1>, vector<16xi32>
          %swap3A_345 = arith.constant 32 : index
          %swap3A_346 = tpu.vector_load %arg9[%swap3A_345] {strides = array<i32>} : memref<320xi32, #tpu.memory_space<vmem>>, vector<16xi32>,
          %swap3A_347 = vector.shape_cast %swap3A_346 : vector<16xi32> to vector<16xi32>
          %swap3A_348 = vector.shape_cast %select_n3A_344 : vector<16xi32> to vector<16xi32>
          tpu.vector_store %arg9[%swap3A_345], %swap3A_348 {strides = array<i32>} : memref<320xi32, #tpu.memory_space<vmem>>, vector<16xi32>,
          %get3A_349 = arith.constant 48 : index
          %get3A_350 = tpu.vector_load %arg9[%get3A_349] {strides = array<i32>} : memref<320xi32, #tpu.memory_space<vmem>>, vector<16xi32>,
          %get3A_351 = vector.shape_cast %get3A_350 : vector<16xi32> to vector<16xi32>
          %lt3A_352 = arith.cmpi slt, %get3A_351, %broadcast_in_dim3A_322 : vector<16xi32>
          %select_n3A_353 = arith.select %lt3A_352, %broadcast_in_dim3A_320, %get3A_351 : vector<16xi1>, vector<16xi32>
          %swap3A_354 = arith.constant 48 : index
          %swap3A_355 = tpu.vector_load %arg9[%swap3A_354] {strides = array<i32>} : memref<320xi32, #tpu.memory_space<vmem>>, vector<16xi32>,
          %swap3A_356 = vector.shape_cast %swap3A_355 : vector<16xi32> to vector<16xi32>
          %swap3A_357 = vector.shape_cast %select_n3A_353 : vector<16xi32> to vector<16xi32>
          tpu.vector_store %arg9[%swap3A_354], %swap3A_357 {strides = array<i32>} : memref<320xi32, #tpu.memory_space<vmem>>, vector<16xi32>,
          %get3A_358 = arith.constant 64 : index
          %get3A_359 = tpu.vector_load %arg9[%get3A_358] {strides = array<i32>} : memref<320xi32, #tpu.memory_space<vmem>>, vector<16xi32>,
          %get3A_360 = vector.shape_cast %get3A_359 : vector<16xi32> to vector<16xi32>
          %lt3A_361 = arith.cmpi slt, %get3A_360, %broadcast_in_dim3A_322 : vector<16xi32>
          %select_n3A_362 = arith.select %lt3A_361, %broadcast_in_dim3A_320, %get3A_360 : vector<16xi1>, vector<16xi32>
          %swap3A_363 = arith.constant 64 : index
          %swap3A_364 = tpu.vector_load %arg9[%swap3A_363] {strides = array<i32>} : memref<320xi32, #tpu.memory_space<vmem>>, vector<16xi32>,
          %swap3A_365 = vector.shape_cast %swap3A_364 : vector<16xi32> to vector<16xi32>
          %swap3A_366 = vector.shape_cast %select_n3A_362 : vector<16xi32> to vector<16xi32>
          tpu.vector_store %arg9[%swap3A_363], %swap3A_366 {strides = array<i32>} : memref<320xi32, #tpu.memory_space<vmem>>, vector<16xi32>,
          %get3A_367 = arith.constant 80 : index
          %get3A_368 = tpu.vector_load %arg9[%get3A_367] {strides = array<i32>} : memref<320xi32, #tpu.memory_space<vmem>>, vector<16xi32>,
          %get3A_369 = vector.shape_cast %get3A_368 : vector<16xi32> to vector<16xi32>
          %lt3A_370 = arith.cmpi slt, %get3A_369, %broadcast_in_dim3A_322 : vector<16xi32>
          %select_n3A_371 = arith.select %lt3A_370, %broadcast_in_dim3A_320, %get3A_369 : vector<16xi1>, vector<16xi32>
          %swap3A_372 = arith.constant 80 : index
          %swap3A_373 = tpu.vector_load %arg9[%swap3A_372] {strides = array<i32>} : memref<320xi32, #tpu.memory_space<vmem>>, vector<16xi32>,
          %swap3A_374 = vector.shape_cast %swap3A_373 : vector<16xi32> to vector<16xi32>
          %swap3A_375 = vector.shape_cast %select_n3A_371 : vector<16xi32> to vector<16xi32>
          tpu.vector_store %arg9[%swap3A_372], %swap3A_375 {strides = array<i32>} : memref<320xi32, #tpu.memory_space<vmem>>, vector<16xi32>,
          %get3A_376 = arith.constant 96 : index
          %get3A_377 = tpu.vector_load %arg9[%get3A_376] {strides = array<i32>} : memref<320xi32, #tpu.memory_space<vmem>>, vector<16xi32>,
          %get3A_378 = vector.shape_cast %get3A_377 : vector<16xi32> to vector<16xi32>
          %lt3A_379 = arith.cmpi slt, %get3A_378, %broadcast_in_dim3A_322 : vector<16xi32>
          %select_n3A_380 = arith.select %lt3A_379, %broadcast_in_dim3A_320, %get3A_378 : vector<16xi1>, vector<16xi32>
          %swap3A_381 = arith.constant 96 : index
          %swap3A_382 = tpu.vector_load %arg9[%swap3A_381] {strides = array<i32>} : memref<320xi32, #tpu.memory_space<vmem>>, vector<16xi32>,
          %swap3A_383 = vector.shape_cast %swap3A_382 : vector<16xi32> to vector<16xi32>
          %swap3A_384 = vector.shape_cast %select_n3A_380 : vector<16xi32> to vector<16xi32>
          tpu.vector_store %arg9[%swap3A_381], %swap3A_384 {strides = array<i32>} : memref<320xi32, #tpu.memory_space<vmem>>, vector<16xi32>,
          %get3A_385 = arith.constant 112 : index
          %get3A_386 = tpu.vector_load %arg9[%get3A_385] {strides = array<i32>} : memref<320xi32, #tpu.memory_space<vmem>>, vector<16xi32>,
          %get3A_387 = vector.shape_cast %get3A_386 : vector<16xi32> to vector<16xi32>
          %lt3A_388 = arith.cmpi slt, %get3A_387, %broadcast_in_dim3A_322 : vector<16xi32>
          %select_n3A_389 = arith.select %lt3A_388, %broadcast_in_dim3A_320, %get3A_387 : vector<16xi1>, vector<16xi32>
          %swap3A_390 = arith.constant 112 : index
          %swap3A_391 = tpu.vector_load %arg9[%swap3A_390] {strides = array<i32>} : memref<320xi32, #tpu.memory_space<vmem>>, vector<16xi32>,
          %swap3A_392 = vector.shape_cast %swap3A_391 : vector<16xi32> to vector<16xi32>
          %swap3A_393 = vector.shape_cast %select_n3A_389 : vector<16xi32> to vector<16xi32>
          tpu.vector_store %arg9[%swap3A_390], %swap3A_393 {strides = array<i32>} : memref<320xi32, #tpu.memory_space<vmem>>, vector<16xi32>,
          %get3A_394 = arith.constant 128 : index
          %get3A_395 = tpu.vector_load %arg9[%get3A_394] {strides = array<i32>} : memref<320xi32, #tpu.memory_space<vmem>>, vector<16xi32>,
          %get3A_396 = vector.shape_cast %get3A_395 : vector<16xi32> to vector<16xi32>
          %lt3A_397 = arith.cmpi slt, %get3A_396, %broadcast_in_dim3A_322 : vector<16xi32>
          %select_n3A_398 = arith.select %lt3A_397, %broadcast_in_dim3A_320, %get3A_396 : vector<16xi1>, vector<16xi32>
          %swap3A_399 = arith.constant 128 : index
          %swap3A_400 = tpu.vector_load %arg9[%swap3A_399] {strides = array<i32>} : memref<320xi32, #tpu.memory_space<vmem>>, vector<16xi32>,
          %swap3A_401 = vector.shape_cast %swap3A_400 : vector<16xi32> to vector<16xi32>
          %swap3A_402 = vector.shape_cast %select_n3A_398 : vector<16xi32> to vector<16xi32>
          tpu.vector_store %arg9[%swap3A_399], %swap3A_402 {strides = array<i32>} : memref<320xi32, #tpu.memory_space<vmem>>, vector<16xi32>,
          %get3A_403 = arith.constant 144 : index
          %get3A_404 = tpu.vector_load %arg9[%get3A_403] {strides = array<i32>} : memref<320xi32, #tpu.memory_space<vmem>>, vector<16xi32>,
          %get3A_405 = vector.shape_cast %get3A_404 : vector<16xi32> to vector<16xi32>
          %lt3A_406 = arith.cmpi slt, %get3A_405, %broadcast_in_dim3A_322 : vector<16xi32>
          %select_n3A_407 = arith.select %lt3A_406, %broadcast_in_dim3A_320, %get3A_405 : vector<16xi1>, vector<16xi32>
          %swap3A_408 = arith.constant 144 : index
          %swap3A_409 = tpu.vector_load %arg9[%swap3A_408] {strides = array<i32>} : memref<320xi32, #tpu.memory_space<vmem>>, vector<16xi32>,
          %swap3A_410 = vector.shape_cast %swap3A_409 : vector<16xi32> to vector<16xi32>
          %swap3A_411 = vector.shape_cast %select_n3A_407 : vector<16xi32> to vector<16xi32>
          tpu.vector_store %arg9[%swap3A_408], %swap3A_411 {strides = array<i32>} : memref<320xi32, #tpu.memory_space<vmem>>, vector<16xi32>,
          %get3A_412 = arith.constant 160 : index
          %get3A_413 = tpu.vector_load %arg9[%get3A_412] {strides = array<i32>} : memref<320xi32, #tpu.memory_space<vmem>>, vector<16xi32>,
          %get3A_414 = vector.shape_cast %get3A_413 : vector<16xi32> to vector<16xi32>
          %lt3A_415 = arith.cmpi slt, %get3A_414, %broadcast_in_dim3A_322 : vector<16xi32>
          %select_n3A_416 = arith.select %lt3A_415, %broadcast_in_dim3A_320, %get3A_414 : vector<16xi1>, vector<16xi32>
          %swap3A_417 = arith.constant 160 : index
          %swap3A_418 = tpu.vector_load %arg9[%swap3A_417] {strides = array<i32>} : memref<320xi32, #tpu.memory_space<vmem>>, vector<16xi32>,
          %swap3A_419 = vector.shape_cast %swap3A_418 : vector<16xi32> to vector<16xi32>
          %swap3A_420 = vector.shape_cast %select_n3A_416 : vector<16xi32> to vector<16xi32>
          tpu.vector_store %arg9[%swap3A_417], %swap3A_420 {strides = array<i32>} : memref<320xi32, #tpu.memory_space<vmem>>, vector<16xi32>,
          %get3A_421 = arith.constant 176 : index
          %get3A_422 = tpu.vector_load %arg9[%get3A_421] {strides = array<i32>} : memref<320xi32, #tpu.memory_space<vmem>>, vector<16xi32>,
          %get3A_423 = vector.shape_cast %get3A_422 : vector<16xi32> to vector<16xi32>
          %lt3A_424 = arith.cmpi slt, %get3A_423, %broadcast_in_dim3A_322 : vector<16xi32>
          %select_n3A_425 = arith.select %lt3A_424, %broadcast_in_dim3A_320, %get3A_423 : vector<16xi1>, vector<16xi32>
          %swap3A_426 = arith.constant 176 : index
          %swap3A_427 = tpu.vector_load %arg9[%swap3A_426] {strides = array<i32>} : memref<320xi32, #tpu.memory_space<vmem>>, vector<16xi32>,
          %swap3A_428 = vector.shape_cast %swap3A_427 : vector<16xi32> to vector<16xi32>
          %swap3A_429 = vector.shape_cast %select_n3A_425 : vector<16xi32> to vector<16xi32>
          tpu.vector_store %arg9[%swap3A_426], %swap3A_429 {strides = array<i32>} : memref<320xi32, #tpu.memory_space<vmem>>, vector<16xi32>,
          %get3A_430 = arith.constant 192 : index
          %get3A_431 = tpu.vector_load %arg9[%get3A_430] {strides = array<i32>} : memref<320xi32, #tpu.memory_space<vmem>>, vector<16xi32>,
          %get3A_432 = vector.shape_cast %get3A_431 : vector<16xi32> to vector<16xi32>
          %lt3A_433 = arith.cmpi slt, %get3A_432, %broadcast_in_dim3A_322 : vector<16xi32>
          %select_n3A_434 = arith.select %lt3A_433, %broadcast_in_dim3A_320, %get3A_432 : vector<16xi1>, vector<16xi32>
          %swap3A_435 = arith.constant 192 : index
          %swap3A_436 = tpu.vector_load %arg9[%swap3A_435] {strides = array<i32>} : memref<320xi32, #tpu.memory_space<vmem>>, vector<16xi32>,
          %swap3A_437 = vector.shape_cast %swap3A_436 : vector<16xi32> to vector<16xi32>
          %swap3A_438 = vector.shape_cast %select_n3A_434 : vector<16xi32> to vector<16xi32>
          tpu.vector_store %arg9[%swap3A_435], %swap3A_438 {strides = array<i32>} : memref<320xi32, #tpu.memory_space<vmem>>, vector<16xi32>,
          %get3A_439 = arith.constant 208 : index
          %get3A_440 = tpu.vector_load %arg9[%get3A_439] {strides = array<i32>} : memref<320xi32, #tpu.memory_space<vmem>>, vector<16xi32>,
          %get3A_441 = vector.shape_cast %get3A_440 : vector<16xi32> to vector<16xi32>
          %lt3A_442 = arith.cmpi slt, %get3A_441, %broadcast_in_dim3A_322 : vector<16xi32>
          %select_n3A_443 = arith.select %lt3A_442, %broadcast_in_dim3A_320, %get3A_441 : vector<16xi1>, vector<16xi32>
          %swap3A_444 = arith.constant 208 : index
          %swap3A_445 = tpu.vector_load %arg9[%swap3A_444] {strides = array<i32>} : memref<320xi32, #tpu.memory_space<vmem>>, vector<16xi32>,
          %swap3A_446 = vector.shape_cast %swap3A_445 : vector<16xi32> to vector<16xi32>
          %swap3A_447 = vector.shape_cast %select_n3A_443 : vector<16xi32> to vector<16xi32>
          tpu.vector_store %arg9[%swap3A_444], %swap3A_447 {strides = array<i32>} : memref<320xi32, #tpu.memory_space<vmem>>, vector<16xi32>,
          %get3A_448 = arith.constant 224 : index
          %get3A_449 = tpu.vector_load %arg9[%get3A_448] {strides = array<i32>} : memref<320xi32, #tpu.memory_space<vmem>>, vector<16xi32>,
          %get3A_450 = vector.shape_cast %get3A_449 : vector<16xi32> to vector<16xi32>
          %lt3A_451 = arith.cmpi slt, %get3A_450, %broadcast_in_dim3A_322 : vector<16xi32>
          %select_n3A_452 = arith.select %lt3A_451, %broadcast_in_dim3A_320, %get3A_450 : vector<16xi1>, vector<16xi32>
          %swap3A_453 = arith.constant 224 : index
          %swap3A_454 = tpu.vector_load %arg9[%swap3A_453] {strides = array<i32>} : memref<320xi32, #tpu.memory_space<vmem>>, vector<16xi32>,
          %swap3A_455 = vector.shape_cast %swap3A_454 : vector<16xi32> to vector<16xi32>
          %swap3A_456 = vector.shape_cast %select_n3A_452 : vector<16xi32> to vector<16xi32>
          tpu.vector_store %arg9[%swap3A_453], %swap3A_456 {strides = array<i32>} : memref<320xi32, #tpu.memory_space<vmem>>, vector<16xi32>,
          %get3A_457 = arith.constant 240 : index
          %get3A_458 = tpu.vector_load %arg9[%get3A_457] {strides = array<i32>} : memref<320xi32, #tpu.memory_space<vmem>>, vector<16xi32>,
          %get3A_459 = vector.shape_cast %get3A_458 : vector<16xi32> to vector<16xi32>
          %lt3A_460 = arith.cmpi slt, %get3A_459, %broadcast_in_dim3A_322 : vector<16xi32>
          %select_n3A_461 = arith.select %lt3A_460, %broadcast_in_dim3A_320, %get3A_459 : vector<16xi1>, vector<16xi32>
          %swap3A_462 = arith.constant 240 : index
          %swap3A_463 = tpu.vector_load %arg9[%swap3A_462] {strides = array<i32>} : memref<320xi32, #tpu.memory_space<vmem>>, vector<16xi32>,
          %swap3A_464 = vector.shape_cast %swap3A_463 : vector<16xi32> to vector<16xi32>
          %swap3A_465 = vector.shape_cast %select_n3A_461 : vector<16xi32> to vector<16xi32>
          tpu.vector_store %arg9[%swap3A_462], %swap3A_465 {strides = array<i32>} : memref<320xi32, #tpu.memory_space<vmem>>, vector<16xi32>,
          %get3A_466 = arith.constant 256 : index
          %get3A_467 = tpu.vector_load %arg9[%get3A_466] {strides = array<i32>} : memref<320xi32, #tpu.memory_space<vmem>>, vector<16xi32>,
          %get3A_468 = vector.shape_cast %get3A_467 : vector<16xi32> to vector<16xi32>
          %lt3A_469 = arith.cmpi slt, %get3A_468, %broadcast_in_dim3A_322 : vector<16xi32>
          %select_n3A_470 = arith.select %lt3A_469, %broadcast_in_dim3A_320, %get3A_468 : vector<16xi1>, vector<16xi32>
          %swap3A_471 = arith.constant 256 : index
          %swap3A_472 = tpu.vector_load %arg9[%swap3A_471] {strides = array<i32>} : memref<320xi32, #tpu.memory_space<vmem>>, vector<16xi32>,
          %swap3A_473 = vector.shape_cast %swap3A_472 : vector<16xi32> to vector<16xi32>
          %swap3A_474 = vector.shape_cast %select_n3A_470 : vector<16xi32> to vector<16xi32>
          tpu.vector_store %arg9[%swap3A_471], %swap3A_474 {strides = array<i32>} : memref<320xi32, #tpu.memory_space<vmem>>, vector<16xi32>,
          %get3A_475 = arith.constant 272 : index
          %get3A_476 = tpu.vector_load %arg9[%get3A_475] {strides = array<i32>} : memref<320xi32, #tpu.memory_space<vmem>>, vector<16xi32>,
          %get3A_477 = vector.shape_cast %get3A_476 : vector<16xi32> to vector<16xi32>
          %lt3A_478 = arith.cmpi slt, %get3A_477, %broadcast_in_dim3A_322 : vector<16xi32>
          %select_n3A_479 = arith.select %lt3A_478, %broadcast_in_dim3A_320, %get3A_477 : vector<16xi1>, vector<16xi32>
          %swap3A_480 = arith.constant 272 : index
          %swap3A_481 = tpu.vector_load %arg9[%swap3A_480] {strides = array<i32>} : memref<320xi32, #tpu.memory_space<vmem>>, vector<16xi32>,
          %swap3A_482 = vector.shape_cast %swap3A_481 : vector<16xi32> to vector<16xi32>
          %swap3A_483 = vector.shape_cast %select_n3A_479 : vector<16xi32> to vector<16xi32>
          tpu.vector_store %arg9[%swap3A_480], %swap3A_483 {strides = array<i32>} : memref<320xi32, #tpu.memory_space<vmem>>, vector<16xi32>,
          %get3A_484 = arith.constant 288 : index
          %get3A_485 = tpu.vector_load %arg9[%get3A_484] {strides = array<i32>} : memref<320xi32, #tpu.memory_space<vmem>>, vector<16xi32>,
          %get3A_486 = vector.shape_cast %get3A_485 : vector<16xi32> to vector<16xi32>
          %lt3A_487 = arith.cmpi slt, %get3A_486, %broadcast_in_dim3A_322 : vector<16xi32>
          %select_n3A_488 = arith.select %lt3A_487, %broadcast_in_dim3A_320, %get3A_486 : vector<16xi1>, vector<16xi32>
          %swap3A_489 = arith.constant 288 : index
          %swap3A_490 = tpu.vector_load %arg9[%swap3A_489] {strides = array<i32>} : memref<320xi32, #tpu.memory_space<vmem>>, vector<16xi32>,
          %swap3A_491 = vector.shape_cast %swap3A_490 : vector<16xi32> to vector<16xi32>
          %swap3A_492 = vector.shape_cast %select_n3A_488 : vector<16xi32> to vector<16xi32>
          tpu.vector_store %arg9[%swap3A_489], %swap3A_492 {strides = array<i32>} : memref<320xi32, #tpu.memory_space<vmem>>, vector<16xi32>,
          %get3A_493 = arith.constant 304 : index
          %get3A_494 = tpu.vector_load %arg9[%get3A_493] {strides = array<i32>} : memref<320xi32, #tpu.memory_space<vmem>>, vector<16xi32>,
          %get3A_495 = vector.shape_cast %get3A_494 : vector<16xi32> to vector<16xi32>
          %lt3A_496 = arith.cmpi slt, %get3A_495, %broadcast_in_dim3A_322 : vector<16xi32>
          %select_n3A_497 = arith.select %lt3A_496, %broadcast_in_dim3A_320, %get3A_495 : vector<16xi1>, vector<16xi32>
          %swap3A_498 = arith.constant 304 : index
          %swap3A_499 = tpu.vector_load %arg9[%swap3A_498] {strides = array<i32>} : memref<320xi32, #tpu.memory_space<vmem>>, vector<16xi32>,
          %swap3A_500 = vector.shape_cast %swap3A_499 : vector<16xi32> to vector<16xi32>
          %swap3A_501 = vector.shape_cast %select_n3A_497 : vector<16xi32> to vector<16xi32>
          tpu.vector_store %arg9[%swap3A_498], %swap3A_501 {strides = array<i32>} : memref<320xi32, #tpu.memory_space<vmem>>, vector<16xi32>,
        } else {
        }
      } else {
      }
      "tpu.region"() ({
        %run_scoped3A = tpu.sem_alloc : memref<!tpu.dma_semaphore, #tpu.memory_space<semaphore_mem>>
        %dma_start3A_309 = arith.constant 0 : i32
        %dma_start3A_310 = arith.constant 0 : i32
        %dma_start3A_311 = tpu.memref_slice %arg13[%dma_start3A_309, %dma_start3A_310] : memref<5064x128xf32, #tpu.memory_space<vmem_shared>> -> memref<5064x128xf32, #tpu.memory_space<vmem_shared>>
        tpu.enqueue_indirect_dma source(%arg7 : memref<320x128xf32, #tpu.memory_space<vmem>>) target(%dma_start3A_311 : memref<5064x128xf32, #tpu.memory_space<vmem_shared>>) offsets(%arg9 : memref<320xi32, #tpu.memory_space<vmem>>) semaphore(%run_scoped3A : memref<!tpu.dma_semaphore, #tpu.memory_space<semaphore_mem>>) {add = true}
        %dma_wait3A_312 = arith.constant 0 : i32
        %dma_wait3A_313 = arith.constant 0 : i32
        %dma_wait3A_314 = tpu.memref_slice %arg13[%dma_wait3A_312, %dma_wait3A_313] : memref<5064x128xf32, #tpu.memory_space<vmem_shared>> -> memref<5064x128xf32, #tpu.memory_space<vmem_shared>>
        tpu.wait_indirect_dma semaphore(%run_scoped3A : memref<!tpu.dma_semaphore, #tpu.memory_space<semaphore_mem>>) src(%arg7 : memref<320x128xf32, #tpu.memory_space<vmem>>) dst(%dma_wait3A_314 : memref<5064x128xf32, #tpu.memory_space<vmem_shared>>)
        tpu.yield
      }) : () -> ()
      %mul3A_279 = arith.constant 2 : i32
      %mul3A_280 = arith.muli %mul3A_279, %while3A_233 : i32
      %add3A_281 = arith.constant 2 : i32
      %add3A_282 = arith.addi %mul3A_280, %add3A_281 : i32
      %lt3A_283 = arith.cmpi slt, %add3A_282, %max3A_82 : i32
      %convert_element_type3A_284 = arith.extui %lt3A_283 : i1 to i32
      %cond3A_285 = arith.constant 0 : i32
      %cond3A_286 = arith.cmpi ne, %convert_element_type3A_284, %cond3A_285 : i32
      scf.if %cond3A_286 {
        %mul3A_309 = arith.constant 2 : i32
        %mul3A_310 = arith.muli %mul3A_309, %while3A_233 : i32
        %add3A_311 = arith.constant 2 : i32
        %add3A_312 = arith.addi %mul3A_310, %add3A_311 : i32
        %add3A_313 = arith.addi %select_n3A_47, %arg1 : i32
        %mul3A_314 = arith.constant 16 : i32
        %mul3A_315 = arith.muli %mul3A_314, %add3A_312 : i32
        %add3A_316 = arith.addi %add3A_313, %mul3A_315 : i32
        %mul3A_317 = arith.constant 320 : i32
        %mul3A_318 = arith.muli %add3A_316, %mul3A_317 : i32
        %multiple_of3A_319 = tpu.assume_multiple %mul3A_318, 320 : i32
        %eq3A_320 = arith.constant 0 : i32
        %eq3A_321 = arith.cmpi eq, %arg0, %eq3A_320 : i32
        %convert_element_type3A_322 = arith.extui %eq3A_321 : i1 to i32
        %cond3A_323 = arith.constant 0 : i32
        %cond3A_324 = arith.cmpi ne, %convert_element_type3A_322, %cond3A_323 : i32
        scf.if %cond3A_324 {
          %dma_start3A_334 = tpu.memref_slice %arg3[%multiple_of3A_319] : memref<320000xi32, #tpu.memory_space<hbm>> -> memref<320xi32, #tpu.memory_space<hbm>>
          %dma_start3A_335 = tpu.memref_slice %arg3[%multiple_of3A_319] : memref<320000xi32, #tpu.memory_space<hbm>> -> memref<320xi32, #tpu.memory_space<hbm>>
          tpu.enqueue_dma source(%dma_start3A_335 : memref<320xi32, #tpu.memory_space<hbm>>) target(%arg9 : memref<320xi32, #tpu.memory_space<vmem>>) target_semaphore(%arg16 : memref<!tpu.dma_semaphore, #tpu.memory_space<semaphore_mem>>)
        } else {
        }
        %eq3A_325 = arith.constant 1 : i32
        %eq3A_326 = arith.cmpi eq, %arg0, %eq3A_325 : i32
        %convert_element_type3A_327 = arith.extui %eq3A_326 : i1 to i32
        %cond3A_328 = arith.constant 0 : i32
        %cond3A_329 = arith.cmpi ne, %convert_element_type3A_327, %cond3A_328 : i32
        scf.if %cond3A_329 {
          %dma_start3A_334 = tpu.memref_slice %arg4[%multiple_of3A_319] : memref<320000xi32, #tpu.memory_space<hbm>> -> memref<320xi32, #tpu.memory_space<hbm>>
          %dma_start3A_335 = tpu.memref_slice %arg4[%multiple_of3A_319] : memref<320000xi32, #tpu.memory_space<hbm>> -> memref<320xi32, #tpu.memory_space<hbm>>
          tpu.enqueue_dma source(%dma_start3A_335 : memref<320xi32, #tpu.memory_space<hbm>>) target(%arg9 : memref<320xi32, #tpu.memory_space<vmem>>) target_semaphore(%arg16 : memref<!tpu.dma_semaphore, #tpu.memory_space<semaphore_mem>>)
        } else {
        }
        %dma_start3A_330 = arith.constant 0 : i32
        %dma_start3A_331 = tpu.memref_slice %arg2[%multiple_of3A_319, %dma_start3A_330] : memref<320000x128xf32, #tpu.memory_space<hbm>> -> memref<320x128xf32, #tpu.memory_space<hbm>>
        %dma_start3A_332 = arith.constant 0 : i32
        %dma_start3A_333 = tpu.memref_slice %arg2[%multiple_of3A_319, %dma_start3A_332] : memref<320000x128xf32, #tpu.memory_space<hbm>> -> memref<320x128xf32, #tpu.memory_space<hbm>>
        tpu.enqueue_dma source(%dma_start3A_333 : memref<320x128xf32, #tpu.memory_space<hbm>>) target(%arg7 : memref<320x128xf32, #tpu.memory_space<vmem>>) target_semaphore(%arg14 : memref<!tpu.dma_semaphore, #tpu.memory_space<semaphore_mem>>)
      } else {
      }
      %dma_wait3A_287 = arith.constant 0 : i32
      %dma_wait3A_288 = tpu.memref_slice %arg3[%dma_wait3A_287] : memref<320000xi32, #tpu.memory_space<hbm>> -> memref<320xi32, #tpu.memory_space<hbm>>
      %dma_wait3A_289 = arith.constant 0 : i32
      %dma_wait3A_290 = tpu.memref_slice %arg3[%dma_wait3A_289] : memref<320000xi32, #tpu.memory_space<hbm>> -> memref<320xi32, #tpu.memory_space<hbm>>
      tpu.wait_dma2 semaphore(%arg17 : memref<!tpu.dma_semaphore, #tpu.memory_space<semaphore_mem>>) src(%dma_wait3A_290 : memref<320xi32, #tpu.memory_space<hbm>>) dst(%arg10 : memref<320xi32, #tpu.memory_space<vmem>>)
      %dma_wait3A_291 = arith.constant 0 : i32
      %dma_wait3A_292 = arith.constant 0 : i32
      %dma_wait3A_293 = tpu.memref_slice %arg2[%dma_wait3A_291, %dma_wait3A_292] : memref<320000x128xf32, #tpu.memory_space<hbm>> -> memref<320x128xf32, #tpu.memory_space<hbm>>
      %dma_wait3A_294 = arith.constant 0 : i32
      %dma_wait3A_295 = arith.constant 0 : i32
      %dma_wait3A_296 = tpu.memref_slice %arg2[%dma_wait3A_294, %dma_wait3A_295] : memref<320000x128xf32, #tpu.memory_space<hbm>> -> memref<320x128xf32, #tpu.memory_space<hbm>>
      tpu.wait_dma2 semaphore(%arg15 : memref<!tpu.dma_semaphore, #tpu.memory_space<semaphore_mem>>) src(%dma_wait3A_296 : memref<320x128xf32, #tpu.memory_space<hbm>>) dst(%arg8 : memref<320x128xf32, #tpu.memory_space<vmem>>)
      %mul3A_297 = arith.constant 2 : i32
      %mul3A_298 = arith.muli %mul3A_297, %while3A_233 : i32
      %add3A_299 = arith.constant 1 : i32
      %add3A_300 = arith.addi %mul3A_298, %add3A_299 : i32
      %add3A_301 = arith.addi %select_n3A_47, %arg1 : i32
      %mul3A_302 = arith.constant 16 : i32
      %mul3A_303 = arith.muli %mul3A_302, %add3A_300 : i32
      %add3A_304 = arith.addi %add3A_301, %mul3A_303 : i32
      %eq3A_305 = arith.cmpi eq, %add3A_304, %select_n3A_44 : i32
      %convert_element_type3A_306 = arith.extui %eq3A_305 : i1 to i32
      %cond3A_307 = arith.constant 0 : i32
      %cond3A_308 = arith.cmpi ne, %convert_element_type3A_306, %cond3A_307 : i32
      scf.if %cond3A_308 {
        %eq3A_309 = arith.constant 0 : i32
        %eq3A_310 = arith.cmpi eq, %arg0, %eq3A_309 : i32
        %convert_element_type3A_311 = arith.extui %eq3A_310 : i1 to i32
        %cond3A_312 = arith.constant 0 : i32
        %cond3A_313 = arith.cmpi ne, %convert_element_type3A_311, %cond3A_312 : i32
        scf.if %cond3A_313 {
          %broadcast_in_dim3A_319 = arith.constant 5056 : i32
          %broadcast_in_dim3A_320 = vector.broadcast %broadcast_in_dim3A_319 : i32 to vector<16xi32>
          %get3A_321 = arith.constant 0 : index
          %get3A_322 = tpu.vector_load %arg10[%get3A_321] {strides = array<i32>} : memref<320xi32, #tpu.memory_space<vmem>>, vector<16xi32>,
          %get3A_323 = vector.shape_cast %get3A_322 : vector<16xi32> to vector<16xi32>
          %min3A_324 = arith.minsi %get3A_323, %broadcast_in_dim3A_320 : vector<16xi32>
          %swap3A = arith.constant 0 : index
          %swap3A_325 = tpu.vector_load %arg10[%swap3A] {strides = array<i32>} : memref<320xi32, #tpu.memory_space<vmem>>, vector<16xi32>,
          %swap3A_326 = vector.shape_cast %swap3A_325 : vector<16xi32> to vector<16xi32>
          %swap3A_327 = vector.shape_cast %min3A_324 : vector<16xi32> to vector<16xi32>
          tpu.vector_store %arg10[%swap3A], %swap3A_327 {strides = array<i32>} : memref<320xi32, #tpu.memory_space<vmem>>, vector<16xi32>,
          %get3A_328 = arith.constant 16 : index
          %get3A_329 = tpu.vector_load %arg10[%get3A_328] {strides = array<i32>} : memref<320xi32, #tpu.memory_space<vmem>>, vector<16xi32>,
          %get3A_330 = vector.shape_cast %get3A_329 : vector<16xi32> to vector<16xi32>
          %min3A_331 = arith.minsi %get3A_330, %broadcast_in_dim3A_320 : vector<16xi32>
          %swap3A_332 = arith.constant 16 : index
          %swap3A_333 = tpu.vector_load %arg10[%swap3A_332] {strides = array<i32>} : memref<320xi32, #tpu.memory_space<vmem>>, vector<16xi32>,
          %swap3A_334 = vector.shape_cast %swap3A_333 : vector<16xi32> to vector<16xi32>
          %swap3A_335 = vector.shape_cast %min3A_331 : vector<16xi32> to vector<16xi32>
          tpu.vector_store %arg10[%swap3A_332], %swap3A_335 {strides = array<i32>} : memref<320xi32, #tpu.memory_space<vmem>>, vector<16xi32>,
          %get3A_336 = arith.constant 32 : index
          %get3A_337 = tpu.vector_load %arg10[%get3A_336] {strides = array<i32>} : memref<320xi32, #tpu.memory_space<vmem>>, vector<16xi32>,
          %get3A_338 = vector.shape_cast %get3A_337 : vector<16xi32> to vector<16xi32>
          %min3A_339 = arith.minsi %get3A_338, %broadcast_in_dim3A_320 : vector<16xi32>
          %swap3A_340 = arith.constant 32 : index
          %swap3A_341 = tpu.vector_load %arg10[%swap3A_340] {strides = array<i32>} : memref<320xi32, #tpu.memory_space<vmem>>, vector<16xi32>,
          %swap3A_342 = vector.shape_cast %swap3A_341 : vector<16xi32> to vector<16xi32>
          %swap3A_343 = vector.shape_cast %min3A_339 : vector<16xi32> to vector<16xi32>
          tpu.vector_store %arg10[%swap3A_340], %swap3A_343 {strides = array<i32>} : memref<320xi32, #tpu.memory_space<vmem>>, vector<16xi32>,
          %get3A_344 = arith.constant 48 : index
          %get3A_345 = tpu.vector_load %arg10[%get3A_344] {strides = array<i32>} : memref<320xi32, #tpu.memory_space<vmem>>, vector<16xi32>,
          %get3A_346 = vector.shape_cast %get3A_345 : vector<16xi32> to vector<16xi32>
          %min3A_347 = arith.minsi %get3A_346, %broadcast_in_dim3A_320 : vector<16xi32>
          %swap3A_348 = arith.constant 48 : index
          %swap3A_349 = tpu.vector_load %arg10[%swap3A_348] {strides = array<i32>} : memref<320xi32, #tpu.memory_space<vmem>>, vector<16xi32>,
          %swap3A_350 = vector.shape_cast %swap3A_349 : vector<16xi32> to vector<16xi32>
          %swap3A_351 = vector.shape_cast %min3A_347 : vector<16xi32> to vector<16xi32>
          tpu.vector_store %arg10[%swap3A_348], %swap3A_351 {strides = array<i32>} : memref<320xi32, #tpu.memory_space<vmem>>, vector<16xi32>,
          %get3A_352 = arith.constant 64 : index
          %get3A_353 = tpu.vector_load %arg10[%get3A_352] {strides = array<i32>} : memref<320xi32, #tpu.memory_space<vmem>>, vector<16xi32>,
          %get3A_354 = vector.shape_cast %get3A_353 : vector<16xi32> to vector<16xi32>
          %min3A_355 = arith.minsi %get3A_354, %broadcast_in_dim3A_320 : vector<16xi32>
          %swap3A_356 = arith.constant 64 : index
          %swap3A_357 = tpu.vector_load %arg10[%swap3A_356] {strides = array<i32>} : memref<320xi32, #tpu.memory_space<vmem>>, vector<16xi32>,
          %swap3A_358 = vector.shape_cast %swap3A_357 : vector<16xi32> to vector<16xi32>
          %swap3A_359 = vector.shape_cast %min3A_355 : vector<16xi32> to vector<16xi32>
          tpu.vector_store %arg10[%swap3A_356], %swap3A_359 {strides = array<i32>} : memref<320xi32, #tpu.memory_space<vmem>>, vector<16xi32>,
          %get3A_360 = arith.constant 80 : index
          %get3A_361 = tpu.vector_load %arg10[%get3A_360] {strides = array<i32>} : memref<320xi32, #tpu.memory_space<vmem>>, vector<16xi32>,
          %get3A_362 = vector.shape_cast %get3A_361 : vector<16xi32> to vector<16xi32>
          %min3A_363 = arith.minsi %get3A_362, %broadcast_in_dim3A_320 : vector<16xi32>
          %swap3A_364 = arith.constant 80 : index
          %swap3A_365 = tpu.vector_load %arg10[%swap3A_364] {strides = array<i32>} : memref<320xi32, #tpu.memory_space<vmem>>, vector<16xi32>,
          %swap3A_366 = vector.shape_cast %swap3A_365 : vector<16xi32> to vector<16xi32>
          %swap3A_367 = vector.shape_cast %min3A_363 : vector<16xi32> to vector<16xi32>
          tpu.vector_store %arg10[%swap3A_364], %swap3A_367 {strides = array<i32>} : memref<320xi32, #tpu.memory_space<vmem>>, vector<16xi32>,
          %get3A_368 = arith.constant 96 : index
          %get3A_369 = tpu.vector_load %arg10[%get3A_368] {strides = array<i32>} : memref<320xi32, #tpu.memory_space<vmem>>, vector<16xi32>,
          %get3A_370 = vector.shape_cast %get3A_369 : vector<16xi32> to vector<16xi32>
          %min3A_371 = arith.minsi %get3A_370, %broadcast_in_dim3A_320 : vector<16xi32>
          %swap3A_372 = arith.constant 96 : index
          %swap3A_373 = tpu.vector_load %arg10[%swap3A_372] {strides = array<i32>} : memref<320xi32, #tpu.memory_space<vmem>>, vector<16xi32>,
          %swap3A_374 = vector.shape_cast %swap3A_373 : vector<16xi32> to vector<16xi32>
          %swap3A_375 = vector.shape_cast %min3A_371 : vector<16xi32> to vector<16xi32>
          tpu.vector_store %arg10[%swap3A_372], %swap3A_375 {strides = array<i32>} : memref<320xi32, #tpu.memory_space<vmem>>, vector<16xi32>,
          %get3A_376 = arith.constant 112 : index
          %get3A_377 = tpu.vector_load %arg10[%get3A_376] {strides = array<i32>} : memref<320xi32, #tpu.memory_space<vmem>>, vector<16xi32>,
          %get3A_378 = vector.shape_cast %get3A_377 : vector<16xi32> to vector<16xi32>
          %min3A_379 = arith.minsi %get3A_378, %broadcast_in_dim3A_320 : vector<16xi32>
          %swap3A_380 = arith.constant 112 : index
          %swap3A_381 = tpu.vector_load %arg10[%swap3A_380] {strides = array<i32>} : memref<320xi32, #tpu.memory_space<vmem>>, vector<16xi32>,
          %swap3A_382 = vector.shape_cast %swap3A_381 : vector<16xi32> to vector<16xi32>
          %swap3A_383 = vector.shape_cast %min3A_379 : vector<16xi32> to vector<16xi32>
          tpu.vector_store %arg10[%swap3A_380], %swap3A_383 {strides = array<i32>} : memref<320xi32, #tpu.memory_space<vmem>>, vector<16xi32>,
          %get3A_384 = arith.constant 128 : index
          %get3A_385 = tpu.vector_load %arg10[%get3A_384] {strides = array<i32>} : memref<320xi32, #tpu.memory_space<vmem>>, vector<16xi32>,
          %get3A_386 = vector.shape_cast %get3A_385 : vector<16xi32> to vector<16xi32>
          %min3A_387 = arith.minsi %get3A_386, %broadcast_in_dim3A_320 : vector<16xi32>
          %swap3A_388 = arith.constant 128 : index
          %swap3A_389 = tpu.vector_load %arg10[%swap3A_388] {strides = array<i32>} : memref<320xi32, #tpu.memory_space<vmem>>, vector<16xi32>,
          %swap3A_390 = vector.shape_cast %swap3A_389 : vector<16xi32> to vector<16xi32>
          %swap3A_391 = vector.shape_cast %min3A_387 : vector<16xi32> to vector<16xi32>
          tpu.vector_store %arg10[%swap3A_388], %swap3A_391 {strides = array<i32>} : memref<320xi32, #tpu.memory_space<vmem>>, vector<16xi32>,
          %get3A_392 = arith.constant 144 : index
          %get3A_393 = tpu.vector_load %arg10[%get3A_392] {strides = array<i32>} : memref<320xi32, #tpu.memory_space<vmem>>, vector<16xi32>,
          %get3A_394 = vector.shape_cast %get3A_393 : vector<16xi32> to vector<16xi32>
          %min3A_395 = arith.minsi %get3A_394, %broadcast_in_dim3A_320 : vector<16xi32>
          %swap3A_396 = arith.constant 144 : index
          %swap3A_397 = tpu.vector_load %arg10[%swap3A_396] {strides = array<i32>} : memref<320xi32, #tpu.memory_space<vmem>>, vector<16xi32>,
          %swap3A_398 = vector.shape_cast %swap3A_397 : vector<16xi32> to vector<16xi32>
          %swap3A_399 = vector.shape_cast %min3A_395 : vector<16xi32> to vector<16xi32>
          tpu.vector_store %arg10[%swap3A_396], %swap3A_399 {strides = array<i32>} : memref<320xi32, #tpu.memory_space<vmem>>, vector<16xi32>,
          %get3A_400 = arith.constant 160 : index
          %get3A_401 = tpu.vector_load %arg10[%get3A_400] {strides = array<i32>} : memref<320xi32, #tpu.memory_space<vmem>>, vector<16xi32>,
          %get3A_402 = vector.shape_cast %get3A_401 : vector<16xi32> to vector<16xi32>
          %min3A_403 = arith.minsi %get3A_402, %broadcast_in_dim3A_320 : vector<16xi32>
          %swap3A_404 = arith.constant 160 : index
          %swap3A_405 = tpu.vector_load %arg10[%swap3A_404] {strides = array<i32>} : memref<320xi32, #tpu.memory_space<vmem>>, vector<16xi32>,
          %swap3A_406 = vector.shape_cast %swap3A_405 : vector<16xi32> to vector<16xi32>
          %swap3A_407 = vector.shape_cast %min3A_403 : vector<16xi32> to vector<16xi32>
          tpu.vector_store %arg10[%swap3A_404], %swap3A_407 {strides = array<i32>} : memref<320xi32, #tpu.memory_space<vmem>>, vector<16xi32>,
          %get3A_408 = arith.constant 176 : index
          %get3A_409 = tpu.vector_load %arg10[%get3A_408] {strides = array<i32>} : memref<320xi32, #tpu.memory_space<vmem>>, vector<16xi32>,
          %get3A_410 = vector.shape_cast %get3A_409 : vector<16xi32> to vector<16xi32>
          %min3A_411 = arith.minsi %get3A_410, %broadcast_in_dim3A_320 : vector<16xi32>
          %swap3A_412 = arith.constant 176 : index
          %swap3A_413 = tpu.vector_load %arg10[%swap3A_412] {strides = array<i32>} : memref<320xi32, #tpu.memory_space<vmem>>, vector<16xi32>,
          %swap3A_414 = vector.shape_cast %swap3A_413 : vector<16xi32> to vector<16xi32>
          %swap3A_415 = vector.shape_cast %min3A_411 : vector<16xi32> to vector<16xi32>
          tpu.vector_store %arg10[%swap3A_412], %swap3A_415 {strides = array<i32>} : memref<320xi32, #tpu.memory_space<vmem>>, vector<16xi32>,
          %get3A_416 = arith.constant 192 : index
          %get3A_417 = tpu.vector_load %arg10[%get3A_416] {strides = array<i32>} : memref<320xi32, #tpu.memory_space<vmem>>, vector<16xi32>,
          %get3A_418 = vector.shape_cast %get3A_417 : vector<16xi32> to vector<16xi32>
          %min3A_419 = arith.minsi %get3A_418, %broadcast_in_dim3A_320 : vector<16xi32>
          %swap3A_420 = arith.constant 192 : index
          %swap3A_421 = tpu.vector_load %arg10[%swap3A_420] {strides = array<i32>} : memref<320xi32, #tpu.memory_space<vmem>>, vector<16xi32>,
          %swap3A_422 = vector.shape_cast %swap3A_421 : vector<16xi32> to vector<16xi32>
          %swap3A_423 = vector.shape_cast %min3A_419 : vector<16xi32> to vector<16xi32>
          tpu.vector_store %arg10[%swap3A_420], %swap3A_423 {strides = array<i32>} : memref<320xi32, #tpu.memory_space<vmem>>, vector<16xi32>,
          %get3A_424 = arith.constant 208 : index
          %get3A_425 = tpu.vector_load %arg10[%get3A_424] {strides = array<i32>} : memref<320xi32, #tpu.memory_space<vmem>>, vector<16xi32>,
          %get3A_426 = vector.shape_cast %get3A_425 : vector<16xi32> to vector<16xi32>
          %min3A_427 = arith.minsi %get3A_426, %broadcast_in_dim3A_320 : vector<16xi32>
          %swap3A_428 = arith.constant 208 : index
          %swap3A_429 = tpu.vector_load %arg10[%swap3A_428] {strides = array<i32>} : memref<320xi32, #tpu.memory_space<vmem>>, vector<16xi32>,
          %swap3A_430 = vector.shape_cast %swap3A_429 : vector<16xi32> to vector<16xi32>
          %swap3A_431 = vector.shape_cast %min3A_427 : vector<16xi32> to vector<16xi32>
          tpu.vector_store %arg10[%swap3A_428], %swap3A_431 {strides = array<i32>} : memref<320xi32, #tpu.memory_space<vmem>>, vector<16xi32>,
          %get3A_432 = arith.constant 224 : index
          %get3A_433 = tpu.vector_load %arg10[%get3A_432] {strides = array<i32>} : memref<320xi32, #tpu.memory_space<vmem>>, vector<16xi32>,
          %get3A_434 = vector.shape_cast %get3A_433 : vector<16xi32> to vector<16xi32>
          %min3A_435 = arith.minsi %get3A_434, %broadcast_in_dim3A_320 : vector<16xi32>
          %swap3A_436 = arith.constant 224 : index
          %swap3A_437 = tpu.vector_load %arg10[%swap3A_436] {strides = array<i32>} : memref<320xi32, #tpu.memory_space<vmem>>, vector<16xi32>,
          %swap3A_438 = vector.shape_cast %swap3A_437 : vector<16xi32> to vector<16xi32>
          %swap3A_439 = vector.shape_cast %min3A_435 : vector<16xi32> to vector<16xi32>
          tpu.vector_store %arg10[%swap3A_436], %swap3A_439 {strides = array<i32>} : memref<320xi32, #tpu.memory_space<vmem>>, vector<16xi32>,
          %get3A_440 = arith.constant 240 : index
          %get3A_441 = tpu.vector_load %arg10[%get3A_440] {strides = array<i32>} : memref<320xi32, #tpu.memory_space<vmem>>, vector<16xi32>,
          %get3A_442 = vector.shape_cast %get3A_441 : vector<16xi32> to vector<16xi32>
          %min3A_443 = arith.minsi %get3A_442, %broadcast_in_dim3A_320 : vector<16xi32>
          %swap3A_444 = arith.constant 240 : index
          %swap3A_445 = tpu.vector_load %arg10[%swap3A_444] {strides = array<i32>} : memref<320xi32, #tpu.memory_space<vmem>>, vector<16xi32>,
          %swap3A_446 = vector.shape_cast %swap3A_445 : vector<16xi32> to vector<16xi32>
          %swap3A_447 = vector.shape_cast %min3A_443 : vector<16xi32> to vector<16xi32>
          tpu.vector_store %arg10[%swap3A_444], %swap3A_447 {strides = array<i32>} : memref<320xi32, #tpu.memory_space<vmem>>, vector<16xi32>,
          %get3A_448 = arith.constant 256 : index
          %get3A_449 = tpu.vector_load %arg10[%get3A_448] {strides = array<i32>} : memref<320xi32, #tpu.memory_space<vmem>>, vector<16xi32>,
          %get3A_450 = vector.shape_cast %get3A_449 : vector<16xi32> to vector<16xi32>
          %min3A_451 = arith.minsi %get3A_450, %broadcast_in_dim3A_320 : vector<16xi32>
          %swap3A_452 = arith.constant 256 : index
          %swap3A_453 = tpu.vector_load %arg10[%swap3A_452] {strides = array<i32>} : memref<320xi32, #tpu.memory_space<vmem>>, vector<16xi32>,
          %swap3A_454 = vector.shape_cast %swap3A_453 : vector<16xi32> to vector<16xi32>
          %swap3A_455 = vector.shape_cast %min3A_451 : vector<16xi32> to vector<16xi32>
          tpu.vector_store %arg10[%swap3A_452], %swap3A_455 {strides = array<i32>} : memref<320xi32, #tpu.memory_space<vmem>>, vector<16xi32>,
          %get3A_456 = arith.constant 272 : index
          %get3A_457 = tpu.vector_load %arg10[%get3A_456] {strides = array<i32>} : memref<320xi32, #tpu.memory_space<vmem>>, vector<16xi32>,
          %get3A_458 = vector.shape_cast %get3A_457 : vector<16xi32> to vector<16xi32>
          %min3A_459 = arith.minsi %get3A_458, %broadcast_in_dim3A_320 : vector<16xi32>
          %swap3A_460 = arith.constant 272 : index
          %swap3A_461 = tpu.vector_load %arg10[%swap3A_460] {strides = array<i32>} : memref<320xi32, #tpu.memory_space<vmem>>, vector<16xi32>,
          %swap3A_462 = vector.shape_cast %swap3A_461 : vector<16xi32> to vector<16xi32>
          %swap3A_463 = vector.shape_cast %min3A_459 : vector<16xi32> to vector<16xi32>
          tpu.vector_store %arg10[%swap3A_460], %swap3A_463 {strides = array<i32>} : memref<320xi32, #tpu.memory_space<vmem>>, vector<16xi32>,
          %get3A_464 = arith.constant 288 : index
          %get3A_465 = tpu.vector_load %arg10[%get3A_464] {strides = array<i32>} : memref<320xi32, #tpu.memory_space<vmem>>, vector<16xi32>,
          %get3A_466 = vector.shape_cast %get3A_465 : vector<16xi32> to vector<16xi32>
          %min3A_467 = arith.minsi %get3A_466, %broadcast_in_dim3A_320 : vector<16xi32>
          %swap3A_468 = arith.constant 288 : index
          %swap3A_469 = tpu.vector_load %arg10[%swap3A_468] {strides = array<i32>} : memref<320xi32, #tpu.memory_space<vmem>>, vector<16xi32>,
          %swap3A_470 = vector.shape_cast %swap3A_469 : vector<16xi32> to vector<16xi32>
          %swap3A_471 = vector.shape_cast %min3A_467 : vector<16xi32> to vector<16xi32>
          tpu.vector_store %arg10[%swap3A_468], %swap3A_471 {strides = array<i32>} : memref<320xi32, #tpu.memory_space<vmem>>, vector<16xi32>,
          %get3A_472 = arith.constant 304 : index
          %get3A_473 = tpu.vector_load %arg10[%get3A_472] {strides = array<i32>} : memref<320xi32, #tpu.memory_space<vmem>>, vector<16xi32>,
          %get3A_474 = vector.shape_cast %get3A_473 : vector<16xi32> to vector<16xi32>
          %min3A_475 = arith.minsi %get3A_474, %broadcast_in_dim3A_320 : vector<16xi32>
          %swap3A_476 = arith.constant 304 : index
          %swap3A_477 = tpu.vector_load %arg10[%swap3A_476] {strides = array<i32>} : memref<320xi32, #tpu.memory_space<vmem>>, vector<16xi32>,
          %swap3A_478 = vector.shape_cast %swap3A_477 : vector<16xi32> to vector<16xi32>
          %swap3A_479 = vector.shape_cast %min3A_475 : vector<16xi32> to vector<16xi32>
          tpu.vector_store %arg10[%swap3A_476], %swap3A_479 {strides = array<i32>} : memref<320xi32, #tpu.memory_space<vmem>>, vector<16xi32>,
        } else {
        }
        %eq3A_314 = arith.constant 1 : i32
        %eq3A_315 = arith.cmpi eq, %arg0, %eq3A_314 : i32
        %convert_element_type3A_316 = arith.extui %eq3A_315 : i1 to i32
        %cond3A_317 = arith.constant 0 : i32
        %cond3A_318 = arith.cmpi ne, %convert_element_type3A_316, %cond3A_317 : i32
        scf.if %cond3A_318 {
          %broadcast_in_dim3A_319 = arith.constant 4944 : i32
          %broadcast_in_dim3A_320 = vector.broadcast %broadcast_in_dim3A_319 : i32 to vector<16xi32>
          %broadcast_in_dim3A_321 = arith.constant 0 : i32
          %broadcast_in_dim3A_322 = vector.broadcast %broadcast_in_dim3A_321 : i32 to vector<16xi32>
          %get3A_323 = arith.constant 0 : index
          %get3A_324 = tpu.vector_load %arg10[%get3A_323] {strides = array<i32>} : memref<320xi32, #tpu.memory_space<vmem>>, vector<16xi32>,
          %get3A_325 = vector.shape_cast %get3A_324 : vector<16xi32> to vector<16xi32>
          %lt3A_326 = arith.cmpi slt, %get3A_325, %broadcast_in_dim3A_322 : vector<16xi32>
          %select_n3A_327 = arith.select %lt3A_326, %broadcast_in_dim3A_320, %get3A_325 : vector<16xi1>, vector<16xi32>
          %swap3A = arith.constant 0 : index
          %swap3A_328 = tpu.vector_load %arg10[%swap3A] {strides = array<i32>} : memref<320xi32, #tpu.memory_space<vmem>>, vector<16xi32>,
          %swap3A_329 = vector.shape_cast %swap3A_328 : vector<16xi32> to vector<16xi32>
          %swap3A_330 = vector.shape_cast %select_n3A_327 : vector<16xi32> to vector<16xi32>
          tpu.vector_store %arg10[%swap3A], %swap3A_330 {strides = array<i32>} : memref<320xi32, #tpu.memory_space<vmem>>, vector<16xi32>,
          %get3A_331 = arith.constant 16 : index
          %get3A_332 = tpu.vector_load %arg10[%get3A_331] {strides = array<i32>} : memref<320xi32, #tpu.memory_space<vmem>>, vector<16xi32>,
          %get3A_333 = vector.shape_cast %get3A_332 : vector<16xi32> to vector<16xi32>
          %lt3A_334 = arith.cmpi slt, %get3A_333, %broadcast_in_dim3A_322 : vector<16xi32>
          %select_n3A_335 = arith.select %lt3A_334, %broadcast_in_dim3A_320, %get3A_333 : vector<16xi1>, vector<16xi32>
          %swap3A_336 = arith.constant 16 : index
          %swap3A_337 = tpu.vector_load %arg10[%swap3A_336] {strides = array<i32>} : memref<320xi32, #tpu.memory_space<vmem>>, vector<16xi32>,
          %swap3A_338 = vector.shape_cast %swap3A_337 : vector<16xi32> to vector<16xi32>
          %swap3A_339 = vector.shape_cast %select_n3A_335 : vector<16xi32> to vector<16xi32>
          tpu.vector_store %arg10[%swap3A_336], %swap3A_339 {strides = array<i32>} : memref<320xi32, #tpu.memory_space<vmem>>, vector<16xi32>,
          %get3A_340 = arith.constant 32 : index
          %get3A_341 = tpu.vector_load %arg10[%get3A_340] {strides = array<i32>} : memref<320xi32, #tpu.memory_space<vmem>>, vector<16xi32>,
          %get3A_342 = vector.shape_cast %get3A_341 : vector<16xi32> to vector<16xi32>
          %lt3A_343 = arith.cmpi slt, %get3A_342, %broadcast_in_dim3A_322 : vector<16xi32>
          %select_n3A_344 = arith.select %lt3A_343, %broadcast_in_dim3A_320, %get3A_342 : vector<16xi1>, vector<16xi32>
          %swap3A_345 = arith.constant 32 : index
          %swap3A_346 = tpu.vector_load %arg10[%swap3A_345] {strides = array<i32>} : memref<320xi32, #tpu.memory_space<vmem>>, vector<16xi32>,
          %swap3A_347 = vector.shape_cast %swap3A_346 : vector<16xi32> to vector<16xi32>
          %swap3A_348 = vector.shape_cast %select_n3A_344 : vector<16xi32> to vector<16xi32>
          tpu.vector_store %arg10[%swap3A_345], %swap3A_348 {strides = array<i32>} : memref<320xi32, #tpu.memory_space<vmem>>, vector<16xi32>,
          %get3A_349 = arith.constant 48 : index
          %get3A_350 = tpu.vector_load %arg10[%get3A_349] {strides = array<i32>} : memref<320xi32, #tpu.memory_space<vmem>>, vector<16xi32>,
          %get3A_351 = vector.shape_cast %get3A_350 : vector<16xi32> to vector<16xi32>
          %lt3A_352 = arith.cmpi slt, %get3A_351, %broadcast_in_dim3A_322 : vector<16xi32>
          %select_n3A_353 = arith.select %lt3A_352, %broadcast_in_dim3A_320, %get3A_351 : vector<16xi1>, vector<16xi32>
          %swap3A_354 = arith.constant 48 : index
          %swap3A_355 = tpu.vector_load %arg10[%swap3A_354] {strides = array<i32>} : memref<320xi32, #tpu.memory_space<vmem>>, vector<16xi32>,
          %swap3A_356 = vector.shape_cast %swap3A_355 : vector<16xi32> to vector<16xi32>
          %swap3A_357 = vector.shape_cast %select_n3A_353 : vector<16xi32> to vector<16xi32>
          tpu.vector_store %arg10[%swap3A_354], %swap3A_357 {strides = array<i32>} : memref<320xi32, #tpu.memory_space<vmem>>, vector<16xi32>,
          %get3A_358 = arith.constant 64 : index
          %get3A_359 = tpu.vector_load %arg10[%get3A_358] {strides = array<i32>} : memref<320xi32, #tpu.memory_space<vmem>>, vector<16xi32>,
          %get3A_360 = vector.shape_cast %get3A_359 : vector<16xi32> to vector<16xi32>
          %lt3A_361 = arith.cmpi slt, %get3A_360, %broadcast_in_dim3A_322 : vector<16xi32>
          %select_n3A_362 = arith.select %lt3A_361, %broadcast_in_dim3A_320, %get3A_360 : vector<16xi1>, vector<16xi32>
          %swap3A_363 = arith.constant 64 : index
          %swap3A_364 = tpu.vector_load %arg10[%swap3A_363] {strides = array<i32>} : memref<320xi32, #tpu.memory_space<vmem>>, vector<16xi32>,
          %swap3A_365 = vector.shape_cast %swap3A_364 : vector<16xi32> to vector<16xi32>
          %swap3A_366 = vector.shape_cast %select_n3A_362 : vector<16xi32> to vector<16xi32>
          tpu.vector_store %arg10[%swap3A_363], %swap3A_366 {strides = array<i32>} : memref<320xi32, #tpu.memory_space<vmem>>, vector<16xi32>,
          %get3A_367 = arith.constant 80 : index
          %get3A_368 = tpu.vector_load %arg10[%get3A_367] {strides = array<i32>} : memref<320xi32, #tpu.memory_space<vmem>>, vector<16xi32>,
          %get3A_369 = vector.shape_cast %get3A_368 : vector<16xi32> to vector<16xi32>
          %lt3A_370 = arith.cmpi slt, %get3A_369, %broadcast_in_dim3A_322 : vector<16xi32>
          %select_n3A_371 = arith.select %lt3A_370, %broadcast_in_dim3A_320, %get3A_369 : vector<16xi1>, vector<16xi32>
          %swap3A_372 = arith.constant 80 : index
          %swap3A_373 = tpu.vector_load %arg10[%swap3A_372] {strides = array<i32>} : memref<320xi32, #tpu.memory_space<vmem>>, vector<16xi32>,
          %swap3A_374 = vector.shape_cast %swap3A_373 : vector<16xi32> to vector<16xi32>
          %swap3A_375 = vector.shape_cast %select_n3A_371 : vector<16xi32> to vector<16xi32>
          tpu.vector_store %arg10[%swap3A_372], %swap3A_375 {strides = array<i32>} : memref<320xi32, #tpu.memory_space<vmem>>, vector<16xi32>,
          %get3A_376 = arith.constant 96 : index
          %get3A_377 = tpu.vector_load %arg10[%get3A_376] {strides = array<i32>} : memref<320xi32, #tpu.memory_space<vmem>>, vector<16xi32>,
          %get3A_378 = vector.shape_cast %get3A_377 : vector<16xi32> to vector<16xi32>
          %lt3A_379 = arith.cmpi slt, %get3A_378, %broadcast_in_dim3A_322 : vector<16xi32>
          %select_n3A_380 = arith.select %lt3A_379, %broadcast_in_dim3A_320, %get3A_378 : vector<16xi1>, vector<16xi32>
          %swap3A_381 = arith.constant 96 : index
          %swap3A_382 = tpu.vector_load %arg10[%swap3A_381] {strides = array<i32>} : memref<320xi32, #tpu.memory_space<vmem>>, vector<16xi32>,
          %swap3A_383 = vector.shape_cast %swap3A_382 : vector<16xi32> to vector<16xi32>
          %swap3A_384 = vector.shape_cast %select_n3A_380 : vector<16xi32> to vector<16xi32>
          tpu.vector_store %arg10[%swap3A_381], %swap3A_384 {strides = array<i32>} : memref<320xi32, #tpu.memory_space<vmem>>, vector<16xi32>,
          %get3A_385 = arith.constant 112 : index
          %get3A_386 = tpu.vector_load %arg10[%get3A_385] {strides = array<i32>} : memref<320xi32, #tpu.memory_space<vmem>>, vector<16xi32>,
          %get3A_387 = vector.shape_cast %get3A_386 : vector<16xi32> to vector<16xi32>
          %lt3A_388 = arith.cmpi slt, %get3A_387, %broadcast_in_dim3A_322 : vector<16xi32>
          %select_n3A_389 = arith.select %lt3A_388, %broadcast_in_dim3A_320, %get3A_387 : vector<16xi1>, vector<16xi32>
          %swap3A_390 = arith.constant 112 : index
          %swap3A_391 = tpu.vector_load %arg10[%swap3A_390] {strides = array<i32>} : memref<320xi32, #tpu.memory_space<vmem>>, vector<16xi32>,
          %swap3A_392 = vector.shape_cast %swap3A_391 : vector<16xi32> to vector<16xi32>
          %swap3A_393 = vector.shape_cast %select_n3A_389 : vector<16xi32> to vector<16xi32>
          tpu.vector_store %arg10[%swap3A_390], %swap3A_393 {strides = array<i32>} : memref<320xi32, #tpu.memory_space<vmem>>, vector<16xi32>,
          %get3A_394 = arith.constant 128 : index
          %get3A_395 = tpu.vector_load %arg10[%get3A_394] {strides = array<i32>} : memref<320xi32, #tpu.memory_space<vmem>>, vector<16xi32>,
          %get3A_396 = vector.shape_cast %get3A_395 : vector<16xi32> to vector<16xi32>
          %lt3A_397 = arith.cmpi slt, %get3A_396, %broadcast_in_dim3A_322 : vector<16xi32>
          %select_n3A_398 = arith.select %lt3A_397, %broadcast_in_dim3A_320, %get3A_396 : vector<16xi1>, vector<16xi32>
          %swap3A_399 = arith.constant 128 : index
          %swap3A_400 = tpu.vector_load %arg10[%swap3A_399] {strides = array<i32>} : memref<320xi32, #tpu.memory_space<vmem>>, vector<16xi32>,
          %swap3A_401 = vector.shape_cast %swap3A_400 : vector<16xi32> to vector<16xi32>
          %swap3A_402 = vector.shape_cast %select_n3A_398 : vector<16xi32> to vector<16xi32>
          tpu.vector_store %arg10[%swap3A_399], %swap3A_402 {strides = array<i32>} : memref<320xi32, #tpu.memory_space<vmem>>, vector<16xi32>,
          %get3A_403 = arith.constant 144 : index
          %get3A_404 = tpu.vector_load %arg10[%get3A_403] {strides = array<i32>} : memref<320xi32, #tpu.memory_space<vmem>>, vector<16xi32>,
          %get3A_405 = vector.shape_cast %get3A_404 : vector<16xi32> to vector<16xi32>
          %lt3A_406 = arith.cmpi slt, %get3A_405, %broadcast_in_dim3A_322 : vector<16xi32>
          %select_n3A_407 = arith.select %lt3A_406, %broadcast_in_dim3A_320, %get3A_405 : vector<16xi1>, vector<16xi32>
          %swap3A_408 = arith.constant 144 : index
          %swap3A_409 = tpu.vector_load %arg10[%swap3A_408] {strides = array<i32>} : memref<320xi32, #tpu.memory_space<vmem>>, vector<16xi32>,
          %swap3A_410 = vector.shape_cast %swap3A_409 : vector<16xi32> to vector<16xi32>
          %swap3A_411 = vector.shape_cast %select_n3A_407 : vector<16xi32> to vector<16xi32>
          tpu.vector_store %arg10[%swap3A_408], %swap3A_411 {strides = array<i32>} : memref<320xi32, #tpu.memory_space<vmem>>, vector<16xi32>,
          %get3A_412 = arith.constant 160 : index
          %get3A_413 = tpu.vector_load %arg10[%get3A_412] {strides = array<i32>} : memref<320xi32, #tpu.memory_space<vmem>>, vector<16xi32>,
          %get3A_414 = vector.shape_cast %get3A_413 : vector<16xi32> to vector<16xi32>
          %lt3A_415 = arith.cmpi slt, %get3A_414, %broadcast_in_dim3A_322 : vector<16xi32>
          %select_n3A_416 = arith.select %lt3A_415, %broadcast_in_dim3A_320, %get3A_414 : vector<16xi1>, vector<16xi32>
          %swap3A_417 = arith.constant 160 : index
          %swap3A_418 = tpu.vector_load %arg10[%swap3A_417] {strides = array<i32>} : memref<320xi32, #tpu.memory_space<vmem>>, vector<16xi32>,
          %swap3A_419 = vector.shape_cast %swap3A_418 : vector<16xi32> to vector<16xi32>
          %swap3A_420 = vector.shape_cast %select_n3A_416 : vector<16xi32> to vector<16xi32>
          tpu.vector_store %arg10[%swap3A_417], %swap3A_420 {strides = array<i32>} : memref<320xi32, #tpu.memory_space<vmem>>, vector<16xi32>,
          %get3A_421 = arith.constant 176 : index
          %get3A_422 = tpu.vector_load %arg10[%get3A_421] {strides = array<i32>} : memref<320xi32, #tpu.memory_space<vmem>>, vector<16xi32>,
          %get3A_423 = vector.shape_cast %get3A_422 : vector<16xi32> to vector<16xi32>
          %lt3A_424 = arith.cmpi slt, %get3A_423, %broadcast_in_dim3A_322 : vector<16xi32>
          %select_n3A_425 = arith.select %lt3A_424, %broadcast_in_dim3A_320, %get3A_423 : vector<16xi1>, vector<16xi32>
          %swap3A_426 = arith.constant 176 : index
          %swap3A_427 = tpu.vector_load %arg10[%swap3A_426] {strides = array<i32>} : memref<320xi32, #tpu.memory_space<vmem>>, vector<16xi32>,
          %swap3A_428 = vector.shape_cast %swap3A_427 : vector<16xi32> to vector<16xi32>
          %swap3A_429 = vector.shape_cast %select_n3A_425 : vector<16xi32> to vector<16xi32>
          tpu.vector_store %arg10[%swap3A_426], %swap3A_429 {strides = array<i32>} : memref<320xi32, #tpu.memory_space<vmem>>, vector<16xi32>,
          %get3A_430 = arith.constant 192 : index
          %get3A_431 = tpu.vector_load %arg10[%get3A_430] {strides = array<i32>} : memref<320xi32, #tpu.memory_space<vmem>>, vector<16xi32>,
          %get3A_432 = vector.shape_cast %get3A_431 : vector<16xi32> to vector<16xi32>
          %lt3A_433 = arith.cmpi slt, %get3A_432, %broadcast_in_dim3A_322 : vector<16xi32>
          %select_n3A_434 = arith.select %lt3A_433, %broadcast_in_dim3A_320, %get3A_432 : vector<16xi1>, vector<16xi32>
          %swap3A_435 = arith.constant 192 : index
          %swap3A_436 = tpu.vector_load %arg10[%swap3A_435] {strides = array<i32>} : memref<320xi32, #tpu.memory_space<vmem>>, vector<16xi32>,
          %swap3A_437 = vector.shape_cast %swap3A_436 : vector<16xi32> to vector<16xi32>
          %swap3A_438 = vector.shape_cast %select_n3A_434 : vector<16xi32> to vector<16xi32>
          tpu.vector_store %arg10[%swap3A_435], %swap3A_438 {strides = array<i32>} : memref<320xi32, #tpu.memory_space<vmem>>, vector<16xi32>,
          %get3A_439 = arith.constant 208 : index
          %get3A_440 = tpu.vector_load %arg10[%get3A_439] {strides = array<i32>} : memref<320xi32, #tpu.memory_space<vmem>>, vector<16xi32>,
          %get3A_441 = vector.shape_cast %get3A_440 : vector<16xi32> to vector<16xi32>
          %lt3A_442 = arith.cmpi slt, %get3A_441, %broadcast_in_dim3A_322 : vector<16xi32>
          %select_n3A_443 = arith.select %lt3A_442, %broadcast_in_dim3A_320, %get3A_441 : vector<16xi1>, vector<16xi32>
          %swap3A_444 = arith.constant 208 : index
          %swap3A_445 = tpu.vector_load %arg10[%swap3A_444] {strides = array<i32>} : memref<320xi32, #tpu.memory_space<vmem>>, vector<16xi32>,
          %swap3A_446 = vector.shape_cast %swap3A_445 : vector<16xi32> to vector<16xi32>
          %swap3A_447 = vector.shape_cast %select_n3A_443 : vector<16xi32> to vector<16xi32>
          tpu.vector_store %arg10[%swap3A_444], %swap3A_447 {strides = array<i32>} : memref<320xi32, #tpu.memory_space<vmem>>, vector<16xi32>,
          %get3A_448 = arith.constant 224 : index
          %get3A_449 = tpu.vector_load %arg10[%get3A_448] {strides = array<i32>} : memref<320xi32, #tpu.memory_space<vmem>>, vector<16xi32>,
          %get3A_450 = vector.shape_cast %get3A_449 : vector<16xi32> to vector<16xi32>
          %lt3A_451 = arith.cmpi slt, %get3A_450, %broadcast_in_dim3A_322 : vector<16xi32>
          %select_n3A_452 = arith.select %lt3A_451, %broadcast_in_dim3A_320, %get3A_450 : vector<16xi1>, vector<16xi32>
          %swap3A_453 = arith.constant 224 : index
          %swap3A_454 = tpu.vector_load %arg10[%swap3A_453] {strides = array<i32>} : memref<320xi32, #tpu.memory_space<vmem>>, vector<16xi32>,
          %swap3A_455 = vector.shape_cast %swap3A_454 : vector<16xi32> to vector<16xi32>
          %swap3A_456 = vector.shape_cast %select_n3A_452 : vector<16xi32> to vector<16xi32>
          tpu.vector_store %arg10[%swap3A_453], %swap3A_456 {strides = array<i32>} : memref<320xi32, #tpu.memory_space<vmem>>, vector<16xi32>,
          %get3A_457 = arith.constant 240 : index
          %get3A_458 = tpu.vector_load %arg10[%get3A_457] {strides = array<i32>} : memref<320xi32, #tpu.memory_space<vmem>>, vector<16xi32>,
          %get3A_459 = vector.shape_cast %get3A_458 : vector<16xi32> to vector<16xi32>
          %lt3A_460 = arith.cmpi slt, %get3A_459, %broadcast_in_dim3A_322 : vector<16xi32>
          %select_n3A_461 = arith.select %lt3A_460, %broadcast_in_dim3A_320, %get3A_459 : vector<16xi1>, vector<16xi32>
          %swap3A_462 = arith.constant 240 : index
          %swap3A_463 = tpu.vector_load %arg10[%swap3A_462] {strides = array<i32>} : memref<320xi32, #tpu.memory_space<vmem>>, vector<16xi32>,
          %swap3A_464 = vector.shape_cast %swap3A_463 : vector<16xi32> to vector<16xi32>
          %swap3A_465 = vector.shape_cast %select_n3A_461 : vector<16xi32> to vector<16xi32>
          tpu.vector_store %arg10[%swap3A_462], %swap3A_465 {strides = array<i32>} : memref<320xi32, #tpu.memory_space<vmem>>, vector<16xi32>,
          %get3A_466 = arith.constant 256 : index
          %get3A_467 = tpu.vector_load %arg10[%get3A_466] {strides = array<i32>} : memref<320xi32, #tpu.memory_space<vmem>>, vector<16xi32>,
          %get3A_468 = vector.shape_cast %get3A_467 : vector<16xi32> to vector<16xi32>
          %lt3A_469 = arith.cmpi slt, %get3A_468, %broadcast_in_dim3A_322 : vector<16xi32>
          %select_n3A_470 = arith.select %lt3A_469, %broadcast_in_dim3A_320, %get3A_468 : vector<16xi1>, vector<16xi32>
          %swap3A_471 = arith.constant 256 : index
          %swap3A_472 = tpu.vector_load %arg10[%swap3A_471] {strides = array<i32>} : memref<320xi32, #tpu.memory_space<vmem>>, vector<16xi32>,
          %swap3A_473 = vector.shape_cast %swap3A_472 : vector<16xi32> to vector<16xi32>
          %swap3A_474 = vector.shape_cast %select_n3A_470 : vector<16xi32> to vector<16xi32>
          tpu.vector_store %arg10[%swap3A_471], %swap3A_474 {strides = array<i32>} : memref<320xi32, #tpu.memory_space<vmem>>, vector<16xi32>,
          %get3A_475 = arith.constant 272 : index
          %get3A_476 = tpu.vector_load %arg10[%get3A_475] {strides = array<i32>} : memref<320xi32, #tpu.memory_space<vmem>>, vector<16xi32>,
          %get3A_477 = vector.shape_cast %get3A_476 : vector<16xi32> to vector<16xi32>
          %lt3A_478 = arith.cmpi slt, %get3A_477, %broadcast_in_dim3A_322 : vector<16xi32>
          %select_n3A_479 = arith.select %lt3A_478, %broadcast_in_dim3A_320, %get3A_477 : vector<16xi1>, vector<16xi32>
          %swap3A_480 = arith.constant 272 : index
          %swap3A_481 = tpu.vector_load %arg10[%swap3A_480] {strides = array<i32>} : memref<320xi32, #tpu.memory_space<vmem>>, vector<16xi32>,
          %swap3A_482 = vector.shape_cast %swap3A_481 : vector<16xi32> to vector<16xi32>
          %swap3A_483 = vector.shape_cast %select_n3A_479 : vector<16xi32> to vector<16xi32>
          tpu.vector_store %arg10[%swap3A_480], %swap3A_483 {strides = array<i32>} : memref<320xi32, #tpu.memory_space<vmem>>, vector<16xi32>,
          %get3A_484 = arith.constant 288 : index
          %get3A_485 = tpu.vector_load %arg10[%get3A_484] {strides = array<i32>} : memref<320xi32, #tpu.memory_space<vmem>>, vector<16xi32>,
          %get3A_486 = vector.shape_cast %get3A_485 : vector<16xi32> to vector<16xi32>
          %lt3A_487 = arith.cmpi slt, %get3A_486, %broadcast_in_dim3A_322 : vector<16xi32>
          %select_n3A_488 = arith.select %lt3A_487, %broadcast_in_dim3A_320, %get3A_486 : vector<16xi1>, vector<16xi32>
          %swap3A_489 = arith.constant 288 : index
          %swap3A_490 = tpu.vector_load %arg10[%swap3A_489] {strides = array<i32>} : memref<320xi32, #tpu.memory_space<vmem>>, vector<16xi32>,
          %swap3A_491 = vector.shape_cast %swap3A_490 : vector<16xi32> to vector<16xi32>
          %swap3A_492 = vector.shape_cast %select_n3A_488 : vector<16xi32> to vector<16xi32>
          tpu.vector_store %arg10[%swap3A_489], %swap3A_492 {strides = array<i32>} : memref<320xi32, #tpu.memory_space<vmem>>, vector<16xi32>,
          %get3A_493 = arith.constant 304 : index
          %get3A_494 = tpu.vector_load %arg10[%get3A_493] {strides = array<i32>} : memref<320xi32, #tpu.memory_space<vmem>>, vector<16xi32>,
          %get3A_495 = vector.shape_cast %get3A_494 : vector<16xi32> to vector<16xi32>
          %lt3A_496 = arith.cmpi slt, %get3A_495, %broadcast_in_dim3A_322 : vector<16xi32>
          %select_n3A_497 = arith.select %lt3A_496, %broadcast_in_dim3A_320, %get3A_495 : vector<16xi1>, vector<16xi32>
          %swap3A_498 = arith.constant 304 : index
          %swap3A_499 = tpu.vector_load %arg10[%swap3A_498] {strides = array<i32>} : memref<320xi32, #tpu.memory_space<vmem>>, vector<16xi32>,
          %swap3A_500 = vector.shape_cast %swap3A_499 : vector<16xi32> to vector<16xi32>
          %swap3A_501 = vector.shape_cast %select_n3A_497 : vector<16xi32> to vector<16xi32>
          tpu.vector_store %arg10[%swap3A_498], %swap3A_501 {strides = array<i32>} : memref<320xi32, #tpu.memory_space<vmem>>, vector<16xi32>,
        } else {
        }
      } else {
      }
      "tpu.region"() ({
        %run_scoped3A = tpu.sem_alloc : memref<!tpu.dma_semaphore, #tpu.memory_space<semaphore_mem>>
        %dma_start3A_309 = arith.constant 0 : i32
        %dma_start3A_310 = arith.constant 0 : i32
        %dma_start3A_311 = tpu.memref_slice %arg13[%dma_start3A_309, %dma_start3A_310] : memref<5064x128xf32, #tpu.memory_space<vmem_shared>> -> memref<5064x128xf32, #tpu.memory_space<vmem_shared>>
        tpu.enqueue_indirect_dma source(%arg8 : memref<320x128xf32, #tpu.memory_space<vmem>>) target(%dma_start3A_311 : memref<5064x128xf32, #tpu.memory_space<vmem_shared>>) offsets(%arg10 : memref<320xi32, #tpu.memory_space<vmem>>) semaphore(%run_scoped3A : memref<!tpu.dma_semaphore, #tpu.memory_space<semaphore_mem>>) {add = true}
        %dma_wait3A_312 = arith.constant 0 : i32
        %dma_wait3A_313 = arith.constant 0 : i32
        %dma_wait3A_314 = tpu.memref_slice %arg13[%dma_wait3A_312, %dma_wait3A_313] : memref<5064x128xf32, #tpu.memory_space<vmem_shared>> -> memref<5064x128xf32, #tpu.memory_space<vmem_shared>>
        tpu.wait_indirect_dma semaphore(%run_scoped3A : memref<!tpu.dma_semaphore, #tpu.memory_space<semaphore_mem>>) src(%arg8 : memref<320x128xf32, #tpu.memory_space<vmem>>) dst(%dma_wait3A_314 : memref<5064x128xf32, #tpu.memory_space<vmem_shared>>)
        tpu.yield
      }) : () -> ()
    }
    %rem3A_202 = arith.constant 2 : i32
    %rem3A_203 = arith.remsi %max3A_82, %rem3A_202 : i32
    %eq3A_204 = arith.constant 1 : i32
    %eq3A_205 = arith.cmpi eq, %rem3A_203, %eq3A_204 : i32
    %convert_element_type3A_206 = arith.extui %eq3A_205 : i1 to i32
    %cond3A_207 = arith.constant 0 : i32
    %cond3A_208 = arith.cmpi ne, %convert_element_type3A_206, %cond3A_207 : i32
    scf.if %cond3A_208 {
      %dma_wait3A_233 = arith.constant 0 : i32
      %dma_wait3A_234 = tpu.memref_slice %arg3[%dma_wait3A_233] : memref<320000xi32, #tpu.memory_space<hbm>> -> memref<320xi32, #tpu.memory_space<hbm>>
      %dma_wait3A_235 = arith.constant 0 : i32
      %dma_wait3A_236 = tpu.memref_slice %arg3[%dma_wait3A_235] : memref<320000xi32, #tpu.memory_space<hbm>> -> memref<320xi32, #tpu.memory_space<hbm>>
      tpu.wait_dma2 semaphore(%arg16 : memref<!tpu.dma_semaphore, #tpu.memory_space<semaphore_mem>>) src(%dma_wait3A_236 : memref<320xi32, #tpu.memory_space<hbm>>) dst(%arg9 : memref<320xi32, #tpu.memory_space<vmem>>)
      %dma_wait3A_237 = arith.constant 0 : i32
      %dma_wait3A_238 = arith.constant 0 : i32
      %dma_wait3A_239 = tpu.memref_slice %arg2[%dma_wait3A_237, %dma_wait3A_238] : memref<320000x128xf32, #tpu.memory_space<hbm>> -> memref<320x128xf32, #tpu.memory_space<hbm>>
      %dma_wait3A_240 = arith.constant 0 : i32
      %dma_wait3A_241 = arith.constant 0 : i32
      %dma_wait3A_242 = tpu.memref_slice %arg2[%dma_wait3A_240, %dma_wait3A_241] : memref<320000x128xf32, #tpu.memory_space<hbm>> -> memref<320x128xf32, #tpu.memory_space<hbm>>
      tpu.wait_dma2 semaphore(%arg14 : memref<!tpu.dma_semaphore, #tpu.memory_space<semaphore_mem>>) src(%dma_wait3A_242 : memref<320x128xf32, #tpu.memory_space<hbm>>) dst(%arg7 : memref<320x128xf32, #tpu.memory_space<vmem>>)
      %sub3A_243 = arith.constant 1 : i32
      %sub3A_244 = arith.subi %max3A_82, %sub3A_243 : i32
      %add3A_245 = arith.addi %select_n3A_47, %arg1 : i32
      %mul3A_246 = arith.constant 16 : i32
      %mul3A_247 = arith.muli %mul3A_246, %sub3A_244 : i32
      %add3A_248 = arith.addi %add3A_245, %mul3A_247 : i32
      %eq3A_249 = arith.cmpi eq, %add3A_248, %select_n3A_44 : i32
      %convert_element_type3A_250 = arith.extui %eq3A_249 : i1 to i32
      %cond3A_251 = arith.constant 0 : i32
      %cond3A_252 = arith.cmpi ne, %convert_element_type3A_250, %cond3A_251 : i32
      scf.if %cond3A_252 {
        %eq3A_253 = arith.constant 0 : i32
        %eq3A_254 = arith.cmpi eq, %arg0, %eq3A_253 : i32
        %convert_element_type3A_255 = arith.extui %eq3A_254 : i1 to i32
        %cond3A_256 = arith.constant 0 : i32
        %cond3A_257 = arith.cmpi ne, %convert_element_type3A_255, %cond3A_256 : i32
        scf.if %cond3A_257 {
          %broadcast_in_dim3A_263 = arith.constant 5056 : i32
          %broadcast_in_dim3A_264 = vector.broadcast %broadcast_in_dim3A_263 : i32 to vector<16xi32>
          %get3A_265 = arith.constant 0 : index
          %get3A_266 = tpu.vector_load %arg9[%get3A_265] {strides = array<i32>} : memref<320xi32, #tpu.memory_space<vmem>>, vector<16xi32>,
          %get3A_267 = vector.shape_cast %get3A_266 : vector<16xi32> to vector<16xi32>
          %min3A_268 = arith.minsi %get3A_267, %broadcast_in_dim3A_264 : vector<16xi32>
          %swap3A = arith.constant 0 : index
          %swap3A_269 = tpu.vector_load %arg9[%swap3A] {strides = array<i32>} : memref<320xi32, #tpu.memory_space<vmem>>, vector<16xi32>,
          %swap3A_270 = vector.shape_cast %swap3A_269 : vector<16xi32> to vector<16xi32>
          %swap3A_271 = vector.shape_cast %min3A_268 : vector<16xi32> to vector<16xi32>
          tpu.vector_store %arg9[%swap3A], %swap3A_271 {strides = array<i32>} : memref<320xi32, #tpu.memory_space<vmem>>, vector<16xi32>,
          %get3A_272 = arith.constant 16 : index
          %get3A_273 = tpu.vector_load %arg9[%get3A_272] {strides = array<i32>} : memref<320xi32, #tpu.memory_space<vmem>>, vector<16xi32>,
          %get3A_274 = vector.shape_cast %get3A_273 : vector<16xi32> to vector<16xi32>
          %min3A_275 = arith.minsi %get3A_274, %broadcast_in_dim3A_264 : vector<16xi32>
          %swap3A_276 = arith.constant 16 : index
          %swap3A_277 = tpu.vector_load %arg9[%swap3A_276] {strides = array<i32>} : memref<320xi32, #tpu.memory_space<vmem>>, vector<16xi32>,
          %swap3A_278 = vector.shape_cast %swap3A_277 : vector<16xi32> to vector<16xi32>
          %swap3A_279 = vector.shape_cast %min3A_275 : vector<16xi32> to vector<16xi32>
          tpu.vector_store %arg9[%swap3A_276], %swap3A_279 {strides = array<i32>} : memref<320xi32, #tpu.memory_space<vmem>>, vector<16xi32>,
          %get3A_280 = arith.constant 32 : index
          %get3A_281 = tpu.vector_load %arg9[%get3A_280] {strides = array<i32>} : memref<320xi32, #tpu.memory_space<vmem>>, vector<16xi32>,
          %get3A_282 = vector.shape_cast %get3A_281 : vector<16xi32> to vector<16xi32>
          %min3A_283 = arith.minsi %get3A_282, %broadcast_in_dim3A_264 : vector<16xi32>
          %swap3A_284 = arith.constant 32 : index
          %swap3A_285 = tpu.vector_load %arg9[%swap3A_284] {strides = array<i32>} : memref<320xi32, #tpu.memory_space<vmem>>, vector<16xi32>,
          %swap3A_286 = vector.shape_cast %swap3A_285 : vector<16xi32> to vector<16xi32>
          %swap3A_287 = vector.shape_cast %min3A_283 : vector<16xi32> to vector<16xi32>
          tpu.vector_store %arg9[%swap3A_284], %swap3A_287 {strides = array<i32>} : memref<320xi32, #tpu.memory_space<vmem>>, vector<16xi32>,
          %get3A_288 = arith.constant 48 : index
          %get3A_289 = tpu.vector_load %arg9[%get3A_288] {strides = array<i32>} : memref<320xi32, #tpu.memory_space<vmem>>, vector<16xi32>,
          %get3A_290 = vector.shape_cast %get3A_289 : vector<16xi32> to vector<16xi32>
          %min3A_291 = arith.minsi %get3A_290, %broadcast_in_dim3A_264 : vector<16xi32>
          %swap3A_292 = arith.constant 48 : index
          %swap3A_293 = tpu.vector_load %arg9[%swap3A_292] {strides = array<i32>} : memref<320xi32, #tpu.memory_space<vmem>>, vector<16xi32>,
          %swap3A_294 = vector.shape_cast %swap3A_293 : vector<16xi32> to vector<16xi32>
          %swap3A_295 = vector.shape_cast %min3A_291 : vector<16xi32> to vector<16xi32>
          tpu.vector_store %arg9[%swap3A_292], %swap3A_295 {strides = array<i32>} : memref<320xi32, #tpu.memory_space<vmem>>, vector<16xi32>,
          %get3A_296 = arith.constant 64 : index
          %get3A_297 = tpu.vector_load %arg9[%get3A_296] {strides = array<i32>} : memref<320xi32, #tpu.memory_space<vmem>>, vector<16xi32>,
          %get3A_298 = vector.shape_cast %get3A_297 : vector<16xi32> to vector<16xi32>
          %min3A_299 = arith.minsi %get3A_298, %broadcast_in_dim3A_264 : vector<16xi32>
          %swap3A_300 = arith.constant 64 : index
          %swap3A_301 = tpu.vector_load %arg9[%swap3A_300] {strides = array<i32>} : memref<320xi32, #tpu.memory_space<vmem>>, vector<16xi32>,
          %swap3A_302 = vector.shape_cast %swap3A_301 : vector<16xi32> to vector<16xi32>
          %swap3A_303 = vector.shape_cast %min3A_299 : vector<16xi32> to vector<16xi32>
          tpu.vector_store %arg9[%swap3A_300], %swap3A_303 {strides = array<i32>} : memref<320xi32, #tpu.memory_space<vmem>>, vector<16xi32>,
          %get3A_304 = arith.constant 80 : index
          %get3A_305 = tpu.vector_load %arg9[%get3A_304] {strides = array<i32>} : memref<320xi32, #tpu.memory_space<vmem>>, vector<16xi32>,
          %get3A_306 = vector.shape_cast %get3A_305 : vector<16xi32> to vector<16xi32>
          %min3A_307 = arith.minsi %get3A_306, %broadcast_in_dim3A_264 : vector<16xi32>
          %swap3A_308 = arith.constant 80 : index
          %swap3A_309 = tpu.vector_load %arg9[%swap3A_308] {strides = array<i32>} : memref<320xi32, #tpu.memory_space<vmem>>, vector<16xi32>,
          %swap3A_310 = vector.shape_cast %swap3A_309 : vector<16xi32> to vector<16xi32>
          %swap3A_311 = vector.shape_cast %min3A_307 : vector<16xi32> to vector<16xi32>
          tpu.vector_store %arg9[%swap3A_308], %swap3A_311 {strides = array<i32>} : memref<320xi32, #tpu.memory_space<vmem>>, vector<16xi32>,
          %get3A_312 = arith.constant 96 : index
          %get3A_313 = tpu.vector_load %arg9[%get3A_312] {strides = array<i32>} : memref<320xi32, #tpu.memory_space<vmem>>, vector<16xi32>,
          %get3A_314 = vector.shape_cast %get3A_313 : vector<16xi32> to vector<16xi32>
          %min3A_315 = arith.minsi %get3A_314, %broadcast_in_dim3A_264 : vector<16xi32>
          %swap3A_316 = arith.constant 96 : index
          %swap3A_317 = tpu.vector_load %arg9[%swap3A_316] {strides = array<i32>} : memref<320xi32, #tpu.memory_space<vmem>>, vector<16xi32>,
          %swap3A_318 = vector.shape_cast %swap3A_317 : vector<16xi32> to vector<16xi32>
          %swap3A_319 = vector.shape_cast %min3A_315 : vector<16xi32> to vector<16xi32>
          tpu.vector_store %arg9[%swap3A_316], %swap3A_319 {strides = array<i32>} : memref<320xi32, #tpu.memory_space<vmem>>, vector<16xi32>,
          %get3A_320 = arith.constant 112 : index
          %get3A_321 = tpu.vector_load %arg9[%get3A_320] {strides = array<i32>} : memref<320xi32, #tpu.memory_space<vmem>>, vector<16xi32>,
          %get3A_322 = vector.shape_cast %get3A_321 : vector<16xi32> to vector<16xi32>
          %min3A_323 = arith.minsi %get3A_322, %broadcast_in_dim3A_264 : vector<16xi32>
          %swap3A_324 = arith.constant 112 : index
          %swap3A_325 = tpu.vector_load %arg9[%swap3A_324] {strides = array<i32>} : memref<320xi32, #tpu.memory_space<vmem>>, vector<16xi32>,
          %swap3A_326 = vector.shape_cast %swap3A_325 : vector<16xi32> to vector<16xi32>
          %swap3A_327 = vector.shape_cast %min3A_323 : vector<16xi32> to vector<16xi32>
          tpu.vector_store %arg9[%swap3A_324], %swap3A_327 {strides = array<i32>} : memref<320xi32, #tpu.memory_space<vmem>>, vector<16xi32>,
          %get3A_328 = arith.constant 128 : index
          %get3A_329 = tpu.vector_load %arg9[%get3A_328] {strides = array<i32>} : memref<320xi32, #tpu.memory_space<vmem>>, vector<16xi32>,
          %get3A_330 = vector.shape_cast %get3A_329 : vector<16xi32> to vector<16xi32>
          %min3A_331 = arith.minsi %get3A_330, %broadcast_in_dim3A_264 : vector<16xi32>
          %swap3A_332 = arith.constant 128 : index
          %swap3A_333 = tpu.vector_load %arg9[%swap3A_332] {strides = array<i32>} : memref<320xi32, #tpu.memory_space<vmem>>, vector<16xi32>,
          %swap3A_334 = vector.shape_cast %swap3A_333 : vector<16xi32> to vector<16xi32>
          %swap3A_335 = vector.shape_cast %min3A_331 : vector<16xi32> to vector<16xi32>
          tpu.vector_store %arg9[%swap3A_332], %swap3A_335 {strides = array<i32>} : memref<320xi32, #tpu.memory_space<vmem>>, vector<16xi32>,
          %get3A_336 = arith.constant 144 : index
          %get3A_337 = tpu.vector_load %arg9[%get3A_336] {strides = array<i32>} : memref<320xi32, #tpu.memory_space<vmem>>, vector<16xi32>,
          %get3A_338 = vector.shape_cast %get3A_337 : vector<16xi32> to vector<16xi32>
          %min3A_339 = arith.minsi %get3A_338, %broadcast_in_dim3A_264 : vector<16xi32>
          %swap3A_340 = arith.constant 144 : index
          %swap3A_341 = tpu.vector_load %arg9[%swap3A_340] {strides = array<i32>} : memref<320xi32, #tpu.memory_space<vmem>>, vector<16xi32>,
          %swap3A_342 = vector.shape_cast %swap3A_341 : vector<16xi32> to vector<16xi32>
          %swap3A_343 = vector.shape_cast %min3A_339 : vector<16xi32> to vector<16xi32>
          tpu.vector_store %arg9[%swap3A_340], %swap3A_343 {strides = array<i32>} : memref<320xi32, #tpu.memory_space<vmem>>, vector<16xi32>,
          %get3A_344 = arith.constant 160 : index
          %get3A_345 = tpu.vector_load %arg9[%get3A_344] {strides = array<i32>} : memref<320xi32, #tpu.memory_space<vmem>>, vector<16xi32>,
          %get3A_346 = vector.shape_cast %get3A_345 : vector<16xi32> to vector<16xi32>
          %min3A_347 = arith.minsi %get3A_346, %broadcast_in_dim3A_264 : vector<16xi32>
          %swap3A_348 = arith.constant 160 : index
          %swap3A_349 = tpu.vector_load %arg9[%swap3A_348] {strides = array<i32>} : memref<320xi32, #tpu.memory_space<vmem>>, vector<16xi32>,
          %swap3A_350 = vector.shape_cast %swap3A_349 : vector<16xi32> to vector<16xi32>
          %swap3A_351 = vector.shape_cast %min3A_347 : vector<16xi32> to vector<16xi32>
          tpu.vector_store %arg9[%swap3A_348], %swap3A_351 {strides = array<i32>} : memref<320xi32, #tpu.memory_space<vmem>>, vector<16xi32>,
          %get3A_352 = arith.constant 176 : index
          %get3A_353 = tpu.vector_load %arg9[%get3A_352] {strides = array<i32>} : memref<320xi32, #tpu.memory_space<vmem>>, vector<16xi32>,
          %get3A_354 = vector.shape_cast %get3A_353 : vector<16xi32> to vector<16xi32>
          %min3A_355 = arith.minsi %get3A_354, %broadcast_in_dim3A_264 : vector<16xi32>
          %swap3A_356 = arith.constant 176 : index
          %swap3A_357 = tpu.vector_load %arg9[%swap3A_356] {strides = array<i32>} : memref<320xi32, #tpu.memory_space<vmem>>, vector<16xi32>,
          %swap3A_358 = vector.shape_cast %swap3A_357 : vector<16xi32> to vector<16xi32>
          %swap3A_359 = vector.shape_cast %min3A_355 : vector<16xi32> to vector<16xi32>
          tpu.vector_store %arg9[%swap3A_356], %swap3A_359 {strides = array<i32>} : memref<320xi32, #tpu.memory_space<vmem>>, vector<16xi32>,
          %get3A_360 = arith.constant 192 : index
          %get3A_361 = tpu.vector_load %arg9[%get3A_360] {strides = array<i32>} : memref<320xi32, #tpu.memory_space<vmem>>, vector<16xi32>,
          %get3A_362 = vector.shape_cast %get3A_361 : vector<16xi32> to vector<16xi32>
          %min3A_363 = arith.minsi %get3A_362, %broadcast_in_dim3A_264 : vector<16xi32>
          %swap3A_364 = arith.constant 192 : index
          %swap3A_365 = tpu.vector_load %arg9[%swap3A_364] {strides = array<i32>} : memref<320xi32, #tpu.memory_space<vmem>>, vector<16xi32>,
          %swap3A_366 = vector.shape_cast %swap3A_365 : vector<16xi32> to vector<16xi32>
          %swap3A_367 = vector.shape_cast %min3A_363 : vector<16xi32> to vector<16xi32>
          tpu.vector_store %arg9[%swap3A_364], %swap3A_367 {strides = array<i32>} : memref<320xi32, #tpu.memory_space<vmem>>, vector<16xi32>,
          %get3A_368 = arith.constant 208 : index
          %get3A_369 = tpu.vector_load %arg9[%get3A_368] {strides = array<i32>} : memref<320xi32, #tpu.memory_space<vmem>>, vector<16xi32>,
          %get3A_370 = vector.shape_cast %get3A_369 : vector<16xi32> to vector<16xi32>
          %min3A_371 = arith.minsi %get3A_370, %broadcast_in_dim3A_264 : vector<16xi32>
          %swap3A_372 = arith.constant 208 : index
          %swap3A_373 = tpu.vector_load %arg9[%swap3A_372] {strides = array<i32>} : memref<320xi32, #tpu.memory_space<vmem>>, vector<16xi32>,
          %swap3A_374 = vector.shape_cast %swap3A_373 : vector<16xi32> to vector<16xi32>
          %swap3A_375 = vector.shape_cast %min3A_371 : vector<16xi32> to vector<16xi32>
          tpu.vector_store %arg9[%swap3A_372], %swap3A_375 {strides = array<i32>} : memref<320xi32, #tpu.memory_space<vmem>>, vector<16xi32>,
          %get3A_376 = arith.constant 224 : index
          %get3A_377 = tpu.vector_load %arg9[%get3A_376] {strides = array<i32>} : memref<320xi32, #tpu.memory_space<vmem>>, vector<16xi32>,
          %get3A_378 = vector.shape_cast %get3A_377 : vector<16xi32> to vector<16xi32>
          %min3A_379 = arith.minsi %get3A_378, %broadcast_in_dim3A_264 : vector<16xi32>
          %swap3A_380 = arith.constant 224 : index
          %swap3A_381 = tpu.vector_load %arg9[%swap3A_380] {strides = array<i32>} : memref<320xi32, #tpu.memory_space<vmem>>, vector<16xi32>,
          %swap3A_382 = vector.shape_cast %swap3A_381 : vector<16xi32> to vector<16xi32>
          %swap3A_383 = vector.shape_cast %min3A_379 : vector<16xi32> to vector<16xi32>
          tpu.vector_store %arg9[%swap3A_380], %swap3A_383 {strides = array<i32>} : memref<320xi32, #tpu.memory_space<vmem>>, vector<16xi32>,
          %get3A_384 = arith.constant 240 : index
          %get3A_385 = tpu.vector_load %arg9[%get3A_384] {strides = array<i32>} : memref<320xi32, #tpu.memory_space<vmem>>, vector<16xi32>,
          %get3A_386 = vector.shape_cast %get3A_385 : vector<16xi32> to vector<16xi32>
          %min3A_387 = arith.minsi %get3A_386, %broadcast_in_dim3A_264 : vector<16xi32>
          %swap3A_388 = arith.constant 240 : index
          %swap3A_389 = tpu.vector_load %arg9[%swap3A_388] {strides = array<i32>} : memref<320xi32, #tpu.memory_space<vmem>>, vector<16xi32>,
          %swap3A_390 = vector.shape_cast %swap3A_389 : vector<16xi32> to vector<16xi32>
          %swap3A_391 = vector.shape_cast %min3A_387 : vector<16xi32> to vector<16xi32>
          tpu.vector_store %arg9[%swap3A_388], %swap3A_391 {strides = array<i32>} : memref<320xi32, #tpu.memory_space<vmem>>, vector<16xi32>,
          %get3A_392 = arith.constant 256 : index
          %get3A_393 = tpu.vector_load %arg9[%get3A_392] {strides = array<i32>} : memref<320xi32, #tpu.memory_space<vmem>>, vector<16xi32>,
          %get3A_394 = vector.shape_cast %get3A_393 : vector<16xi32> to vector<16xi32>
          %min3A_395 = arith.minsi %get3A_394, %broadcast_in_dim3A_264 : vector<16xi32>
          %swap3A_396 = arith.constant 256 : index
          %swap3A_397 = tpu.vector_load %arg9[%swap3A_396] {strides = array<i32>} : memref<320xi32, #tpu.memory_space<vmem>>, vector<16xi32>,
          %swap3A_398 = vector.shape_cast %swap3A_397 : vector<16xi32> to vector<16xi32>
          %swap3A_399 = vector.shape_cast %min3A_395 : vector<16xi32> to vector<16xi32>
          tpu.vector_store %arg9[%swap3A_396], %swap3A_399 {strides = array<i32>} : memref<320xi32, #tpu.memory_space<vmem>>, vector<16xi32>,
          %get3A_400 = arith.constant 272 : index
          %get3A_401 = tpu.vector_load %arg9[%get3A_400] {strides = array<i32>} : memref<320xi32, #tpu.memory_space<vmem>>, vector<16xi32>,
          %get3A_402 = vector.shape_cast %get3A_401 : vector<16xi32> to vector<16xi32>
          %min3A_403 = arith.minsi %get3A_402, %broadcast_in_dim3A_264 : vector<16xi32>
          %swap3A_404 = arith.constant 272 : index
          %swap3A_405 = tpu.vector_load %arg9[%swap3A_404] {strides = array<i32>} : memref<320xi32, #tpu.memory_space<vmem>>, vector<16xi32>,
          %swap3A_406 = vector.shape_cast %swap3A_405 : vector<16xi32> to vector<16xi32>
          %swap3A_407 = vector.shape_cast %min3A_403 : vector<16xi32> to vector<16xi32>
          tpu.vector_store %arg9[%swap3A_404], %swap3A_407 {strides = array<i32>} : memref<320xi32, #tpu.memory_space<vmem>>, vector<16xi32>,
          %get3A_408 = arith.constant 288 : index
          %get3A_409 = tpu.vector_load %arg9[%get3A_408] {strides = array<i32>} : memref<320xi32, #tpu.memory_space<vmem>>, vector<16xi32>,
          %get3A_410 = vector.shape_cast %get3A_409 : vector<16xi32> to vector<16xi32>
          %min3A_411 = arith.minsi %get3A_410, %broadcast_in_dim3A_264 : vector<16xi32>
          %swap3A_412 = arith.constant 288 : index
          %swap3A_413 = tpu.vector_load %arg9[%swap3A_412] {strides = array<i32>} : memref<320xi32, #tpu.memory_space<vmem>>, vector<16xi32>,
          %swap3A_414 = vector.shape_cast %swap3A_413 : vector<16xi32> to vector<16xi32>
          %swap3A_415 = vector.shape_cast %min3A_411 : vector<16xi32> to vector<16xi32>
          tpu.vector_store %arg9[%swap3A_412], %swap3A_415 {strides = array<i32>} : memref<320xi32, #tpu.memory_space<vmem>>, vector<16xi32>,
          %get3A_416 = arith.constant 304 : index
          %get3A_417 = tpu.vector_load %arg9[%get3A_416] {strides = array<i32>} : memref<320xi32, #tpu.memory_space<vmem>>, vector<16xi32>,
          %get3A_418 = vector.shape_cast %get3A_417 : vector<16xi32> to vector<16xi32>
          %min3A_419 = arith.minsi %get3A_418, %broadcast_in_dim3A_264 : vector<16xi32>
          %swap3A_420 = arith.constant 304 : index
          %swap3A_421 = tpu.vector_load %arg9[%swap3A_420] {strides = array<i32>} : memref<320xi32, #tpu.memory_space<vmem>>, vector<16xi32>,
          %swap3A_422 = vector.shape_cast %swap3A_421 : vector<16xi32> to vector<16xi32>
          %swap3A_423 = vector.shape_cast %min3A_419 : vector<16xi32> to vector<16xi32>
          tpu.vector_store %arg9[%swap3A_420], %swap3A_423 {strides = array<i32>} : memref<320xi32, #tpu.memory_space<vmem>>, vector<16xi32>,
        } else {
        }
        %eq3A_258 = arith.constant 1 : i32
        %eq3A_259 = arith.cmpi eq, %arg0, %eq3A_258 : i32
        %convert_element_type3A_260 = arith.extui %eq3A_259 : i1 to i32
        %cond3A_261 = arith.constant 0 : i32
        %cond3A_262 = arith.cmpi ne, %convert_element_type3A_260, %cond3A_261 : i32
        scf.if %cond3A_262 {
          %broadcast_in_dim3A_263 = arith.constant 4944 : i32
          %broadcast_in_dim3A_264 = vector.broadcast %broadcast_in_dim3A_263 : i32 to vector<16xi32>
          %broadcast_in_dim3A_265 = arith.constant 0 : i32
          %broadcast_in_dim3A_266 = vector.broadcast %broadcast_in_dim3A_265 : i32 to vector<16xi32>
          %get3A_267 = arith.constant 0 : index
          %get3A_268 = tpu.vector_load %arg9[%get3A_267] {strides = array<i32>} : memref<320xi32, #tpu.memory_space<vmem>>, vector<16xi32>,
          %get3A_269 = vector.shape_cast %get3A_268 : vector<16xi32> to vector<16xi32>
          %lt3A_270 = arith.cmpi slt, %get3A_269, %broadcast_in_dim3A_266 : vector<16xi32>
          %select_n3A_271 = arith.select %lt3A_270, %broadcast_in_dim3A_264, %get3A_269 : vector<16xi1>, vector<16xi32>
          %swap3A = arith.constant 0 : index
          %swap3A_272 = tpu.vector_load %arg9[%swap3A] {strides = array<i32>} : memref<320xi32, #tpu.memory_space<vmem>>, vector<16xi32>,
          %swap3A_273 = vector.shape_cast %swap3A_272 : vector<16xi32> to vector<16xi32>
          %swap3A_274 = vector.shape_cast %select_n3A_271 : vector<16xi32> to vector<16xi32>
          tpu.vector_store %arg9[%swap3A], %swap3A_274 {strides = array<i32>} : memref<320xi32, #tpu.memory_space<vmem>>, vector<16xi32>,
          %get3A_275 = arith.constant 16 : index
          %get3A_276 = tpu.vector_load %arg9[%get3A_275] {strides = array<i32>} : memref<320xi32, #tpu.memory_space<vmem>>, vector<16xi32>,
          %get3A_277 = vector.shape_cast %get3A_276 : vector<16xi32> to vector<16xi32>
          %lt3A_278 = arith.cmpi slt, %get3A_277, %broadcast_in_dim3A_266 : vector<16xi32>
          %select_n3A_279 = arith.select %lt3A_278, %broadcast_in_dim3A_264, %get3A_277 : vector<16xi1>, vector<16xi32>
          %swap3A_280 = arith.constant 16 : index
          %swap3A_281 = tpu.vector_load %arg9[%swap3A_280] {strides = array<i32>} : memref<320xi32, #tpu.memory_space<vmem>>, vector<16xi32>,
          %swap3A_282 = vector.shape_cast %swap3A_281 : vector<16xi32> to vector<16xi32>
          %swap3A_283 = vector.shape_cast %select_n3A_279 : vector<16xi32> to vector<16xi32>
          tpu.vector_store %arg9[%swap3A_280], %swap3A_283 {strides = array<i32>} : memref<320xi32, #tpu.memory_space<vmem>>, vector<16xi32>,
          %get3A_284 = arith.constant 32 : index
          %get3A_285 = tpu.vector_load %arg9[%get3A_284] {strides = array<i32>} : memref<320xi32, #tpu.memory_space<vmem>>, vector<16xi32>,
          %get3A_286 = vector.shape_cast %get3A_285 : vector<16xi32> to vector<16xi32>
          %lt3A_287 = arith.cmpi slt, %get3A_286, %broadcast_in_dim3A_266 : vector<16xi32>
          %select_n3A_288 = arith.select %lt3A_287, %broadcast_in_dim3A_264, %get3A_286 : vector<16xi1>, vector<16xi32>
          %swap3A_289 = arith.constant 32 : index
          %swap3A_290 = tpu.vector_load %arg9[%swap3A_289] {strides = array<i32>} : memref<320xi32, #tpu.memory_space<vmem>>, vector<16xi32>,
          %swap3A_291 = vector.shape_cast %swap3A_290 : vector<16xi32> to vector<16xi32>
          %swap3A_292 = vector.shape_cast %select_n3A_288 : vector<16xi32> to vector<16xi32>
          tpu.vector_store %arg9[%swap3A_289], %swap3A_292 {strides = array<i32>} : memref<320xi32, #tpu.memory_space<vmem>>, vector<16xi32>,
          %get3A_293 = arith.constant 48 : index
          %get3A_294 = tpu.vector_load %arg9[%get3A_293] {strides = array<i32>} : memref<320xi32, #tpu.memory_space<vmem>>, vector<16xi32>,
          %get3A_295 = vector.shape_cast %get3A_294 : vector<16xi32> to vector<16xi32>
          %lt3A_296 = arith.cmpi slt, %get3A_295, %broadcast_in_dim3A_266 : vector<16xi32>
          %select_n3A_297 = arith.select %lt3A_296, %broadcast_in_dim3A_264, %get3A_295 : vector<16xi1>, vector<16xi32>
          %swap3A_298 = arith.constant 48 : index
          %swap3A_299 = tpu.vector_load %arg9[%swap3A_298] {strides = array<i32>} : memref<320xi32, #tpu.memory_space<vmem>>, vector<16xi32>,
          %swap3A_300 = vector.shape_cast %swap3A_299 : vector<16xi32> to vector<16xi32>
          %swap3A_301 = vector.shape_cast %select_n3A_297 : vector<16xi32> to vector<16xi32>
          tpu.vector_store %arg9[%swap3A_298], %swap3A_301 {strides = array<i32>} : memref<320xi32, #tpu.memory_space<vmem>>, vector<16xi32>,
          %get3A_302 = arith.constant 64 : index
          %get3A_303 = tpu.vector_load %arg9[%get3A_302] {strides = array<i32>} : memref<320xi32, #tpu.memory_space<vmem>>, vector<16xi32>,
          %get3A_304 = vector.shape_cast %get3A_303 : vector<16xi32> to vector<16xi32>
          %lt3A_305 = arith.cmpi slt, %get3A_304, %broadcast_in_dim3A_266 : vector<16xi32>
          %select_n3A_306 = arith.select %lt3A_305, %broadcast_in_dim3A_264, %get3A_304 : vector<16xi1>, vector<16xi32>
          %swap3A_307 = arith.constant 64 : index
          %swap3A_308 = tpu.vector_load %arg9[%swap3A_307] {strides = array<i32>} : memref<320xi32, #tpu.memory_space<vmem>>, vector<16xi32>,
          %swap3A_309 = vector.shape_cast %swap3A_308 : vector<16xi32> to vector<16xi32>
          %swap3A_310 = vector.shape_cast %select_n3A_306 : vector<16xi32> to vector<16xi32>
          tpu.vector_store %arg9[%swap3A_307], %swap3A_310 {strides = array<i32>} : memref<320xi32, #tpu.memory_space<vmem>>, vector<16xi32>,
          %get3A_311 = arith.constant 80 : index
          %get3A_312 = tpu.vector_load %arg9[%get3A_311] {strides = array<i32>} : memref<320xi32, #tpu.memory_space<vmem>>, vector<16xi32>,
          %get3A_313 = vector.shape_cast %get3A_312 : vector<16xi32> to vector<16xi32>
          %lt3A_314 = arith.cmpi slt, %get3A_313, %broadcast_in_dim3A_266 : vector<16xi32>
          %select_n3A_315 = arith.select %lt3A_314, %broadcast_in_dim3A_264, %get3A_313 : vector<16xi1>, vector<16xi32>
          %swap3A_316 = arith.constant 80 : index
          %swap3A_317 = tpu.vector_load %arg9[%swap3A_316] {strides = array<i32>} : memref<320xi32, #tpu.memory_space<vmem>>, vector<16xi32>,
          %swap3A_318 = vector.shape_cast %swap3A_317 : vector<16xi32> to vector<16xi32>
          %swap3A_319 = vector.shape_cast %select_n3A_315 : vector<16xi32> to vector<16xi32>
          tpu.vector_store %arg9[%swap3A_316], %swap3A_319 {strides = array<i32>} : memref<320xi32, #tpu.memory_space<vmem>>, vector<16xi32>,
          %get3A_320 = arith.constant 96 : index
          %get3A_321 = tpu.vector_load %arg9[%get3A_320] {strides = array<i32>} : memref<320xi32, #tpu.memory_space<vmem>>, vector<16xi32>,
          %get3A_322 = vector.shape_cast %get3A_321 : vector<16xi32> to vector<16xi32>
          %lt3A_323 = arith.cmpi slt, %get3A_322, %broadcast_in_dim3A_266 : vector<16xi32>
          %select_n3A_324 = arith.select %lt3A_323, %broadcast_in_dim3A_264, %get3A_322 : vector<16xi1>, vector<16xi32>
          %swap3A_325 = arith.constant 96 : index
          %swap3A_326 = tpu.vector_load %arg9[%swap3A_325] {strides = array<i32>} : memref<320xi32, #tpu.memory_space<vmem>>, vector<16xi32>,
          %swap3A_327 = vector.shape_cast %swap3A_326 : vector<16xi32> to vector<16xi32>
          %swap3A_328 = vector.shape_cast %select_n3A_324 : vector<16xi32> to vector<16xi32>
          tpu.vector_store %arg9[%swap3A_325], %swap3A_328 {strides = array<i32>} : memref<320xi32, #tpu.memory_space<vmem>>, vector<16xi32>,
          %get3A_329 = arith.constant 112 : index
          %get3A_330 = tpu.vector_load %arg9[%get3A_329] {strides = array<i32>} : memref<320xi32, #tpu.memory_space<vmem>>, vector<16xi32>,
          %get3A_331 = vector.shape_cast %get3A_330 : vector<16xi32> to vector<16xi32>
          %lt3A_332 = arith.cmpi slt, %get3A_331, %broadcast_in_dim3A_266 : vector<16xi32>
          %select_n3A_333 = arith.select %lt3A_332, %broadcast_in_dim3A_264, %get3A_331 : vector<16xi1>, vector<16xi32>
          %swap3A_334 = arith.constant 112 : index
          %swap3A_335 = tpu.vector_load %arg9[%swap3A_334] {strides = array<i32>} : memref<320xi32, #tpu.memory_space<vmem>>, vector<16xi32>,
          %swap3A_336 = vector.shape_cast %swap3A_335 : vector<16xi32> to vector<16xi32>
          %swap3A_337 = vector.shape_cast %select_n3A_333 : vector<16xi32> to vector<16xi32>
          tpu.vector_store %arg9[%swap3A_334], %swap3A_337 {strides = array<i32>} : memref<320xi32, #tpu.memory_space<vmem>>, vector<16xi32>,
          %get3A_338 = arith.constant 128 : index
          %get3A_339 = tpu.vector_load %arg9[%get3A_338] {strides = array<i32>} : memref<320xi32, #tpu.memory_space<vmem>>, vector<16xi32>,
          %get3A_340 = vector.shape_cast %get3A_339 : vector<16xi32> to vector<16xi32>
          %lt3A_341 = arith.cmpi slt, %get3A_340, %broadcast_in_dim3A_266 : vector<16xi32>
          %select_n3A_342 = arith.select %lt3A_341, %broadcast_in_dim3A_264, %get3A_340 : vector<16xi1>, vector<16xi32>
          %swap3A_343 = arith.constant 128 : index
          %swap3A_344 = tpu.vector_load %arg9[%swap3A_343] {strides = array<i32>} : memref<320xi32, #tpu.memory_space<vmem>>, vector<16xi32>,
          %swap3A_345 = vector.shape_cast %swap3A_344 : vector<16xi32> to vector<16xi32>
          %swap3A_346 = vector.shape_cast %select_n3A_342 : vector<16xi32> to vector<16xi32>
          tpu.vector_store %arg9[%swap3A_343], %swap3A_346 {strides = array<i32>} : memref<320xi32, #tpu.memory_space<vmem>>, vector<16xi32>,
          %get3A_347 = arith.constant 144 : index
          %get3A_348 = tpu.vector_load %arg9[%get3A_347] {strides = array<i32>} : memref<320xi32, #tpu.memory_space<vmem>>, vector<16xi32>,
          %get3A_349 = vector.shape_cast %get3A_348 : vector<16xi32> to vector<16xi32>
          %lt3A_350 = arith.cmpi slt, %get3A_349, %broadcast_in_dim3A_266 : vector<16xi32>
          %select_n3A_351 = arith.select %lt3A_350, %broadcast_in_dim3A_264, %get3A_349 : vector<16xi1>, vector<16xi32>
          %swap3A_352 = arith.constant 144 : index
          %swap3A_353 = tpu.vector_load %arg9[%swap3A_352] {strides = array<i32>} : memref<320xi32, #tpu.memory_space<vmem>>, vector<16xi32>,
          %swap3A_354 = vector.shape_cast %swap3A_353 : vector<16xi32> to vector<16xi32>
          %swap3A_355 = vector.shape_cast %select_n3A_351 : vector<16xi32> to vector<16xi32>
          tpu.vector_store %arg9[%swap3A_352], %swap3A_355 {strides = array<i32>} : memref<320xi32, #tpu.memory_space<vmem>>, vector<16xi32>,
          %get3A_356 = arith.constant 160 : index
          %get3A_357 = tpu.vector_load %arg9[%get3A_356] {strides = array<i32>} : memref<320xi32, #tpu.memory_space<vmem>>, vector<16xi32>,
          %get3A_358 = vector.shape_cast %get3A_357 : vector<16xi32> to vector<16xi32>
          %lt3A_359 = arith.cmpi slt, %get3A_358, %broadcast_in_dim3A_266 : vector<16xi32>
          %select_n3A_360 = arith.select %lt3A_359, %broadcast_in_dim3A_264, %get3A_358 : vector<16xi1>, vector<16xi32>
          %swap3A_361 = arith.constant 160 : index
          %swap3A_362 = tpu.vector_load %arg9[%swap3A_361] {strides = array<i32>} : memref<320xi32, #tpu.memory_space<vmem>>, vector<16xi32>,
          %swap3A_363 = vector.shape_cast %swap3A_362 : vector<16xi32> to vector<16xi32>
          %swap3A_364 = vector.shape_cast %select_n3A_360 : vector<16xi32> to vector<16xi32>
          tpu.vector_store %arg9[%swap3A_361], %swap3A_364 {strides = array<i32>} : memref<320xi32, #tpu.memory_space<vmem>>, vector<16xi32>,
          %get3A_365 = arith.constant 176 : index
          %get3A_366 = tpu.vector_load %arg9[%get3A_365] {strides = array<i32>} : memref<320xi32, #tpu.memory_space<vmem>>, vector<16xi32>,
          %get3A_367 = vector.shape_cast %get3A_366 : vector<16xi32> to vector<16xi32>
          %lt3A_368 = arith.cmpi slt, %get3A_367, %broadcast_in_dim3A_266 : vector<16xi32>
          %select_n3A_369 = arith.select %lt3A_368, %broadcast_in_dim3A_264, %get3A_367 : vector<16xi1>, vector<16xi32>
          %swap3A_370 = arith.constant 176 : index
          %swap3A_371 = tpu.vector_load %arg9[%swap3A_370] {strides = array<i32>} : memref<320xi32, #tpu.memory_space<vmem>>, vector<16xi32>,
          %swap3A_372 = vector.shape_cast %swap3A_371 : vector<16xi32> to vector<16xi32>
          %swap3A_373 = vector.shape_cast %select_n3A_369 : vector<16xi32> to vector<16xi32>
          tpu.vector_store %arg9[%swap3A_370], %swap3A_373 {strides = array<i32>} : memref<320xi32, #tpu.memory_space<vmem>>, vector<16xi32>,
          %get3A_374 = arith.constant 192 : index
          %get3A_375 = tpu.vector_load %arg9[%get3A_374] {strides = array<i32>} : memref<320xi32, #tpu.memory_space<vmem>>, vector<16xi32>,
          %get3A_376 = vector.shape_cast %get3A_375 : vector<16xi32> to vector<16xi32>
          %lt3A_377 = arith.cmpi slt, %get3A_376, %broadcast_in_dim3A_266 : vector<16xi32>
          %select_n3A_378 = arith.select %lt3A_377, %broadcast_in_dim3A_264, %get3A_376 : vector<16xi1>, vector<16xi32>
          %swap3A_379 = arith.constant 192 : index
          %swap3A_380 = tpu.vector_load %arg9[%swap3A_379] {strides = array<i32>} : memref<320xi32, #tpu.memory_space<vmem>>, vector<16xi32>,
          %swap3A_381 = vector.shape_cast %swap3A_380 : vector<16xi32> to vector<16xi32>
          %swap3A_382 = vector.shape_cast %select_n3A_378 : vector<16xi32> to vector<16xi32>
          tpu.vector_store %arg9[%swap3A_379], %swap3A_382 {strides = array<i32>} : memref<320xi32, #tpu.memory_space<vmem>>, vector<16xi32>,
          %get3A_383 = arith.constant 208 : index
          %get3A_384 = tpu.vector_load %arg9[%get3A_383] {strides = array<i32>} : memref<320xi32, #tpu.memory_space<vmem>>, vector<16xi32>,
          %get3A_385 = vector.shape_cast %get3A_384 : vector<16xi32> to vector<16xi32>
          %lt3A_386 = arith.cmpi slt, %get3A_385, %broadcast_in_dim3A_266 : vector<16xi32>
          %select_n3A_387 = arith.select %lt3A_386, %broadcast_in_dim3A_264, %get3A_385 : vector<16xi1>, vector<16xi32>
          %swap3A_388 = arith.constant 208 : index
          %swap3A_389 = tpu.vector_load %arg9[%swap3A_388] {strides = array<i32>} : memref<320xi32, #tpu.memory_space<vmem>>, vector<16xi32>,
          %swap3A_390 = vector.shape_cast %swap3A_389 : vector<16xi32> to vector<16xi32>
          %swap3A_391 = vector.shape_cast %select_n3A_387 : vector<16xi32> to vector<16xi32>
          tpu.vector_store %arg9[%swap3A_388], %swap3A_391 {strides = array<i32>} : memref<320xi32, #tpu.memory_space<vmem>>, vector<16xi32>,
          %get3A_392 = arith.constant 224 : index
          %get3A_393 = tpu.vector_load %arg9[%get3A_392] {strides = array<i32>} : memref<320xi32, #tpu.memory_space<vmem>>, vector<16xi32>,
          %get3A_394 = vector.shape_cast %get3A_393 : vector<16xi32> to vector<16xi32>
          %lt3A_395 = arith.cmpi slt, %get3A_394, %broadcast_in_dim3A_266 : vector<16xi32>
          %select_n3A_396 = arith.select %lt3A_395, %broadcast_in_dim3A_264, %get3A_394 : vector<16xi1>, vector<16xi32>
          %swap3A_397 = arith.constant 224 : index
          %swap3A_398 = tpu.vector_load %arg9[%swap3A_397] {strides = array<i32>} : memref<320xi32, #tpu.memory_space<vmem>>, vector<16xi32>,
          %swap3A_399 = vector.shape_cast %swap3A_398 : vector<16xi32> to vector<16xi32>
          %swap3A_400 = vector.shape_cast %select_n3A_396 : vector<16xi32> to vector<16xi32>
          tpu.vector_store %arg9[%swap3A_397], %swap3A_400 {strides = array<i32>} : memref<320xi32, #tpu.memory_space<vmem>>, vector<16xi32>,
          %get3A_401 = arith.constant 240 : index
          %get3A_402 = tpu.vector_load %arg9[%get3A_401] {strides = array<i32>} : memref<320xi32, #tpu.memory_space<vmem>>, vector<16xi32>,
          %get3A_403 = vector.shape_cast %get3A_402 : vector<16xi32> to vector<16xi32>
          %lt3A_404 = arith.cmpi slt, %get3A_403, %broadcast_in_dim3A_266 : vector<16xi32>
          %select_n3A_405 = arith.select %lt3A_404, %broadcast_in_dim3A_264, %get3A_403 : vector<16xi1>, vector<16xi32>
          %swap3A_406 = arith.constant 240 : index
          %swap3A_407 = tpu.vector_load %arg9[%swap3A_406] {strides = array<i32>} : memref<320xi32, #tpu.memory_space<vmem>>, vector<16xi32>,
          %swap3A_408 = vector.shape_cast %swap3A_407 : vector<16xi32> to vector<16xi32>
          %swap3A_409 = vector.shape_cast %select_n3A_405 : vector<16xi32> to vector<16xi32>
          tpu.vector_store %arg9[%swap3A_406], %swap3A_409 {strides = array<i32>} : memref<320xi32, #tpu.memory_space<vmem>>, vector<16xi32>,
          %get3A_410 = arith.constant 256 : index
          %get3A_411 = tpu.vector_load %arg9[%get3A_410] {strides = array<i32>} : memref<320xi32, #tpu.memory_space<vmem>>, vector<16xi32>,
          %get3A_412 = vector.shape_cast %get3A_411 : vector<16xi32> to vector<16xi32>
          %lt3A_413 = arith.cmpi slt, %get3A_412, %broadcast_in_dim3A_266 : vector<16xi32>
          %select_n3A_414 = arith.select %lt3A_413, %broadcast_in_dim3A_264, %get3A_412 : vector<16xi1>, vector<16xi32>
          %swap3A_415 = arith.constant 256 : index
          %swap3A_416 = tpu.vector_load %arg9[%swap3A_415] {strides = array<i32>} : memref<320xi32, #tpu.memory_space<vmem>>, vector<16xi32>,
          %swap3A_417 = vector.shape_cast %swap3A_416 : vector<16xi32> to vector<16xi32>
          %swap3A_418 = vector.shape_cast %select_n3A_414 : vector<16xi32> to vector<16xi32>
          tpu.vector_store %arg9[%swap3A_415], %swap3A_418 {strides = array<i32>} : memref<320xi32, #tpu.memory_space<vmem>>, vector<16xi32>,
          %get3A_419 = arith.constant 272 : index
          %get3A_420 = tpu.vector_load %arg9[%get3A_419] {strides = array<i32>} : memref<320xi32, #tpu.memory_space<vmem>>, vector<16xi32>,
          %get3A_421 = vector.shape_cast %get3A_420 : vector<16xi32> to vector<16xi32>
          %lt3A_422 = arith.cmpi slt, %get3A_421, %broadcast_in_dim3A_266 : vector<16xi32>
          %select_n3A_423 = arith.select %lt3A_422, %broadcast_in_dim3A_264, %get3A_421 : vector<16xi1>, vector<16xi32>
          %swap3A_424 = arith.constant 272 : index
          %swap3A_425 = tpu.vector_load %arg9[%swap3A_424] {strides = array<i32>} : memref<320xi32, #tpu.memory_space<vmem>>, vector<16xi32>,
          %swap3A_426 = vector.shape_cast %swap3A_425 : vector<16xi32> to vector<16xi32>
          %swap3A_427 = vector.shape_cast %select_n3A_423 : vector<16xi32> to vector<16xi32>
          tpu.vector_store %arg9[%swap3A_424], %swap3A_427 {strides = array<i32>} : memref<320xi32, #tpu.memory_space<vmem>>, vector<16xi32>,
          %get3A_428 = arith.constant 288 : index
          %get3A_429 = tpu.vector_load %arg9[%get3A_428] {strides = array<i32>} : memref<320xi32, #tpu.memory_space<vmem>>, vector<16xi32>,
          %get3A_430 = vector.shape_cast %get3A_429 : vector<16xi32> to vector<16xi32>
          %lt3A_431 = arith.cmpi slt, %get3A_430, %broadcast_in_dim3A_266 : vector<16xi32>
          %select_n3A_432 = arith.select %lt3A_431, %broadcast_in_dim3A_264, %get3A_430 : vector<16xi1>, vector<16xi32>
          %swap3A_433 = arith.constant 288 : index
          %swap3A_434 = tpu.vector_load %arg9[%swap3A_433] {strides = array<i32>} : memref<320xi32, #tpu.memory_space<vmem>>, vector<16xi32>,
          %swap3A_435 = vector.shape_cast %swap3A_434 : vector<16xi32> to vector<16xi32>
          %swap3A_436 = vector.shape_cast %select_n3A_432 : vector<16xi32> to vector<16xi32>
          tpu.vector_store %arg9[%swap3A_433], %swap3A_436 {strides = array<i32>} : memref<320xi32, #tpu.memory_space<vmem>>, vector<16xi32>,
          %get3A_437 = arith.constant 304 : index
          %get3A_438 = tpu.vector_load %arg9[%get3A_437] {strides = array<i32>} : memref<320xi32, #tpu.memory_space<vmem>>, vector<16xi32>,
          %get3A_439 = vector.shape_cast %get3A_438 : vector<16xi32> to vector<16xi32>
          %lt3A_440 = arith.cmpi slt, %get3A_439, %broadcast_in_dim3A_266 : vector<16xi32>
          %select_n3A_441 = arith.select %lt3A_440, %broadcast_in_dim3A_264, %get3A_439 : vector<16xi1>, vector<16xi32>
          %swap3A_442 = arith.constant 304 : index
          %swap3A_443 = tpu.vector_load %arg9[%swap3A_442] {strides = array<i32>} : memref<320xi32, #tpu.memory_space<vmem>>, vector<16xi32>,
          %swap3A_444 = vector.shape_cast %swap3A_443 : vector<16xi32> to vector<16xi32>
          %swap3A_445 = vector.shape_cast %select_n3A_441 : vector<16xi32> to vector<16xi32>
          tpu.vector_store %arg9[%swap3A_442], %swap3A_445 {strides = array<i32>} : memref<320xi32, #tpu.memory_space<vmem>>, vector<16xi32>,
        } else {
        }
      } else {
      }
      "tpu.region"() ({
        %run_scoped3A = tpu.sem_alloc : memref<!tpu.dma_semaphore, #tpu.memory_space<semaphore_mem>>
        %dma_start3A_253 = arith.constant 0 : i32
        %dma_start3A_254 = arith.constant 0 : i32
        %dma_start3A_255 = tpu.memref_slice %arg13[%dma_start3A_253, %dma_start3A_254] : memref<5064x128xf32, #tpu.memory_space<vmem_shared>> -> memref<5064x128xf32, #tpu.memory_space<vmem_shared>>
        tpu.enqueue_indirect_dma source(%arg7 : memref<320x128xf32, #tpu.memory_space<vmem>>) target(%dma_start3A_255 : memref<5064x128xf32, #tpu.memory_space<vmem_shared>>) offsets(%arg9 : memref<320xi32, #tpu.memory_space<vmem>>) semaphore(%run_scoped3A : memref<!tpu.dma_semaphore, #tpu.memory_space<semaphore_mem>>) {add = true}
        %dma_wait3A_256 = arith.constant 0 : i32
        %dma_wait3A_257 = arith.constant 0 : i32
        %dma_wait3A_258 = tpu.memref_slice %arg13[%dma_wait3A_256, %dma_wait3A_257] : memref<5064x128xf32, #tpu.memory_space<vmem_shared>> -> memref<5064x128xf32, #tpu.memory_space<vmem_shared>>
        tpu.wait_indirect_dma semaphore(%run_scoped3A : memref<!tpu.dma_semaphore, #tpu.memory_space<semaphore_mem>>) src(%arg7 : memref<320x128xf32, #tpu.memory_space<vmem>>) dst(%dma_wait3A_258 : memref<5064x128xf32, #tpu.memory_space<vmem_shared>>)
        tpu.yield
      }) : () -> ()
    } else {
    }
    %barrier3A_209 = arith.constant 0 : index
    tpu.barrier barrier_id(%barrier3A_209)
    %mul3A_210 = arith.constant 320 : i32
    %mul3A_211 = arith.muli %arg1, %mul3A_210 : i32
    %multiple_of3A_212 = tpu.assume_multiple %mul3A_211, 8 : i32
    %lt3A = arith.constant 15 : i32
    %lt3A_213 = arith.cmpi slt, %arg1, %lt3A : i32
    %convert_element_type3A_214 = arith.extui %lt3A_213 : i1 to i32
    %cond3A_215 = arith.constant 0 : i32
    %cond3A_216 = arith.cmpi ne, %convert_element_type3A_214, %cond3A_215 : i32
    scf.if %cond3A_216 {
      %add3A_233 = arith.addi %select_n3A_87, %multiple_of3A_212 : i32
      %multiple_of3A_234 = tpu.assume_multiple %add3A_233, 8 : i32
      "tpu.region"() ({
        %run_scoped3A = tpu.sem_alloc : memref<!tpu.dma_semaphore, #tpu.memory_space<semaphore_mem>>
        %dma_start3A_235 = arith.constant 0 : i32
        %dma_start3A_236 = tpu.memref_slice %arg6[%multiple_of3A_234, %dma_start3A_235] : memref<10000x128xf32, #tpu.memory_space<hbm>> -> memref<320x128xf32, #tpu.memory_space<hbm>>
        %dma_start3A_237 = arith.constant 0 : i32
        %dma_start3A_238 = tpu.memref_slice %arg13[%multiple_of3A_212, %dma_start3A_237] : memref<5064x128xf32, #tpu.memory_space<vmem_shared>> -> memref<320x128xf32, #tpu.memory_space<vmem_shared>>
        tpu.enqueue_dma source(%dma_start3A_238 : memref<320x128xf32, #tpu.memory_space<vmem_shared>>) target(%dma_start3A_236 : memref<320x128xf32, #tpu.memory_space<hbm>>) target_semaphore(%run_scoped3A : memref<!tpu.dma_semaphore, #tpu.memory_space<semaphore_mem>>)
        %dma_wait3A_239 = arith.constant 0 : i32
        %dma_wait3A_240 = tpu.memref_slice %arg6[%multiple_of3A_234, %dma_wait3A_239] : memref<10000x128xf32, #tpu.memory_space<hbm>> -> memref<320x128xf32, #tpu.memory_space<hbm>>
        %dma_wait3A_241 = arith.constant 0 : i32
        %dma_wait3A_242 = tpu.memref_slice %arg13[%multiple_of3A_212, %dma_wait3A_241] : memref<5064x128xf32, #tpu.memory_space<vmem_shared>> -> memref<320x128xf32, #tpu.memory_space<vmem_shared>>
        tpu.wait_dma2 semaphore(%run_scoped3A : memref<!tpu.dma_semaphore, #tpu.memory_space<semaphore_mem>>) src(%dma_wait3A_242 : memref<320x128xf32, #tpu.memory_space<vmem_shared>>) dst(%dma_wait3A_240 : memref<320x128xf32, #tpu.memory_space<hbm>>)
        tpu.yield
      }) : () -> ()
    } else {
    }
    %eq3A_217 = arith.constant 15 : i32
    %eq3A_218 = arith.cmpi eq, %arg1, %eq3A_217 : i32
    %eq3A_219 = arith.constant 0 : i32
    %eq3A_220 = arith.cmpi eq, %arg0, %eq3A_219 : i32
    %and3A_221 = arith.andi %eq3A_218, %eq3A_220 : i1
    %convert_element_type3A_222 = arith.extui %and3A_221 : i1 to i32
    %cond3A_223 = arith.constant 0 : i32
    %cond3A_224 = arith.cmpi ne, %convert_element_type3A_222, %cond3A_223 : i32
    scf.if %cond3A_224 {
      "tpu.region"() ({
        %run_scoped3A = tpu.sem_alloc : memref<!tpu.dma_semaphore, #tpu.memory_space<semaphore_mem>>
        %dma_start3A_233 = arith.constant 4800 : i32
        %dma_start3A_234 = arith.constant 0 : i32
        %dma_start3A_235 = tpu.memref_slice %arg6[%dma_start3A_233, %dma_start3A_234] : memref<10000x128xf32, #tpu.memory_space<hbm>> -> memref<256x128xf32, #tpu.memory_space<hbm>>
        %dma_start3A_236 = arith.constant 4800 : i32
        %dma_start3A_237 = arith.constant 0 : i32
        %dma_start3A_238 = tpu.memref_slice %arg13[%dma_start3A_236, %dma_start3A_237] : memref<5064x128xf32, #tpu.memory_space<vmem_shared>> -> memref<256x128xf32, #tpu.memory_space<vmem_shared>>
        tpu.enqueue_dma source(%dma_start3A_238 : memref<256x128xf32, #tpu.memory_space<vmem_shared>>) target(%dma_start3A_235 : memref<256x128xf32, #tpu.memory_space<hbm>>) target_semaphore(%run_scoped3A : memref<!tpu.dma_semaphore, #tpu.memory_space<semaphore_mem>>)
        %dma_wait3A_239 = arith.constant 4800 : i32
        %dma_wait3A_240 = arith.constant 0 : i32
        %dma_wait3A_241 = tpu.memref_slice %arg6[%dma_wait3A_239, %dma_wait3A_240] : memref<10000x128xf32, #tpu.memory_space<hbm>> -> memref<256x128xf32, #tpu.memory_space<hbm>>
        %dma_wait3A_242 = arith.constant 4800 : i32
        %dma_wait3A_243 = arith.constant 0 : i32
        %dma_wait3A_244 = tpu.memref_slice %arg13[%dma_wait3A_242, %dma_wait3A_243] : memref<5064x128xf32, #tpu.memory_space<vmem_shared>> -> memref<256x128xf32, #tpu.memory_space<vmem_shared>>
        tpu.wait_dma2 semaphore(%run_scoped3A : memref<!tpu.dma_semaphore, #tpu.memory_space<semaphore_mem>>) src(%dma_wait3A_244 : memref<256x128xf32, #tpu.memory_space<vmem_shared>>) dst(%dma_wait3A_241 : memref<256x128xf32, #tpu.memory_space<hbm>>)
        tpu.yield
      }) : () -> ()
    } else {
    }
    %eq3A_225 = arith.constant 15 : i32
    %eq3A_226 = arith.cmpi eq, %arg1, %eq3A_225 : i32
    %eq3A_227 = arith.constant 1 : i32
    %eq3A_228 = arith.cmpi eq, %arg0, %eq3A_227 : i32
    %and3A_229 = arith.andi %eq3A_226, %eq3A_228 : i1
    %convert_element_type3A_230 = arith.extui %and3A_229 : i1 to i32
    %cond3A_231 = arith.constant 0 : i32
    %cond3A_232 = arith.cmpi ne, %convert_element_type3A_230, %cond3A_231 : i32
    scf.if %cond3A_232 {
      "tpu.region"() ({
        %run_scoped3A = tpu.sem_alloc : memref<!tpu.dma_semaphore, #tpu.memory_space<semaphore_mem>>
        %dma_start3A_233 = arith.constant 9856 : i32
        %dma_start3A_234 = arith.constant 0 : i32
        %dma_start3A_235 = tpu.memref_slice %arg6[%dma_start3A_233, %dma_start3A_234] : memref<10000x128xf32, #tpu.memory_space<hbm>> -> memref<144x128xf32, #tpu.memory_space<hbm>>
        %dma_start3A_236 = arith.constant 4800 : i32
        %dma_start3A_237 = arith.constant 0 : i32
        %dma_start3A_238 = tpu.memref_slice %arg13[%dma_start3A_236, %dma_start3A_237] : memref<5064x128xf32, #tpu.memory_space<vmem_shared>> -> memref<144x128xf32, #tpu.memory_space<vmem_shared>>
        tpu.enqueue_dma source(%dma_start3A_238 : memref<144x128xf32, #tpu.memory_space<vmem_shared>>) target(%dma_start3A_235 : memref<144x128xf32, #tpu.memory_space<hbm>>) target_semaphore(%run_scoped3A : memref<!tpu.dma_semaphore, #tpu.memory_space<semaphore_mem>>)
        %dma_wait3A_239 = arith.constant 9856 : i32
        %dma_wait3A_240 = arith.constant 0 : i32
        %dma_wait3A_241 = tpu.memref_slice %arg6[%dma_wait3A_239, %dma_wait3A_240] : memref<10000x128xf32, #tpu.memory_space<hbm>> -> memref<144x128xf32, #tpu.memory_space<hbm>>
        %dma_wait3A_242 = arith.constant 4800 : i32
        %dma_wait3A_243 = arith.constant 0 : i32
        %dma_wait3A_244 = tpu.memref_slice %arg13[%dma_wait3A_242, %dma_wait3A_243] : memref<5064x128xf32, #tpu.memory_space<vmem_shared>> -> memref<144x128xf32, #tpu.memory_space<vmem_shared>>
        tpu.wait_dma2 semaphore(%run_scoped3A : memref<!tpu.dma_semaphore, #tpu.memory_space<semaphore_mem>>) src(%dma_wait3A_244 : memref<144x128xf32, #tpu.memory_space<vmem_shared>>) dst(%dma_wait3A_241 : memref<144x128xf32, #tpu.memory_space<hbm>>)
        tpu.yield
      }) : () -> ()
    } else {
    }
    return
  }
}

</mosaic_0001>

<sc_bundles>
// kernel: kernel.3.cloned.1.call-start
scs
__scs_entry_jumppad:
0x0: {  	(pc) =	sbr.rel $0x88, $3  }
0x1: {  	(tag) =	ssettag $0x0;
	lr =	simm.s32 $0x1  }
0x2: {  	[smem:$0x3F9F] =	sst lr;
	_ =	strace $0xD0000000  }
0x3: {  	_ = 	snop  }
0x4: {  	_ = 	snop  }
0x5: {  	_ = 	snop  }
0x6: {  	_ = 	snop  }
0x7: {  	_ = 	snop  }
__scs_overlays_trampoline_lowered:
0x8: {  	[smem:$0x3FAE] =	sst s0  }
0x9: {  	[smem:$0x3FAF] =	sst s1  }
0xa: {  	[smem:$0x3FB0] =	sst s2  }
0xb: {  	[smem:$0x3FB1] =	sst s3  }
0xc: {  	[smem:$0x3FB2] =	sst s4  }
0xd: {  	[smem:$0x3FB3] =	sst s5  }
0xe: {  	[smem:$0x3FB4] =	sst s6  }
0xf: {  	[smem:$0x3FB5] =	sst s7  }
0x10: {  	[smem:$0x3FB6] =	sst s8  }
0x11: {  	[smem:$0x3FB7] =	sst s9;
	s0 =	simm.s32 @!p0 $0x0  }
0x12: {  	s1 =	sld [smem:$0x3F9D];
	s0 =	simm.s32 @p0 $0x1  }
0x13: {  	[smem:$0x3FB8] =	sst s0;
	s0 =	simm.s32 @!p1 $0x0  }
0x14: {  	s2 =	sld [smem:$0x3F9C];
	s0 =	simm.s32 @p1 $0x1  }
0x15: {  	[smem:$0x3FB9] =	sst s0;
	s0 =	simm.s32 @!p2 $0x0  }
0x16: {  	s3 =	sld [smem:$0x3FDB];
	s0 =	simm.s32 @p2 $0x1  }
0x17: {  	s4 =	simm.s32 $0x1BF5;
	[smem:$0x3FBB] =	sst s0  }
0x18: {  	s0 =	sld [smem:$0x3F9E];
	_ =	swait.ge [sflag:s4], $0x0  }
0x19: {  	s7 =	sld [smem:$0x3F9F]  }
0x1a: {  	s8 =	sadd.s32 $0xFFFFE003, lr  }
0x1b: {  	s9 =	sadd.s32 $0xFFFFFEF7, lr;
	s5 =	simm.s32 $0xFFFFFFFF;
	p2 =	slt.u32 s8, $0xFFFFF086  }
0x1c: {  	p1 =	slt.u32 s9, $0xF7A;
	s5 =	simm.s32 @!p2 $0x0  }
0x1d: {  	s5 =	simm.s32 @p1 $0x1;
	p0 =	seq.s32 s7, s2  }
0x1e: {  	s7 =	smul.u32 @!p0 $0xF7A, s2;
	p2 =	seq.s32 @!p0 s5, $0x0  }
0x1f: {  	s9 =	smul.u32 $0xF7A, s1;
	s8 =	simm.s32 @!p0 $0x1BF5;
	p2 =	por !p2, p0  }
0x20: {  	[sflag:s8] =	ssyncset.s32 @!p0 $0xFFFFF086;
	s6 =	sadd.s32 @!p0 s3, s7;
	s7 =	simm.s32 @!p0 $0x108  }
0x21: {  	s3 =	sadd.s32 s3, s9;
	s6 =	sadd.s32 @!p0 $0x88, s6;
	s7 =	simm.s32 @p2 $0x1082  }
0x22: {  	[simem:s7], [sflag:s8] =	dma.local @!p0 [hbm:s6], $0xF7A  }
0x23: {  	s9 =	sor.u32 $0xD0000000, s2;
	s6 =	simm.s32 $0x108;
	_ =	swait.ge @!p0 [sflag:s8], $0x0  }
0x24: {  	s3 =	sadd.s32 $0x88, s3;
	s6 =	simm.s32 @!p1 $0x1082;
	[sflag:s4] =	ssyncset.s32 $0xFFFFF086  }
0x25: {  	[simem:s6], [sflag:s4] =	dma.local [hbm:s3], $0xF7A  }
0x26: {  	[smem:$0x3F9F] =	sst s1;
	(tag) =	ssettag s2;
	_ =	strace s9  }
0x27: {  	s1 =	sld [smem:$0x3FAF]  }
0x28: {  	s2 =	sld [smem:$0x3FB0]  }
0x29: {  	s4 =	sld [smem:$0x3FB2]  }
0x2a: {  	p0 =	seq.s32 s5, $0x0;
	s5 =	sld [smem:$0x3FB3]  }
0x2b: {  	s6 =	sld [smem:$0x3FB4]  }
0x2c: {  	s7 =	sld [smem:$0x3FB5]  }
0x2d: {  	s3 =	simm.s32 $0x108;
	s8 =	sld [smem:$0x3FB6]  }
0x2e: {  	s3 =	simm.s32 @!p0 $0x1082;
	s9 =	sld [smem:$0x3FB7]  }
0x2f: {  	lr =	sadd.s32 s0, s3;
	s0 =	sld [smem:$0x3FAE]  }
0x30: {  	s3 =	sld [smem:$0x3FB1]  }
0x31: {  	[smem:$0x3FBA] =	sst s10  }
0x32: {  	s10 =	sld [smem:$0x3FB8];
	_ =	sdelay $0x3  }
0x33: {  	p0 =	seq.s32 s10, $0x1;
	s10 =	sld [smem:$0x3FBA];
	_ =	sdelay $0x3  }
0x34: {  	[smem:$0x3FBA] =	sst s10  }
0x35: {  	s10 =	sld [smem:$0x3FB9];
	_ =	sdelay $0x3  }
0x36: {  	p1 =	seq.s32 s10, $0x1;
	s10 =	sld [smem:$0x3FBA];
	_ =	sdelay $0x3  }
0x37: {  	[smem:$0x3FBA] =	sst s10  }
0x38: {  	s10 =	sld [smem:$0x3FBB]  }
0x39: {  	_ = 	snop;
	(pc) =	sbr.ind lr, $3  }
0x3a: {  	_ = 	snop  }
0x3b: {  	_ = 	snop  }
0x3c: {  	p2 =	seq.s32 s10, $0x1;
	s10 =	sld [smem:$0x3FBA]  }
0x3d: {  	_ =	shalt  }
0x3e: {  	_ =	shalt  }
0x3f: {  	_ =	shalt  }
0x40: {  	_ =	shalt  }
0x41: {  	_ =	shalt  }
0x42: {  	_ =	shalt  }
0x43: {  	_ =	shalt  }
0x44: {  	_ =	shalt  }
0x45: {  	_ =	shalt  }
0x46: {  	_ =	shalt  }
0x47: {  	_ =	shalt  }
0x48: {  	_ =	shalt  }
0x49: {  	_ =	shalt  }
0x4a: {  	_ =	shalt  }
0x4b: {  	_ =	shalt  }
0x4c: {  	_ =	shalt  }
0x4d: {  	_ =	shalt  }
0x4e: {  	_ =	shalt  }
0x4f: {  	_ =	shalt  }
0x50: {  	_ =	shalt  }
0x51: {  	_ =	shalt  }
0x52: {  	_ =	shalt  }
0x53: {  	_ =	shalt  }
0x54: {  	_ =	shalt  }
0x55: {  	_ =	shalt  }
0x56: {  	_ =	shalt  }
0x57: {  	_ =	shalt  }
0x58: {  	_ =	shalt  }
0x59: {  	_ =	shalt  }
0x5a: {  	_ =	shalt  }
0x5b: {  	_ =	shalt  }
0x5c: {  	_ =	shalt  }
0x5d: {  	_ =	shalt  }
0x5e: {  	_ =	shalt  }
0x5f: {  	_ =	shalt  }
0x60: {  	_ =	shalt  }
0x61: {  	_ =	shalt  }
0x62: {  	_ =	shalt  }
0x63: {  	_ =	shalt  }
0x64: {  	_ =	shalt  }
0x65: {  	_ =	shalt  }
0x66: {  	_ =	shalt  }
0x67: {  	_ =	shalt  }
0x68: {  	_ =	shalt  }
0x69: {  	_ =	shalt  }
0x6a: {  	_ =	shalt  }
0x6b: {  	_ =	shalt  }
0x6c: {  	_ =	shalt  }
0x6d: {  	_ =	shalt  }
0x6e: {  	_ =	shalt  }
0x6f: {  	_ =	shalt  }
0x70: {  	_ =	shalt  }
0x71: {  	_ =	shalt  }
0x72: {  	_ =	shalt  }
0x73: {  	_ =	shalt  }
0x74: {  	_ =	shalt  }
0x75: {  	_ =	shalt  }
0x76: {  	_ =	shalt  }
0x77: {  	_ =	shalt  }
0x78: {  	_ =	shalt  }
0x79: {  	_ =	shalt  }
0x7a: {  	_ =	shalt  }
0x7b: {  	_ =	shalt  }
0x7c: {  	_ =	shalt  }
0x7d: {  	_ =	shalt  }
0x7e: {  	_ =	shalt  }
0x7f: {  	_ =	shalt  }
0x80: {  	_ =	shalt  }
0x81: {  	_ =	shalt  }
0x82: {  	_ =	shalt  }
0x83: {  	_ =	shalt  }
0x84: {  	_ =	shalt  }
0x85: {  	_ =	shalt  }
0x86: {  	_ =	shalt  }
0x87: {  	_ =	shalt  }
.Lfunc_end0:
.L_simem_size_0:
called_computation_lowered:
.L_overlay_start_0:
0x88: {  	s2 =	sld [smem:$0x3FD9]  }
0x89: {  	s3 =	sld [smem:$0x3FFE];
	_ =	sdelay $0x1  }
0x8a: {  	s1 =	srdreg.scid  }
0x8b: {  	s0 =	sand.u32 $0x1, s1  }
0x8c: {  	s17 =	sshll.u32 s0, $0xA;
	s2 =	sadd.s32 s3, s2  }
0x8d: {  	s2 =	sadd.s32 s2, s17  }
0x8e: {  	[smem:$0x3FC6] =	sst s2  }
0x8f: {  	_ = 	snop  }
0x90: {  	s2 =	sld [smem:$0x3FC9]  }
0x91: {  	s18 =	sld [smem:$0x3FC8]  }
0x92: {  	s4 =	sld [smem:$0x3FD0];
	(tm) =	ssettm $0x1  }
0x93: {  	s5 =	sld [smem:$0x3FFB];
	_ =	sdelay $0x3  }
0x94: {  	_ =	strace s5  }
0x95: {  	s5 =	sld [smem:$0x3FFC];
	_ =	sdelay $0x3  }
0x96: {  	_ =	strace s5  }
0x97: {  	s5 =	sld [smem:$0x3FFD];
	_ =	sdelay $0x3  }
0x98: {  	_ =	strace s5  }
0x99: {  	_ =	strace $0x8FFFFFFF  }
0x9a: {  	s19 =	sld [smem:$0x3FDB];
	_ =	sdelay $0x1  }
0x9b: {  	s6 =	simm.s32 $_scs_section_size  }
0x9c: {  	s7 =	simm.s32 $_size__tile_overlayer_lowered;
	s8 =	simm.s32 $_tile_overlayer_lowered  }
0x9d: {  	s22 =	simm.s32 $0x1BFF;
	s21 =	sshll.u32 s8, $0x1;
	s5 =	sadd.s32 s6, s19  }
0x9e: {  	s9 =	simm.s32 $0x0;
	s20 =	sshll.u32 s7, $0x1;
	s7 =	sadd.s32 s21, s5  }
0x9f: {  	[timem:s9], [sflag:s22] =	dma.local [hbm:s7], s20  }
0xa0: {  	_ =	swait.ge [sflag:s22], s20  }
0xa1: {  	s6 =	ssub.s32 $0x0, s20;
	[sflag:s22] =	ssyncset.done $0x0  }
0xa2: {  	[sflag:s22] =	ssyncadd.s32 s6;
	_ =	sdelay $0x1  }
0xa3: {  	s23 =	simm.s32 $0x1B8B  }
0xa4: {  	_ =	swait.ge [sflag:s23], $0x1  }
0xa5: {  	[sflag:s23] =	ssyncset.done $0x0  }
0xa6: {  	s25 =	simm.s32 $0x1B8E;
	s24 =	sld [smem:$0x3FFE];
	[sflag:s23] =	ssyncadd.s32 $0xFFFFFFFF  }
0xa7: {  	s26 =	simm.s32 $execute0_lowered;
	[smem:$0x3FD2] =	sst s25  }
0xa8: {  	s7 =	sshll.u32 s26, $0x1;
	_ =	strace $0x80000046;
	[dreg:$0x1] =	wrdreg $0xFFFFFFFF  }
0xa9: {  	s28 =	simm.s32 $_size_execute0_lowered;
	s5 =	sadd.s32 s5, s7;
	[dreg:$0x0] =	wrdreg $0x0  }
0xaa: {  	s7 =	sshll.u32 s28, $0x1;
	[dreg:$0x2] =	wrdreg s5  }
0xab: {  	[dreg:$0x3] =	wrdreg s7  }
0xac: {  	[dreg:$0x4] =	wrdreg $0xC0  }
0xad: {  	_ =	task [dreg:s9], $0x5FFFF  }
0xae: {  	[dreg:$0x1] =	wrdreg $0xFFFFFFFF  }
0xaf: {  	[dreg:$0x0] =	wrdreg $0x60  }
0xb0: {  	[dreg:$0x2] =	wrdreg s2  }
0xb1: {  	[dreg:$0x3] =	wrdreg s18  }
0xb2: {  	[dreg:$0x4] =	wrdreg s24  }
0xb3: {  	[dreg:$0x5] =	wrdreg s4  }
0xb4: {  	[dreg:$0x6] =	wrdreg $0x15F800  }
0xb5: {  	[dreg:$0x7] =	wrdreg $0x9  }
0xb6: {  	_ =	task.clear_ibuf [dreg:s9], $0x8FFFF;
	_ =	strace $0x90000046  }
0xb7: {  	s29 =	simm.s32 $0x9;
	_ =	strace $0x80000048  }
0xb8: {  	_ =	swait.ge [sflag:s29], $0x1  }
0xb9: {  	[sflag:s29] =	ssyncadd.s32 $0xFFFFFFFF  }
0xba: {  	_ =	strace $0x90000048  }
0xbb: {  	_ =	sfence  }
0xbc: {  	s30 =	sld [smem:$0x0];
	_ =	sdelay $0x2  }
0xbd: {  	s31 =	sshll.u32 s1, $0xD;
	s1 =	sshrl.u32 s1, $0x2  }
0xbe: {  	s3 =	sand.u32 $0x4000, s31;
	s1 =	sadd.s32 s1, s30  }
0xbf: {  	s0 =	sor.u32 s3, s0;
	s1 =	sshll.u32 s1, $0x11  }
0xc0: {  	s0 =	sor.u32 s1, s0  }
0xc1: {  	s0 =	sadd.s32 $0x8F2B, s0  }
0xc2: {  	[sflag:s0] =	ssyncadd.remote.s32 $0x1  }
0xc3: {  	_ =	sfence.sel $0xFFFF  }
0xc4: {  	[dreg:$0x0] =	wrdreg $0xFFFFFFFF;
	(pc) =	sbr.abs _section_cstart, $3  }
0xc5: {  	[dreg:$0x1] =	wrdreg $0xFFFFFFFF  }
0xc6: {  	_ =	task.clear_ibuf [dreg:s9], $0x2FFFF;
	_ =	strace $0x9FFFFFFF  }
0xc7: {  	(tm) =	ssettm $0x7FFFFFFF  }
tec
execute0_lowered:
.L_overlay_start_1:
0x0: {  	(tag) =	ssettag $0x1  }
0x1: {  	s1 =	rddreg [dreg:$0x0]  }
0x2: {  	s2 =	rddreg [dreg:$0x1]  }
0x3: {  	s3 =	rddreg [dreg:$0x2]  }
0x4: {  	s13 =	stileid.u32;
	s8 =	rddreg [dreg:$0x3]  }
0x5: {  	s7 =	srdreg.scid;
	s28 =	simm.s32 $0x14000;
	s29 =	simm.s32 $0x4  }
0x6: {  	s30 =	simm.s32 $0x2;
	s31 =	simm.s32 $0x0;
	s0 =	smul.u32 $0x140, s13  }
0x7: {  	s9 =	sand.u32 $0x1, s7;
	s7 =	sadd.s32 $0x200, s3;
	s3 =	sadd.s32 $0xA000, s3  }
0x8: {  	s17 =	smul.u32 $0x28000, s13;
	s19 =	sor.u32 $0xFFFFFFF0, s13;
	s23 =	sadd.s32 $0x12C00, s8  }
0x9: {  	s24 =	sadd.s32 $0x26800, s8;
	s26 =	smul.u32 $0xA000, s13;
	s4 =	ssub.s32 $0x13C8, s0  }
0xa: {  	p1 =	seq.s32 s13, $0xF;
	s10 =	ssub.s32 $0x2, s9;
	s5 =	smin.u32 s4, $0x140  }
0xb: {  	s4 =	rddreg [dreg:$0x4];
	s6 =	smul.u32 $0x493, s5;
	s5 =	simm.s32 $0x0  }
0xc: {  	s12 =	ssub.s32 $0x0, s9;
	p0 =	seq.s32 s9, $0x0;
	[smem:$0x7FF] =	sst s5  }
0xd: {  	p4 =	seq.s32 s9, $0x1;
	_ =	strace $0x80000047;
	[dreg:$0x7] =	wrdreg s3  }
0xe: {  	p3 =	sne.s32 @p1 s9, $0x0;
	p2 =	sne.s32 s9, $0x0;
	[dreg:$0x6] =	wrdreg s0  }
0xf: {  	s14 =	sshrl.u32 s10, $0x1;
	s22 =	sadd.s32 $0x96000, s4;
	[dreg:$0x9] =	wrdreg s19  }
0x10: {  	s16 =	sand.u32 $0x13C0, s12;
	s20 =	sshrl.u32 s17, $0x2;
	[dreg:$0xc] =	wrdreg s22  }
0x11: {  	s7 =	smov.u32 @p0 s2;
	p4 =	por !p4, !p1;
	[dreg:$0xd] =	wrdreg s23  }
0x12: {  	s18 =	sadd.s32 s0, s16;
	s6 =	sshrl.u32 s6, $0x10;
	[dreg:$0xe] =	wrdreg s24  }
0x13: {  	s3 =	ssub.s32 s10, s14;
	[dreg:$0x10] =	wrdreg s26;
	s19 =	simm.s32 $0x6  }
0x14: {  	s22 =	simm.s32 $0x5;
	s23 =	simm.s32 $0x14180;
	s11 =	smul.u32 $0x38, s6  }
0x15: {  	s24 =	simm.s32 $0xA000;
	s26 =	simm.s32 $0x140;
	s25 =	smax.u32 s3, $0x1  }
0x16: {  	[dreg:$0xf] =	wrdreg s25;
	s15 =	sadd.s32 s0, s11;
	s0 =	simm.s32 @!p0 $0x0  }
0x17: {  	s11 =	sadd.s32 s20, s4;
	s10 =	sshll.u32 s15, $0x7;
	s0 =	simm.s32 @p0 $0x1  }
.Ltmp0:
0x18: {  	p0 =	por p3, !p1;
	[dreg:$0xa] =	wrdreg s11;
	(pc) =	sbr.rel .LBB2_1-.Ltmp0, $4  }
0x19: {  	s10 =	sadd.s32 s10, s4;
	[smem:$0x7FC] =	sst s0;
	s0 =	simm.s32 @!p0 $0x0  }
0x1a: {  	[dreg:$0x8] =	wrdreg s10;
	s10 =	sshll.u32 s18, $0x4;
	s0 =	simm.s32 @p0 $0x1  }
0x1b: {  	s25 =	simm.s32 $0x3;
	s21 =	sadd.s32 s8, s10;
	[smem:$0x7FD] =	sst s0  }
0x1c: {  	v0 =	vimm.f32 $0.0e+00;
	s20 =	simm.s32 $0x1;
	[dreg:$0xb] =	wrdreg s21;
	s21 =	simm.s32 $0x14300  }
.LBB2_24:
0x1d: {  	v2 =	vld [tilespmem:$0x14010]  }
0x1e: {  	v3 =	vld [tilespmem:$0x14020]  }
0x1f: {  	v4 =	vld [tilespmem:$0x14030]  }
0x20: {  	v5 =	vld [tilespmem:$0x14040]  }
0x21: {  	vm0 =	vlt.s32 v1, $0x0;
	v6 =	vld [tilespmem:$0x14050]  }
0x22: {  	v7 =	vld [tilespmem:$0x14060];
	v1 =	vsel vm0, $0x1350, v1;
	vm9 =	vlt.s32 v2, $0x0  }
0x23: {  	[tilespmem:$0x14000] =	vst v1;
	vm10 =	vlt.s32 v3, $0x0;
	v1 =	vsel vm9, $0x1350, v2;
	v2 =	vld [tilespmem:$0x14070]  }
0x24: {  	vm11 =	vlt.s32 v4, $0x0;
	[tilespmem:$0x14010] =	vst v1;
	v1 =	vsel vm10, $0x1350, v3;
	v3 =	vld [tilespmem:$0x14080]  }
0x25: {  	v56 =	vld [tilespmem:$0x14090];
	vm12 =	vlt.s32 v5, $0x0;
	[tilespmem:$0x14020] =	vst v1;
	v1 =	vsel vm11, $0x1350, v4  }
0x26: {  	v57 =	vld [tilespmem:$0x140A0];
	vm13 =	vlt.s32 v6, $0x0;
	[tilespmem:$0x14030] =	vst v1;
	v1 =	vsel vm12, $0x1350, v5  }
0x27: {  	v58 =	vld [tilespmem:$0x140B0];
	vm14 =	vlt.s32 v7, $0x0;
	[tilespmem:$0x14040] =	vst v1;
	v1 =	vsel vm13, $0x1350, v6  }
0x28: {  	v59 =	vld [tilespmem:$0x140C0];
	[tilespmem:$0x14050] =	vst v1;
	v1 =	vsel vm14, $0x1350, v7;
	vm15 =	vlt.s32 v2, $0x0  }
0x29: {  	[tilespmem:$0x14060] =	vst v1;
	v1 =	vsel vm15, $0x1350, v2;
	vm4 =	vlt.s32 v3, $0x0;
	v2 =	vld [tilespmem:$0x140D0]  }
0x2a: {  	vm5 =	vlt.s32 v56, $0x0;
	[tilespmem:$0x14070] =	vst v1;
	v1 =	vsel vm4, $0x1350, v3;
	v3 =	vld [tilespmem:$0x140E0]  }
0x2b: {  	v60 =	vld [tilespmem:$0x140F0];
	vm6 =	vlt.s32 v57, $0x0;
	[tilespmem:$0x14080] =	vst v1;
	v1 =	vsel vm5, $0x1350, v56  }
0x2c: {  	v61 =	vld [tilespmem:$0x14100];
	vm7 =	vlt.s32 v58, $0x0;
	[tilespmem:$0x14090] =	vst v1;
	v1 =	vsel vm6, $0x1350, v57  }
0x2d: {  	v62 =	vld [tilespmem:$0x14110];
	vm8 =	vlt.s32 v59, $0x0;
	[tilespmem:$0x140A0] =	vst v1;
	v1 =	vsel vm7, $0x1350, v58  }
0x2e: {  	v63 =	vld [tilespmem:$0x14120];
	[tilespmem:$0x140B0] =	vst v1;
	v1 =	vsel vm8, $0x1350, v59;
	vm9 =	vlt.s32 v2, $0x0  }
0x2f: {  	[tilespmem:$0x140C0] =	vst v1;
	v1 =	vsel vm9, $0x1350, v2;
	vm10 =	vlt.s32 v3, $0x0;
	v2 =	vld [tilespmem:$0x14130]  }
0x30: {  	vm11 =	vlt.s32 v60, $0x0;
	[tilespmem:$0x140D0] =	vst v1;
	v1 =	vsel vm10, $0x1350, v3  }
0x31: {  	vm12 =	vlt.s32 v61, $0x0;
	[tilespmem:$0x140E0] =	vst v1;
	v1 =	vsel vm11, $0x1350, v60  }
0x32: {  	vm13 =	vlt.s32 v62, $0x0;
	[tilespmem:$0x140F0] =	vst v1;
	v1 =	vsel vm12, $0x1350, v61  }
0x33: {  	vm14 =	vlt.s32 v63, $0x0;
	[tilespmem:$0x14100] =	vst v1;
	v1 =	vsel vm13, $0x1350, v62  }
0x34: {  	[tilespmem:$0x14110] =	vst v1;
	v1 =	vsel vm14, $0x1350, v63;
	vm15 =	vlt.s32 v2, $0x0  }
0x35: {  	[tilespmem:$0x14120] =	vst v1;
	v1 =	vsel vm15, $0x1350, v2  }
.LBB2_25:
0x36: {  	[tilespmem:$0x14130] =	vst v1  }
.LBB2_26:
0x37: {  	[spmem:s4] =	stream.indirect.scatter.add.f32 [tilespmem:s5], [sflag:$0x6], $0x80, s28, s26, $0xb8;
	[tilespmem:$0x1FDC0] =	vst v63  }
0x38: {  	_ =	swait.ge [sflag:s19], $0xA000  }
0x39: {  	[sflag:s19] =	ssyncset.done $0x0  }
0x3a: {  	[sflag:s19] =	ssyncadd.s32 $0xFFFF6000  }
.LBB2_27:
0x3b: {  	[bflag:$0x0] =	sbarrier.arrive $0xFFFF  }
0x3c: {  	s0 =	sld [smem:$0x7FD];
	_ =	sdelay $0x2  }
0x3d: {  	s3 =	rddreg [dreg:$0xc];
	p0 =	seq.s32 s0, $0x1  }
0x3e: {  	s8 =	rddreg [dreg:$0xd];
	s0 =	sshrl.u32 @!p0 s3, $0x3;
	s2 =	simm.s32 @!p0 $0x1FC6  }
0x3f: {  	[hbm:s8], [sflag:s2] =	dma.local @!p0 [spmem:s0], $0x1000  }
0x40: {  	s0 =	simm.s32 @!p0 $0x6  }
0x41: {  	_ =	swait.ge @!p0 [sflag:s0], $0x1000  }
0x42: {  	s2 =	simm.s32 @!p4 $0x1FC6;
	[sflag:s0] =	ssyncset.done @!p0 $0x0  }
0x43: {  	[sflag:s0] =	ssyncadd.s32 @!p0 $0xFFFFF000;
	s0 =	sshrl.u32 @!p4 s3, $0x3;
	s3 =	rddreg [dreg:$0xe]  }
0x44: {  	[hbm:s3], [sflag:s2] =	dma.local @!p4 [spmem:s0], $0x900  }
0x45: {  	s0 =	simm.s32 @!p4 $0x6  }
0x46: {  	_ =	swait.ge @!p4 [sflag:s0], $0x900  }
0x47: {  	s2 =	sshll.u32 @!p1 s13, $0x6;
	[sflag:s0] =	ssyncset.done @!p4 $0x0;
	s3 =	rddreg [dreg:$0xb]  }
0x48: {  	[sflag:s0] =	ssyncadd.s32 @!p4 $0xFFFFF700;
	s0 =	sor.u32 @!p1 $0x1C06, s2;
	s2 =	sshrl.u32 @!p1 s11, $0x3  }
0x49: {  	[hbm:s3], [sflag:s0] =	dma.local @!p1 [spmem:s2], $0x1400  }
0x4a: {  	s0 =	simm.s32 @!p1 $0x6  }
0x4b: {  	_ =	swait.ge @!p1 [sflag:s0], $0x1400  }
0x4c: {  	s31 =	sadd.s32 $0x1, s31;
	s18 =	rddreg [dreg:$0xf]  }
0x4d: {  	p0 =	sne.s32 s31, s18  }
.Ltmp1:
0x4e: {  	_ = 	snop;
	(pc) =	sbr.rel @!p0 .LBB2_28-.Ltmp1, $3  }
0x4f: {  	_ =	sdelay $0x1  }
0x50: {  	[sflag:s0] =	ssyncset.done @!p1 $0x0  }
0x51: {  	[sflag:s0] =	ssyncadd.s32 @!p1 $0xFFFFEC00  }
.LBB2_1:
0x52: {  	s0 =	rddreg [dreg:$0x7];
	s2 =	simm.s32 $0x15F00  }
0x53: {  	[tilespmem:s2], [sflag:$0x6] =	stream.linear.gather [hbm4b:s0+s5], $0x80, $0x38;
	[tilespmem:$0x1FDC0] =	vst v63  }
0x54: {  	_ =	swait.ge [sflag:s19], $0x80  }
0x55: {  	[sflag:s19] =	ssyncset.done $0x0  }
0x56: {  	[sflag:s19] =	ssyncadd.s32 $0xFFFFFF80  }
0x57: {  	v1 =	vld [tilespmem:$0x15F00];
	_ =	sdelay $0x4  }
0x58: {  	(v2sf) =	vpush v1, $0x0;
	_ =	sdelay $0xe  }
0x59: {  	s0 =	spop (v2sf)  }
0x5a: {  	s3 =	sadd.s32 $0x13F, s0;
	s9 =	smulhi.u32 $0x66666667, s0  }
0x5b: {  	s10 =	sshra.s32 s0, $0x1F;
	s8 =	smulhi.u32 $0x66666667, s3  }
0x5c: {  	s12 =	sshra.s32 s3, $0x1F;
	s10 =	smul.u32 $0x66666667, s10  }
0x5d: {  	s12 =	smul.u32 $0x66666667, s12  }
0x5e: {  	s9 =	sadd.s32 s10, s9  }
0x5f: {  	s8 =	sadd.s32 s12, s8;
	s10 =	sshrl.u32 s9, $0x1F;
	s9 =	sshra.s32 s9, $0x7  }
0x60: {  	s12 =	sshrl.u32 s8, $0x1F;
	s8 =	sshra.s32 s8, $0x7;
	s9 =	sadd.s32 s10, s9  }
0x61: {  	s8 =	sadd.s32 s12, s8;
	s10 =	smul.u32 $0xFFFFFEC0, s9  }
0x62: {  	s2 =	simm.s32 $0x1;
	s14 =	ssub.s32 $0x0, s0;
	s12 =	smul.u32 $0xFFFFFEC0, s8  }
0x63: {  	s15 =	ssub.s32 $0xFFFFFEC1, s0;
	p5 =	slt.s32 s0, $0x1;
	p6 =	sne.s32 s10, s14  }
0x64: {  	p0 =	slt.s32 s3, $0x1;
	p5 =	por !p5, !p6;
	p3 =	sne.s32 s12, s15  }
0x65: {  	s14 =	sld [smem:$0x7FC];
	p0 =	por !p0, !p3;
	p6 =	por !p5, !p5  }
0x66: {  	s3 =	simm.s32 $0x1;
	p0 =	por !p0, !p0;
	s2 =	simm.s32 @!p6 $0x0  }
0x67: {  	s3 =	simm.s32 @!p0 $0x0;
	s18 =	ssub.s32 s9, s2  }
0x68: {  	p3 =	seq.s32 s14, $0x1;
	s2 =	ssub.s32 s8, s3;
	s3 =	ssub.s32 $0x3E8, s18  }
0x69: {  	s3 =	smov.u32 @p3 s2  }
0x6a: {  	s2 =	ssub.s32 s3, s13  }
0x6b: {  	s3 =	sadd.s32 $0xF, s2  }
0x6c: {  	s15 =	sand.u32 $0xF, s3  }
0x6d: {  	p0 =	slt.s32 s2, $0xFFFFFFF2;
	s16 =	sshra.s32 s3, $0x1F;
	p5 =	sne.s32 s15, $0x0  }
0x6e: {  	s17 =	sshrl.u32 s16, $0x1C;
	p0 =	por !p0, !p5  }
0x6f: {  	s8 =	simm.s32 $0x1;
	s2 =	sadd.s32 s17, s3;
	p0 =	por !p0, !p0  }
0x70: {  	s2 =	sshra.s32 s2, $0x4;
	s8 =	simm.s32 @!p0 $0x0  }
0x71: {  	s3 =	smov.u32 s18;
	s10 =	ssub.s32 s2, s8  }
0x72: {  	s3 =	simm.s32 @p3 $0x0;
	p5 =	slt.s32 s10, $0x1  }
0x73: {  	s2 =	sadd.s32 @!p5 s13, s3  }
0x74: {  	s8 =	smul.u32 @!p5 $0x140, s2  }
0x75: {  	s2 =	smul.u32 @!p5 $0xA000, s2  }
0x76: {  	s17 =	simm.s32 $0xFFFFFFFF;
	s12 =	simm.s32 @!p5 $0x0;
	s8 =	sshrl.u32 @!p5 s8, $0x3  }
0x77: {  	s14 =	simm.s32 @!p5 $0x14000;
	s2 =	sshrl.u32 @!p5 s2, $0x3;
	s8 =	sadd.s32 @!p5 s7, s8  }
0x78: {  	[tilespmem:s14], [sflag:$0x3] =	stream.linear.gather @!p5 [hbm4b:s8+s12], $0x140, $0x38;
	[tilespmem:$0x1FDC0] =	vst v63  }
0x79: {  	s17 =	simm.s32 @!p6 $0x0;
	p0 =	sgt.s32 s10, $0x0;
	s2 =	sadd.s32 @!p5 s1, s2  }
0x7a: {  	[tilespmem:s12], [sflag:$0x1] =	stream.linear.gather @!p5 [hbm4b:s2+s12], $0xA000, $0x38;
	[tilespmem:$0x1FDC0] =	vst v63  }
0x7b: {  	s10 =	simm.s32 @!p0 $0x0;
	s8 =	simm.s32 $0x200;
	s2 =	simm.s32 $0x0  }
.LBB2_2:
0x7c: {  	p6 =	sne.s32 s8, $0x6E00;
	[tilespmem:s2+$0x14370] =	vst v0  }
0x7d: {  	[tilespmem:s2+$0x14300] =	vst v0  }
0x7e: {  	[tilespmem:s2+$0x14310] =	vst v0  }
.Ltmp2:
0x7f: {  	[tilespmem:s2+$0x14320] =	vst v0;
	(pc) =	sbr.rel @p6 .LBB2_2-.Ltmp2, $4  }
0x80: {  	[tilespmem:s2+$0x14330] =	vst v0  }
0x81: {  	[tilespmem:s2+$0x14340] =	vst v0  }
0x82: {  	[tilespmem:s2+$0x14350] =	vst v0  }
0x83: {  	[tilespmem:s2+$0x14360] =	vst v0;
	s2 =	sshra.s32 s8, $0x2;
	s8 =	sadd.s32 $0x200, s8  }
0x84: {  	[tilespmem:s2+$0x14370] =	vst v0  }
0x85: {  	[tilespmem:s2+$0x14300] =	vst v0  }
0x86: {  	[tilespmem:s2+$0x14310] =	vst v0  }
0x87: {  	[tilespmem:s2+$0x14320] =	vst v0;
	p6 =	sne.s32 s6, $0x1  }
.Ltmp3:
0x88: {  	[tilespmem:s2+$0x14330] =	vst v0;
	(pc) =	sbr.rel @!p6 .LBB2_5-.Ltmp3, $4  }
0x89: {  	[tilespmem:s2+$0x14340] =	vst v0  }
0x8a: {  	[tilespmem:s2+$0x14350] =	vst v0  }
0x8b: {  	[tilespmem:s2+$0x14360] =	vst v0;
	s2 =	sadd.s32 $0xFFFFFFFF, s6;
	s8 =	smov.u32 s11  }
0x8c: {  	[spmem:s11] =	stream.linear.scatter [tilespmem:s21], [sflag:$0x5], $0x1C00, $0x38;
	[tilespmem:$0x1FDC0] =	vst v63  }
.LBB2_4:
0x8d: {  	p0 =	sne.s32 s2, $0x1  }
.Ltmp4:
0x8e: {  	_ = 	snop;
	(pc) =	sbr.rel @p0 .LBB2_4-.Ltmp4, $3  }
0x8f: {  	_ = 	snop  }
0x90: {  	s2 =	sadd.s32 $0xFFFFFFFF, s2;
	s8 =	sadd.s32 $0x1C00, s8;
	_ =	sdelay $0x1  }
0x91: {  	[spmem:s8] =	stream.linear.scatter [tilespmem:s21], [sflag:$0x5], $0x1C00, $0x38;
	[tilespmem:$0x1FDC0] =	vst v63  }
.LBB2_5:
.Ltmp5:
0x92: {  	(pc) =	sbr.rel @!p6 .LBB2_7-.Ltmp5, $4  }
0x93: {  	s2 =	rddreg [dreg:$0x8]  }
0x94: {  	[spmem:s2] =	stream.linear.scatter [tilespmem:s21], [sflag:$0x5], $0x1400, $0x38;
	[tilespmem:$0x1FDC0] =	vst v63  }
0x95: {  	s0 =	stileid.u32;
	_ =	swait.ge [sflag:s22], $0x1C00  }
0x96: {  	s11 =	smov.u32 s6;
	s2 =	sadd.s32 $0xFFFFFFFF, s6;
	[sflag:s22] =	ssyncset.done $0x0  }
.LBB2_6:
0x97: {  	p0 =	sne.s32 s2, $0x1;
	s2 =	sadd.s32 $0xFFFFFFFF, s2;
	[sflag:s22] =	ssyncadd.s32 $0xFFFFE400  }
.Ltmp6:
0x98: {  	(pc) =	sbr.rel @p0 .LBB2_6-.Ltmp6, $3  }
0x99: {  	_ =	sdelay $0x1  }
0x9a: {  	_ =	swait.ge [sflag:s22], $0x1C00  }
0x9b: {  	[sflag:s22] =	ssyncset.done $0x0  }
.LBB2_7:
0x9c: {  	s2 =	sand.u32 $0x1, s10  }
0x9d: {  	p0 =	seq.s32 s2, $0x1  }
0x9e: {  	p0 =	por !p5, !p0  }
0x9f: {  	s8 =	simm.s32 $0x1;
	p0 =	por !p0, !p0  }
0xa0: {  	s12 =	sshrl.u32 s10, $0x1;
	s8 =	simm.s32 @!p0 $0x0  }
0xa1: {  	s8 =	ssub.s32 s12, s8  }
0xa2: {  	[sflag:s22] =	ssyncadd.s32 $0xFFFFE400;
	p0 =	slt.s32 s8, $0x1  }
.Ltmp7:
0xa3: {  	_ =	swait.ge [sflag:s22], $0x1400;
	(pc) =	sbr.rel @p0 .LBB2_20-.Ltmp7, $3  }
0xa4: {  	[sflag:s22] =	ssyncset.done $0x0  }
0xa5: {  	[sflag:s22] =	ssyncadd.s32 $0xFFFFEC00  }
0xa6: {  	[bflag:$0x0] =	sbarrier.arrive $0xFFFF;
	_ =	sdelay $0x1  }
.Ltmp8:
0xa7: {  	(pc) =	sbr.rel .LBB2_9-.Ltmp8, $4  }
0xa8: {  	s12 =	smul.u32 $0xA000, s3;
	s14 =	sadd.s32 s3, s0  }
0xa9: {  	s15 =	smul.u32 $0x140, s3;
	s9 =	ssub.s32 s14, s9;
	s14 =	rddreg [dreg:$0x10]  }
0xaa: {  	s8 =	ssub.s32 $0x0, s8;
	s16 =	rddreg [dreg:$0x6];
	s12 =	sadd.s32 s12, s14  }
0xab: {  	s14 =	sadd.s32 $0xFFFFFFF0, s17;
	s15 =	sadd.s32 s15, s16;
	s16 =	simm.s32 $0x2  }
.LBB2_17:
0xac: {  	v2 =	vld [tilespmem:$0x14190]  }
0xad: {  	v3 =	vld [tilespmem:$0x141A0]  }
0xae: {  	v4 =	vld [tilespmem:$0x141B0]  }
0xaf: {  	v5 =	vld [tilespmem:$0x141C0]  }
0xb0: {  	vm0 =	vlt.s32 v1, $0x0;
	v6 =	vld [tilespmem:$0x141D0]  }
0xb1: {  	v7 =	vld [tilespmem:$0x141E0];
	v1 =	vsel vm0, $0x1350, v1;
	vm9 =	vlt.s32 v2, $0x0  }
0xb2: {  	[tilespmem:$0x14180] =	vst v1;
	vm10 =	vlt.s32 v3, $0x0;
	v1 =	vsel vm9, $0x1350, v2;
	v2 =	vld [tilespmem:$0x141F0]  }
0xb3: {  	vm11 =	vlt.s32 v4, $0x0;
	[tilespmem:$0x14190] =	vst v1;
	v1 =	vsel vm10, $0x1350, v3;
	v3 =	vld [tilespmem:$0x14200]  }
0xb4: {  	v56 =	vld [tilespmem:$0x14210];
	vm12 =	vlt.s32 v5, $0x0;
	[tilespmem:$0x141A0] =	vst v1;
	v1 =	vsel vm11, $0x1350, v4  }
0xb5: {  	v57 =	vld [tilespmem:$0x14220];
	vm13 =	vlt.s32 v6, $0x0;
	[tilespmem:$0x141B0] =	vst v1;
	v1 =	vsel vm12, $0x1350, v5  }
0xb6: {  	v58 =	vld [tilespmem:$0x14230];
	vm14 =	vlt.s32 v7, $0x0;
	[tilespmem:$0x141C0] =	vst v1;
	v1 =	vsel vm13, $0x1350, v6  }
0xb7: {  	v59 =	vld [tilespmem:$0x14240];
	[tilespmem:$0x141D0] =	vst v1;
	v1 =	vsel vm14, $0x1350, v7;
	vm15 =	vlt.s32 v2, $0x0  }
0xb8: {  	[tilespmem:$0x141E0] =	vst v1;
	v1 =	vsel vm15, $0x1350, v2;
	vm4 =	vlt.s32 v3, $0x0;
	v2 =	vld [tilespmem:$0x14250]  }
0xb9: {  	vm5 =	vlt.s32 v56, $0x0;
	[tilespmem:$0x141F0] =	vst v1;
	v1 =	vsel vm4, $0x1350, v3;
	v3 =	vld [tilespmem:$0x14260]  }
0xba: {  	v60 =	vld [tilespmem:$0x14270];
	vm6 =	vlt.s32 v57, $0x0;
	[tilespmem:$0x14200] =	vst v1;
	v1 =	vsel vm5, $0x1350, v56  }
0xbb: {  	v61 =	vld [tilespmem:$0x14280];
	vm7 =	vlt.s32 v58, $0x0;
	[tilespmem:$0x14210] =	vst v1;
	v1 =	vsel vm6, $0x1350, v57  }
0xbc: {  	v62 =	vld [tilespmem:$0x14290];
	vm8 =	vlt.s32 v59, $0x0;
	[tilespmem:$0x14220] =	vst v1;
	v1 =	vsel vm7, $0x1350, v58  }
0xbd: {  	v63 =	vld [tilespmem:$0x142A0];
	[tilespmem:$0x14230] =	vst v1;
	v1 =	vsel vm8, $0x1350, v59;
	vm9 =	vlt.s32 v2, $0x0  }
0xbe: {  	[tilespmem:$0x14240] =	vst v1;
	v1 =	vsel vm9, $0x1350, v2;
	vm10 =	vlt.s32 v3, $0x0;
	v2 =	vld [tilespmem:$0x142B0]  }
0xbf: {  	vm11 =	vlt.s32 v60, $0x0;
	[tilespmem:$0x14250] =	vst v1;
	v1 =	vsel vm10, $0x1350, v3  }
0xc0: {  	vm12 =	vlt.s32 v61, $0x0;
	[tilespmem:$0x14260] =	vst v1;
	v1 =	vsel vm11, $0x1350, v60  }
0xc1: {  	vm13 =	vlt.s32 v62, $0x0;
	[tilespmem:$0x14270] =	vst v1;
	v1 =	vsel vm12, $0x1350, v61  }
0xc2: {  	vm14 =	vlt.s32 v63, $0x0;
	[tilespmem:$0x14280] =	vst v1;
	v1 =	vsel vm13, $0x1350, v62  }
0xc3: {  	[tilespmem:$0x14290] =	vst v1;
	v1 =	vsel vm14, $0x1350, v63;
	vm15 =	vlt.s32 v2, $0x0  }
0xc4: {  	[tilespmem:$0x142A0] =	vst v1;
	v1 =	vsel vm15, $0x1350, v2  }
.LBB2_18:
0xc5: {  	[tilespmem:$0x142B0] =	vst v1  }
.LBB2_19:
0xc6: {  	s8 =	sadd.s32 $0x1, s8  }
0xc7: {  	p0 =	seq.s32 s8, $0x0  }
.Ltmp9:
0xc8: {  	_ = 	snop;
	(pc) =	sbr.rel @p0 .LBB2_20-.Ltmp9, $4  }
0xc9: {  	[spmem:s4] =	stream.indirect.scatter.add.f32 [tilespmem:s24], [sflag:$0x6], $0x80, s23, s26, $0xb8;
	[tilespmem:$0x1FDC0] =	vst v63  }
0xca: {  	_ =	swait.ge [sflag:s19], $0xA000  }
0xcb: {  	s9 =	sadd.s32 $0x20, s9;
	s12 =	sadd.s32 $0x140000, s12;
	[sflag:s19] =	ssyncset.done $0x0  }
0xcc: {  	s15 =	sadd.s32 $0x2800, s15;
	s16 =	sadd.s32 $0x2, s16;
	[sflag:s19] =	ssyncadd.s32 $0xFFFF6000  }
.LBB2_9:
0xcd: {  	s0 =	sadd.s32 $0x1400, s15  }
0xce: {  	s0 =	sshrl.u32 s0, $0x3  }
0xcf: {  	s13 =	sadd.s32 $0xA0000, s12;
	s0 =	sadd.s32 s7, s0  }
0xd0: {  	[tilespmem:s23], [sflag:$0x4] =	stream.linear.gather [hbm4b:s0+s5], $0x140, $0x38;
	[tilespmem:$0x1FDC0] =	vst v63  }
0xd1: {  	s0 =	sshrl.u32 s13, $0x3  }
0xd2: {  	s0 =	sadd.s32 s1, s0  }
0xd3: {  	[tilespmem:s24], [sflag:$0x2] =	stream.linear.gather [hbm4b:s0+s5], $0xA000, $0x38;
	[tilespmem:$0x1FDC0] =	vst v63  }
0xd4: {  	p0 =	sne.s32 s17, s9;
	_ =	swait.ge [sflag:s25], $0x140  }
.Ltmp10:
0xd5: {  	[sflag:s25] =	ssyncset.done $0x0;
	(pc) =	sbr.rel @p0 .LBB2_14-.Ltmp10, $4  }
0xd6: {  	[sflag:s25] =	ssyncadd.s32 $0xFFFFFEC0  }
0xd7: {  	_ =	swait.ge [sflag:s20], $0xA000  }
0xd8: {  	[sflag:s20] =	ssyncset.done $0x0  }
0xd9: {  	[sflag:s20] =	ssyncadd.s32 $0xFFFF6000  }
.Ltmp11:
0xda: {  	(pc) =	sbr.rel @p2 .LBB2_12-.Ltmp11, $2  }
0xdb: {  	_ =	sdelay $0x2  }
0xdc: {  	v1 =	vld [tilespmem:$0x14000]  }
0xdd: {  	v2 =	vld [tilespmem:$0x14010]  }
0xde: {  	v3 =	vld [tilespmem:$0x14020]  }
0xdf: {  	v4 =	vld [tilespmem:$0x14030]  }
0xe0: {  	v5 =	vld [tilespmem:$0x14040]  }
0xe1: {  	v6 =	vld [tilespmem:$0x14050];
	vm0 =	vlt.s32 v1, $0x13C0  }
0xe2: {  	v7 =	vld [tilespmem:$0x14060];
	v1 =	vnsel vm0, $0x13C0, v1;
	vm9 =	vlt.s32 v2, $0x13C0  }
0xe3: {  	vm10 =	vlt.s32 v3, $0x13C0;
	[tilespmem:$0x14000] =	vst v1;
	v1 =	vnsel vm9, $0x13C0, v2;
	v2 =	vld [tilespmem:$0x14070]  }
0xe4: {  	vm11 =	vlt.s32 v4, $0x13C0;
	[tilespmem:$0x14010] =	vst v1;
	v1 =	vnsel vm10, $0x13C0, v3;
	v3 =	vld [tilespmem:$0x14080]  }
0xe5: {  	v56 =	vld [tilespmem:$0x14090];
	vm12 =	vlt.s32 v5, $0x13C0;
	[tilespmem:$0x14020] =	vst v1;
	v1 =	vnsel vm11, $0x13C0, v4  }
0xe6: {  	v57 =	vld [tilespmem:$0x140A0];
	vm13 =	vlt.s32 v6, $0x13C0;
	[tilespmem:$0x14030] =	vst v1;
	v1 =	vnsel vm12, $0x13C0, v5  }
0xe7: {  	v58 =	vld [tilespmem:$0x140B0];
	vm14 =	vlt.s32 v7, $0x13C0;
	[tilespmem:$0x14040] =	vst v1;
	v1 =	vnsel vm13, $0x13C0, v6  }
0xe8: {  	v59 =	vld [tilespmem:$0x140C0];
	[tilespmem:$0x14050] =	vst v1;
	v1 =	vnsel vm14, $0x13C0, v7;
	vm15 =	vlt.s32 v2, $0x13C0  }
0xe9: {  	[tilespmem:$0x14060] =	vst v1;
	v1 =	vnsel vm15, $0x13C0, v2;
	vm4 =	vlt.s32 v3, $0x13C0;
	v2 =	vld [tilespmem:$0x140D0]  }
0xea: {  	vm5 =	vlt.s32 v56, $0x13C0;
	[tilespmem:$0x14070] =	vst v1;
	v1 =	vnsel vm4, $0x13C0, v3;
	v3 =	vld [tilespmem:$0x140E0]  }
0xeb: {  	v60 =	vld [tilespmem:$0x140F0];
	vm6 =	vlt.s32 v57, $0x13C0;
	[tilespmem:$0x14080] =	vst v1;
	v1 =	vnsel vm5, $0x13C0, v56  }
0xec: {  	v61 =	vld [tilespmem:$0x14100];
	vm7 =	vlt.s32 v58, $0x13C0;
	[tilespmem:$0x14090] =	vst v1;
	v1 =	vnsel vm6, $0x13C0, v57  }
0xed: {  	v62 =	vld [tilespmem:$0x14110];
	vm8 =	vlt.s32 v59, $0x13C0;
	[tilespmem:$0x140A0] =	vst v1;
	v1 =	vnsel vm7, $0x13C0, v58  }
0xee: {  	v63 =	vld [tilespmem:$0x14120];
	[tilespmem:$0x140B0] =	vst v1;
	v1 =	vnsel vm8, $0x13C0, v59;
	vm9 =	vlt.s32 v2, $0x13C0  }
0xef: {  	[tilespmem:$0x140C0] =	vst v1;
	v1 =	vnsel vm9, $0x13C0, v2;
	vm10 =	vlt.s32 v3, $0x13C0;
	v2 =	vld [tilespmem:$0x14130]  }
0xf0: {  	vm11 =	vlt.s32 v60, $0x13C0;
	[tilespmem:$0x140D0] =	vst v1;
	v1 =	vnsel vm10, $0x13C0, v3  }
.Ltmp12:
0xf1: {  	vm12 =	vlt.s32 v61, $0x13C0;
	[tilespmem:$0x140E0] =	vst v1;
	v1 =	vnsel vm11, $0x13C0, v60;
	(pc) =	sbr.rel .LBB2_13-.Ltmp12, $4  }
0xf2: {  	vm13 =	vlt.s32 v62, $0x13C0;
	[tilespmem:$0x140F0] =	vst v1;
	v1 =	vnsel vm12, $0x13C0, v61  }
0xf3: {  	vm14 =	vlt.s32 v63, $0x13C0;
	[tilespmem:$0x14100] =	vst v1;
	v1 =	vnsel vm13, $0x13C0, v62  }
0xf4: {  	[tilespmem:$0x14110] =	vst v1;
	v1 =	vnsel vm14, $0x13C0, v63;
	vm15 =	vlt.s32 v2, $0x13C0  }
0xf5: {  	[tilespmem:$0x14120] =	vst v1;
	v1 =	vnsel vm15, $0x13C0, v2  }
.LBB2_12:
0xf6: {  	v2 =	vld [tilespmem:$0x14010]  }
0xf7: {  	v3 =	vld [tilespmem:$0x14020]  }
0xf8: {  	v4 =	vld [tilespmem:$0x14030]  }
0xf9: {  	v5 =	vld [tilespmem:$0x14040]  }
0xfa: {  	v6 =	vld [tilespmem:$0x14050];
	vm0 =	vlt.s32 v1, $0x0  }
0xfb: {  	v7 =	vld [tilespmem:$0x14060];
	v1 =	vsel vm0, $0x1350, v1;
	vm9 =	vlt.s32 v2, $0x0  }
0xfc: {  	vm10 =	vlt.s32 v3, $0x0;
	[tilespmem:$0x14000] =	vst v1;
	v1 =	vsel vm9, $0x1350, v2;
	v2 =	vld [tilespmem:$0x14070]  }
0xfd: {  	vm11 =	vlt.s32 v4, $0x0;
	[tilespmem:$0x14010] =	vst v1;
	v1 =	vsel vm10, $0x1350, v3;
	v3 =	vld [tilespmem:$0x14080]  }
0xfe: {  	v56 =	vld [tilespmem:$0x14090];
	vm12 =	vlt.s32 v5, $0x0;
	[tilespmem:$0x14020] =	vst v1;
	v1 =	vsel vm11, $0x1350, v4  }
0xff: {  	v57 =	vld [tilespmem:$0x140A0];
	vm13 =	vlt.s32 v6, $0x0;
	[tilespmem:$0x14030] =	vst v1;
	v1 =	vsel vm12, $0x1350, v5  }
0x100: {  	v58 =	vld [tilespmem:$0x140B0];
	vm14 =	vlt.s32 v7, $0x0;
	[tilespmem:$0x14040] =	vst v1;
	v1 =	vsel vm13, $0x1350, v6  }
0x101: {  	v59 =	vld [tilespmem:$0x140C0];
	[tilespmem:$0x14050] =	vst v1;
	v1 =	vsel vm14, $0x1350, v7;
	vm15 =	vlt.s32 v2, $0x0  }
0x102: {  	[tilespmem:$0x14060] =	vst v1;
	v1 =	vsel vm15, $0x1350, v2;
	vm4 =	vlt.s32 v3, $0x0;
	v2 =	vld [tilespmem:$0x140D0]  }
0x103: {  	vm5 =	vlt.s32 v56, $0x0;
	[tilespmem:$0x14070] =	vst v1;
	v1 =	vsel vm4, $0x1350, v3;
	v3 =	vld [tilespmem:$0x140E0]  }
0x104: {  	v60 =	vld [tilespmem:$0x140F0];
	vm6 =	vlt.s32 v57, $0x0;
	[tilespmem:$0x14080] =	vst v1;
	v1 =	vsel vm5, $0x1350, v56  }
0x105: {  	v61 =	vld [tilespmem:$0x14100];
	vm7 =	vlt.s32 v58, $0x0;
	[tilespmem:$0x14090] =	vst v1;
	v1 =	vsel vm6, $0x1350, v57  }
0x106: {  	v62 =	vld [tilespmem:$0x14110];
	vm8 =	vlt.s32 v59, $0x0;
	[tilespmem:$0x140A0] =	vst v1;
	v1 =	vsel vm7, $0x1350, v58  }
0x107: {  	v63 =	vld [tilespmem:$0x14120];
	[tilespmem:$0x140B0] =	vst v1;
	v1 =	vsel vm8, $0x1350, v59;
	vm9 =	vlt.s32 v2, $0x0  }
0x108: {  	[tilespmem:$0x140C0] =	vst v1;
	v1 =	vsel vm9, $0x1350, v2;
	vm10 =	vlt.s32 v3, $0x0;
	v2 =	vld [tilespmem:$0x14130]  }
0x109: {  	vm11 =	vlt.s32 v60, $0x0;
	[tilespmem:$0x140D0] =	vst v1;
	v1 =	vsel vm10, $0x1350, v3  }
0x10a: {  	vm12 =	vlt.s32 v61, $0x0;
	[tilespmem:$0x140E0] =	vst v1;
	v1 =	vsel vm11, $0x1350, v60  }
0x10b: {  	vm13 =	vlt.s32 v62, $0x0;
	[tilespmem:$0x140F0] =	vst v1;
	v1 =	vsel vm12, $0x1350, v61  }
0x10c: {  	vm14 =	vlt.s32 v63, $0x0;
	[tilespmem:$0x14100] =	vst v1;
	v1 =	vsel vm13, $0x1350, v62  }
0x10d: {  	[tilespmem:$0x14110] =	vst v1;
	v1 =	vsel vm14, $0x1350, v63;
	vm15 =	vlt.s32 v2, $0x0  }
0x10e: {  	[tilespmem:$0x14120] =	vst v1;
	v1 =	vsel vm15, $0x1350, v2  }
.LBB2_13:
0x10f: {  	[tilespmem:$0x14130] =	vst v1  }
.LBB2_14:
0x110: {  	[spmem:s4] =	stream.indirect.scatter.add.f32 [tilespmem:s5], [sflag:$0x6], $0x80, s28, s26, $0xb8;
	[tilespmem:$0x1FDC0] =	vst v63  }
0x111: {  	p0 =	sge.u32 s16, s10  }
0x112: {  	_ =	swait.ge [sflag:s19], $0xA000;
	s0 =	sadd.s32 @!p0 $0x2800, s15  }
0x113: {  	s13 =	simm.s32 @!p0 $0x0;
	[sflag:s19] =	ssyncset.done $0x0;
	s0 =	sshrl.u32 @!p0 s0, $0x3  }
0x114: {  	s6 =	simm.s32 @!p0 $0x14000;
	[sflag:s19] =	ssyncadd.s32 $0xFFFF6000;
	s0 =	sadd.s32 @!p0 s7, s0  }
0x115: {  	[tilespmem:s6], [sflag:$0x3] =	stream.linear.gather @!p0 [hbm4b:s0+s13], $0x140, $0x38;
	[tilespmem:$0x1FDC0] =	vst v63  }
0x116: {  	s0 =	sadd.s32 @!p0 $0x140000, s12  }
0x117: {  	s0 =	sshrl.u32 @!p0 s0, $0x3  }
0x118: {  	s0 =	sadd.s32 @!p0 s1, s0  }
0x119: {  	[tilespmem:s13], [sflag:$0x1] =	stream.linear.gather @!p0 [hbm4b:s0+s13], $0xA000, $0x38;
	[tilespmem:$0x1FDC0] =	vst v63  }
0x11a: {  	p0 =	sne.s32 s14, s9;
	_ =	swait.ge [sflag:s29], $0x140  }
.Ltmp13:
0x11b: {  	[sflag:s29] =	ssyncset.done $0x0;
	(pc) =	sbr.rel @p0 .LBB2_19-.Ltmp13, $4  }
0x11c: {  	[sflag:s29] =	ssyncadd.s32 $0xFFFFFEC0  }
0x11d: {  	_ =	swait.ge [sflag:s30], $0xA000  }
0x11e: {  	[sflag:s30] =	ssyncset.done $0x0  }
0x11f: {  	[sflag:s30] =	ssyncadd.s32 $0xFFFF6000  }
.Ltmp14:
0x120: {  	(pc) =	sbr.rel @p2 .LBB2_17-.Ltmp14, $2  }
0x121: {  	_ =	sdelay $0x2  }
0x122: {  	v1 =	vld [tilespmem:$0x14180]  }
0x123: {  	v2 =	vld [tilespmem:$0x14190]  }
0x124: {  	v3 =	vld [tilespmem:$0x141A0]  }
0x125: {  	v4 =	vld [tilespmem:$0x141B0]  }
0x126: {  	v5 =	vld [tilespmem:$0x141C0]  }
0x127: {  	v6 =	vld [tilespmem:$0x141D0];
	vm0 =	vlt.s32 v1, $0x13C0  }
0x128: {  	v7 =	vld [tilespmem:$0x141E0];
	v1 =	vnsel vm0, $0x13C0, v1;
	vm9 =	vlt.s32 v2, $0x13C0  }
0x129: {  	vm10 =	vlt.s32 v3, $0x13C0;
	[tilespmem:$0x14180] =	vst v1;
	v1 =	vnsel vm9, $0x13C0, v2;
	v2 =	vld [tilespmem:$0x141F0]  }
0x12a: {  	vm11 =	vlt.s32 v4, $0x13C0;
	[tilespmem:$0x14190] =	vst v1;
	v1 =	vnsel vm10, $0x13C0, v3;
	v3 =	vld [tilespmem:$0x14200]  }
0x12b: {  	v56 =	vld [tilespmem:$0x14210];
	vm12 =	vlt.s32 v5, $0x13C0;
	[tilespmem:$0x141A0] =	vst v1;
	v1 =	vnsel vm11, $0x13C0, v4  }
0x12c: {  	v57 =	vld [tilespmem:$0x14220];
	vm13 =	vlt.s32 v6, $0x13C0;
	[tilespmem:$0x141B0] =	vst v1;
	v1 =	vnsel vm12, $0x13C0, v5  }
0x12d: {  	v58 =	vld [tilespmem:$0x14230];
	vm14 =	vlt.s32 v7, $0x13C0;
	[tilespmem:$0x141C0] =	vst v1;
	v1 =	vnsel vm13, $0x13C0, v6  }
0x12e: {  	v59 =	vld [tilespmem:$0x14240];
	[tilespmem:$0x141D0] =	vst v1;
	v1 =	vnsel vm14, $0x13C0, v7;
	vm15 =	vlt.s32 v2, $0x13C0  }
0x12f: {  	[tilespmem:$0x141E0] =	vst v1;
	v1 =	vnsel vm15, $0x13C0, v2;
	vm4 =	vlt.s32 v3, $0x13C0;
	v2 =	vld [tilespmem:$0x14250]  }
0x130: {  	vm5 =	vlt.s32 v56, $0x13C0;
	[tilespmem:$0x141F0] =	vst v1;
	v1 =	vnsel vm4, $0x13C0, v3;
	v3 =	vld [tilespmem:$0x14260]  }
0x131: {  	v60 =	vld [tilespmem:$0x14270];
	vm6 =	vlt.s32 v57, $0x13C0;
	[tilespmem:$0x14200] =	vst v1;
	v1 =	vnsel vm5, $0x13C0, v56  }
0x132: {  	v61 =	vld [tilespmem:$0x14280];
	vm7 =	vlt.s32 v58, $0x13C0;
	[tilespmem:$0x14210] =	vst v1;
	v1 =	vnsel vm6, $0x13C0, v57  }
0x133: {  	v62 =	vld [tilespmem:$0x14290];
	vm8 =	vlt.s32 v59, $0x13C0;
	[tilespmem:$0x14220] =	vst v1;
	v1 =	vnsel vm7, $0x13C0, v58  }
0x134: {  	v63 =	vld [tilespmem:$0x142A0];
	[tilespmem:$0x14230] =	vst v1;
	v1 =	vnsel vm8, $0x13C0, v59;
	vm9 =	vlt.s32 v2, $0x13C0  }
0x135: {  	[tilespmem:$0x14240] =	vst v1;
	v1 =	vnsel vm9, $0x13C0, v2;
	vm10 =	vlt.s32 v3, $0x13C0;
	v2 =	vld [tilespmem:$0x142B0]  }
0x136: {  	vm11 =	vlt.s32 v60, $0x13C0;
	[tilespmem:$0x14250] =	vst v1;
	v1 =	vnsel vm10, $0x13C0, v3  }
.Ltmp15:
0x137: {  	vm12 =	vlt.s32 v61, $0x13C0;
	[tilespmem:$0x14260] =	vst v1;
	v1 =	vnsel vm11, $0x13C0, v60;
	(pc) =	sbr.rel .LBB2_18-.Ltmp15, $4  }
0x138: {  	vm13 =	vlt.s32 v62, $0x13C0;
	[tilespmem:$0x14270] =	vst v1;
	v1 =	vnsel vm12, $0x13C0, v61  }
0x139: {  	vm14 =	vlt.s32 v63, $0x13C0;
	[tilespmem:$0x14280] =	vst v1;
	v1 =	vnsel vm13, $0x13C0, v62  }
0x13a: {  	[tilespmem:$0x14290] =	vst v1;
	v1 =	vnsel vm14, $0x13C0, v63;
	vm15 =	vlt.s32 v2, $0x13C0  }
0x13b: {  	[tilespmem:$0x142A0] =	vst v1;
	v1 =	vnsel vm15, $0x13C0, v2  }
.LBB2_20:
0x13c: {  	p0 =	seq.s32 s2, $0x0  }
.Ltmp16:
0x13d: {  	_ = 	snop;
	(pc) =	sbr.rel @p0 .LBB2_27-.Ltmp16, $2  }
0x13e: {  	_ =	sdelay $0x2  }
0x13f: {  	s13 =	stileid.u32;
	s6 =	smov.u32 s11;
	s11 =	rddreg [dreg:$0xa]  }
0x140: {  	_ =	swait.ge [sflag:s25], $0x140  }
0x141: {  	s2 =	rddreg [dreg:$0x9]  }
0x142: {  	s0 =	sshll.u32 s10, $0x4;
	s2 =	sadd.s32 s3, s2  }
0x143: {  	s0 =	sadd.s32 s0, s2  }
0x144: {  	p0 =	sne.s32 s0, s18  }
.Ltmp17:
0x145: {  	[sflag:s25] =	ssyncset.done $0x0;
	(pc) =	sbr.rel @p0 .LBB2_26-.Ltmp17, $4  }
0x146: {  	[sflag:s25] =	ssyncadd.s32 $0xFFFFFEC0  }
0x147: {  	_ =	swait.ge [sflag:s20], $0xA000  }
0x148: {  	[sflag:s20] =	ssyncset.done $0x0  }
0x149: {  	[sflag:s20] =	ssyncadd.s32 $0xFFFF6000  }
.Ltmp18:
0x14a: {  	(pc) =	sbr.rel @p2 .LBB2_24-.Ltmp18, $2  }
0x14b: {  	_ =	sdelay $0x2  }
0x14c: {  	v1 =	vld [tilespmem:$0x14000]  }
0x14d: {  	v2 =	vld [tilespmem:$0x14010]  }
0x14e: {  	v3 =	vld [tilespmem:$0x14020]  }
0x14f: {  	v4 =	vld [tilespmem:$0x14030]  }
0x150: {  	v5 =	vld [tilespmem:$0x14040]  }
0x151: {  	v6 =	vld [tilespmem:$0x14050];
	vm0 =	vlt.s32 v1, $0x13C0  }
0x152: {  	v7 =	vld [tilespmem:$0x14060];
	v1 =	vnsel vm0, $0x13C0, v1;
	vm9 =	vlt.s32 v2, $0x13C0  }
0x153: {  	vm10 =	vlt.s32 v3, $0x13C0;
	[tilespmem:$0x14000] =	vst v1;
	v1 =	vnsel vm9, $0x13C0, v2;
	v2 =	vld [tilespmem:$0x14070]  }
0x154: {  	vm11 =	vlt.s32 v4, $0x13C0;
	[tilespmem:$0x14010] =	vst v1;
	v1 =	vnsel vm10, $0x13C0, v3;
	v3 =	vld [tilespmem:$0x14080]  }
0x155: {  	v56 =	vld [tilespmem:$0x14090];
	vm12 =	vlt.s32 v5, $0x13C0;
	[tilespmem:$0x14020] =	vst v1;
	v1 =	vnsel vm11, $0x13C0, v4  }
0x156: {  	v57 =	vld [tilespmem:$0x140A0];
	vm13 =	vlt.s32 v6, $0x13C0;
	[tilespmem:$0x14030] =	vst v1;
	v1 =	vnsel vm12, $0x13C0, v5  }
0x157: {  	v58 =	vld [tilespmem:$0x140B0];
	vm14 =	vlt.s32 v7, $0x13C0;
	[tilespmem:$0x14040] =	vst v1;
	v1 =	vnsel vm13, $0x13C0, v6  }
0x158: {  	v59 =	vld [tilespmem:$0x140C0];
	[tilespmem:$0x14050] =	vst v1;
	v1 =	vnsel vm14, $0x13C0, v7;
	vm15 =	vlt.s32 v2, $0x13C0  }
0x159: {  	[tilespmem:$0x14060] =	vst v1;
	v1 =	vnsel vm15, $0x13C0, v2;
	vm4 =	vlt.s32 v3, $0x13C0;
	v2 =	vld [tilespmem:$0x140D0]  }
0x15a: {  	vm5 =	vlt.s32 v56, $0x13C0;
	[tilespmem:$0x14070] =	vst v1;
	v1 =	vnsel vm4, $0x13C0, v3;
	v3 =	vld [tilespmem:$0x140E0]  }
0x15b: {  	v60 =	vld [tilespmem:$0x140F0];
	vm6 =	vlt.s32 v57, $0x13C0;
	[tilespmem:$0x14080] =	vst v1;
	v1 =	vnsel vm5, $0x13C0, v56  }
0x15c: {  	v61 =	vld [tilespmem:$0x14100];
	vm7 =	vlt.s32 v58, $0x13C0;
	[tilespmem:$0x14090] =	vst v1;
	v1 =	vnsel vm6, $0x13C0, v57  }
0x15d: {  	v62 =	vld [tilespmem:$0x14110];
	vm8 =	vlt.s32 v59, $0x13C0;
	[tilespmem:$0x140A0] =	vst v1;
	v1 =	vnsel vm7, $0x13C0, v58  }
0x15e: {  	v63 =	vld [tilespmem:$0x14120];
	[tilespmem:$0x140B0] =	vst v1;
	v1 =	vnsel vm8, $0x13C0, v59;
	vm9 =	vlt.s32 v2, $0x13C0  }
0x15f: {  	[tilespmem:$0x140C0] =	vst v1;
	v1 =	vnsel vm9, $0x13C0, v2;
	vm10 =	vlt.s32 v3, $0x13C0;
	v2 =	vld [tilespmem:$0x14130]  }
0x160: {  	vm11 =	vlt.s32 v60, $0x13C0;
	[tilespmem:$0x140D0] =	vst v1;
	v1 =	vnsel vm10, $0x13C0, v3  }
.Ltmp19:
0x161: {  	vm12 =	vlt.s32 v61, $0x13C0;
	[tilespmem:$0x140E0] =	vst v1;
	v1 =	vnsel vm11, $0x13C0, v60;
	(pc) =	sbr.rel .LBB2_25-.Ltmp19, $4  }
0x162: {  	vm13 =	vlt.s32 v62, $0x13C0;
	[tilespmem:$0x140F0] =	vst v1;
	v1 =	vnsel vm12, $0x13C0, v61  }
0x163: {  	vm14 =	vlt.s32 v63, $0x13C0;
	[tilespmem:$0x14100] =	vst v1;
	v1 =	vnsel vm13, $0x13C0, v62  }
0x164: {  	[tilespmem:$0x14110] =	vst v1;
	v1 =	vnsel vm14, $0x13C0, v63;
	vm15 =	vlt.s32 v2, $0x13C0  }
0x165: {  	[tilespmem:$0x14120] =	vst v1;
	v1 =	vnsel vm15, $0x13C0, v2  }
.LBB2_28:
0x166: {  	_ =	sfence.sel $0x180000  }
0x167: {  	[bflag:$0x0] =	sbarrier.arrive $0xFFFF  }
0x168: {  	_ =	strace $0x90000047  }
0x169: {  	[bflag:$0x2] =	sbarrier.arrive $0xFFFF  }
0x16a: {  	p0 =	sne.s32 s13, $0x0;
	s0 =	rddreg [dreg:$0x5]  }
0x16b: {  	s0 =	sadd.s32 @!p0 $0x100000, s0  }
0x16c: {  	[sflag:s0] =	ssyncadd.tile.s32 @!p0 $0x1;
	_ =	shalt  }
.Lfunc_end2:
_tile_overlayer_lowered:
.L_overlay_start_2:
0x16d: {  	(tag) =	ssettag $0x2  }
0x16e: {  	s0 =	rddreg [dreg:$0x0];
	s2 =	stileid.u32  }
0x16f: {  	s1 =	rddreg [dreg:$0x1];
	p0 =	sne.s32 s2, $0x0  }
0x170: {  	s3 =	rddreg [dreg:$0x2];
	[bflag:$0x3] =	sbarrier.arrive $0xFFFF;
	s2 =	simm.s32 @!p0 $0x1C06  }
0x171: {  	[timem:s3], [sflag:s2] =	dma.local @!p0 [hbm:s0], s1  }
0x172: {  	s0 =	simm.s32 @!p0 $0x6  }
0x173: {  	_ =	swait.ge @!p0 [sflag:s0], s1  }
0x174: {  	s1 =	ssub.s32 @!p0 $0x0, s1;
	[sflag:s0] =	ssyncset.done @!p0 $0x0  }
0x175: {  	[sflag:s0] =	ssyncadd.s32 @!p0 s1  }
0x176: {  	[bflag:$0x3] =	sbarrier.arrive $0xFFFF  }
0x177: {  	_ =	shalt  }

</sc_bundles>
